<compile_context>
chip_gen: v7x
topology: tpu7x:2x2x1
jax: 0.10.2.dev20260603
libtpu: 0.0.44.dev20260713+nightly
codegen_flags: <defaults>
</compile_context>

<pallas_src>
import functools

import jax
import jax.numpy as jnp
from jax import lax
from jax.experimental import pallas as pl
from jax.experimental.pallas import tpu as pltpu
from jax.experimental.pallas import tpu_sc as plsc

N = 10000
E = 320000
D_IN = 128
D_H = 128
D_OUT = 64
EPS = 1e-5

NSC = 2
NTILE = 16
NW = NSC * NTILE
EPW = E // NW
EB = 128
NBF = EPW // EB
ETAIL = EPW - NBF * EB
RA = 624
TAIL = N - NTILE * RA



def _zero_acc(z_hbm, acc, s):
    pltpu.sync_copy(z_hbm.at[pl.ds(s * RA, RA)], acc.at[pl.ds(s * RA, RA)])

    @pl.when(s == NTILE - 1)
    def _zero_tail():
        pltpu.sync_copy(z_hbm.at[pl.ds(NTILE * RA, TAIL)],
                        acc.at[pl.ds(NTILE * RA, TAIL)])


def _copy_out(acc, out_hbm, c, s):
    row0 = c * N + s * RA
    pltpu.sync_copy(acc.at[pl.ds(s * RA, RA)], out_hbm.at[pl.ds(row0, RA)])

    @pl.when(s == NTILE - 1)
    def _copy_tail():
        pltpu.sync_copy(acc.at[pl.ds(NTILE * RA, TAIL)],
                        out_hbm.at[pl.ds(c * N + NTILE * RA, TAIL)])


def _seg_partials(y, src, dst, zeros):
    D = y.shape[1]
    mesh = plsc.VectorSubcoreMesh(core_axis_name="c", subcore_axis_name="s")

    @functools.partial(
        pl.kernel, mesh=mesh,
        out_type=jax.ShapeDtypeStruct((2 * N, D), jnp.float32),
        scratch_types=[
            pltpu.VMEM((EB,), jnp.int32),
            pltpu.VMEM((EB,), jnp.int32),
            pltpu.VMEM((EB,), jnp.int32),
            pltpu.VMEM((EB,), jnp.int32),
            pltpu.VMEM((ETAIL,), jnp.int32),
            pltpu.VMEM((ETAIL,), jnp.int32),
            pltpu.VMEM((EB, D), jnp.float32),
            pltpu.VMEM((EB, D), jnp.float32),
            pltpu.VMEM_SHARED((N, D), jnp.float32),
            pltpu.SemaphoreType.DMA,
            pltpu.SemaphoreType.DMA,
            pltpu.SemaphoreType.DMA,
            pltpu.SemaphoreType.DMA,
        ])
    def k(y_hbm, src_hbm, dst_hbm, z_hbm, out_hbm, src0, dst0, src1, dst1,
          srcT, dstT, rows0, rows1, acc, gsem0, gsem1, ssem0, ssem1):
        c = lax.axis_index("c")
        s = lax.axis_index("s")
        base = (c * NTILE + s) * EPW

        _zero_acc(z_hbm, acc, s)
        plsc.subcore_barrier()

        def load_idx(i, sv, dv):
            off = pl.multiple_of(base + i * EB, 8)
            pltpu.sync_copy(src_hbm.at[pl.ds(off, EB)], sv)
            pltpu.sync_copy(dst_hbm.at[pl.ds(off, EB)], dv)

        def gather(sv, rows, sem):
            pltpu.async_copy(y_hbm.at[sv], rows, sem)

        def gwait(rows, sem):
            pltpu.make_async_copy(y_hbm.at[pl.ds(0, EB)], rows, sem).wait()

        def sfire(rows, dv, sem):
            pltpu.async_copy(rows, acc.at[dv], sem, add=True)

        def sdrain(rows, dv, sem):
            pltpu.make_async_copy(rows, acc.at[dv], sem).wait()

        load_idx(0, src0, dst0)
        gather(src0, rows0, gsem0)
        load_idx(1, src1, dst1)
        gather(src1, rows1, gsem1)

        def pair(kk, carry):
            gwait(rows0, gsem0)
            sfire(rows0, dst0, ssem0)
            gwait(rows1, gsem1)
            sfire(rows1, dst1, ssem1)
            sdrain(rows0, dst0, ssem0)

            @pl.when(2 * kk + 2 < NBF)
            def _():
                load_idx(2 * kk + 2, src0, dst0)
                gather(src0, rows0, gsem0)
            sdrain(rows1, dst1, ssem1)

            @pl.when(2 * kk + 3 < NBF)
            def _():
                load_idx(2 * kk + 3, src1, dst1)
                gather(src1, rows1, gsem1)
            return carry
        lax.fori_loop(0, NBF // 2, pair, 0)

        offT = pl.multiple_of(base + NBF * EB, 8)
        pltpu.sync_copy(src_hbm.at[pl.ds(offT, ETAIL)], srcT)
        pltpu.sync_copy(dst_hbm.at[pl.ds(offT, ETAIL)], dstT)
        pltpu.async_copy(y_hbm.at[srcT], rows0.at[pl.ds(0, ETAIL)],
                         gsem0).wait()
        pltpu.sync_copy(rows0.at[pl.ds(0, ETAIL)], acc.at[dstT], add=True)

        plsc.subcore_barrier()
        _copy_out(acc, out_hbm, c, s)

    return k(y, src, dst, zeros)


def _deg_partials(dst, zeros, ones):
    mesh = plsc.VectorSubcoreMesh(core_axis_name="c", subcore_axis_name="s")

    @functools.partial(
        pl.kernel, mesh=mesh,
        out_type=jax.ShapeDtypeStruct((2 * N, 128), jnp.float32),
        scratch_types=[
            pltpu.VMEM((EB,), jnp.int32),
            pltpu.VMEM((EB,), jnp.int32),
            pltpu.VMEM((ETAIL,), jnp.int32),
            pltpu.VMEM((EB, 128), jnp.float32),
            pltpu.VMEM_SHARED((N, 128), jnp.float32),
            pltpu.SemaphoreType.DMA,
            pltpu.SemaphoreType.DMA,
        ])
    def k(dst_hbm, z_hbm, ones_hbm, deg_hbm, dst0, dst1, dstT, onesv,
          dacc, ssem0, ssem1):
        c = lax.axis_index("c")
        s = lax.axis_index("s")
        base = (c * NTILE + s) * EPW

        pltpu.sync_copy(ones_hbm, onesv)
        _zero_acc(z_hbm, dacc, s)
        plsc.subcore_barrier()

        def load_idx(i, dv):
            off = pl.multiple_of(base + i * EB, 8)
            pltpu.sync_copy(dst_hbm.at[pl.ds(off, EB)], dv)

        def sfire(dv, sem):
            pltpu.async_copy(onesv, dacc.at[dv], sem, add=True)

        def sdrain(dv, sem):
            pltpu.make_async_copy(onesv, dacc.at[dv], sem).wait()

        load_idx(0, dst0)
        load_idx(1, dst1)

        def pair(kk, carry):
            sfire(dst0, ssem0)
            sfire(dst1, ssem1)
            sdrain(dst0, ssem0)

            @pl.when(2 * kk + 2 < NBF)
            def _():
                load_idx(2 * kk + 2, dst0)
            sdrain(dst1, ssem1)

            @pl.when(2 * kk + 3 < NBF)
            def _():
                load_idx(2 * kk + 3, dst1)
            return carry
        lax.fori_loop(0, NBF // 2, pair, 0)

        offT = pl.multiple_of(base + NBF * EB, 8)
        pltpu.sync_copy(dst_hbm.at[pl.ds(offT, ETAIL)], dstT)
        pltpu.sync_copy(onesv.at[pl.ds(0, ETAIL)], dacc.at[dstT], add=True)

        plsc.subcore_barrier()
        _copy_out(dacc, deg_hbm, c, s)

    return k(dst, zeros, ones)



_BN = 1000


def _ln_relu(s, g, be):
    mu = jnp.mean(s, axis=-1, keepdims=True)
    var = jnp.mean((s - mu) ** 2, axis=-1, keepdims=True)
    h = (s - mu) / jnp.sqrt(var + EPS) * g + be
    return jnp.maximum(h, 0.0)


def _tc_layer1(aggp, degp, x, b, g, be, Wl, Wr):

    def body(agg_ref, dg_ref, x_ref, b_ref, g_ref, be_ref, wl_ref, wr_ref,
             h_ref, degc_ref):
        deg = dg_ref[0, :, 0:1] + dg_ref[1, :, 0:1]
        degc = jnp.maximum(deg, 1.0)
        degc_ref[...] = degc
        agg = (agg_ref[0] + agg_ref[1]) / degc
        s = (jnp.dot(agg, wl_ref[...], preferred_element_type=jnp.float32)
             + jnp.dot(x_ref[...], wr_ref[...],
                       preferred_element_type=jnp.float32) + b_ref[...])
        h_ref[...] = _ln_relu(s, g_ref[...], be_ref[...])

    return pl.pallas_call(
        body,
        grid=(N // _BN,),
        in_specs=[
            pl.BlockSpec((2, _BN, D_IN), lambda i: (0, i, 0)),
            pl.BlockSpec((2, _BN, 128), lambda i: (0, i, 0)),
            pl.BlockSpec((_BN, D_IN), lambda i: (i, 0)),
            pl.BlockSpec((1, D_H), lambda i: (0, 0)),
            pl.BlockSpec((1, D_H), lambda i: (0, 0)),
            pl.BlockSpec((1, D_H), lambda i: (0, 0)),
            pl.BlockSpec((D_IN, D_H), lambda i: (0, 0)),
            pl.BlockSpec((D_IN, D_H), lambda i: (0, 0)),
        ],
        out_specs=[
            pl.BlockSpec((_BN, D_H), lambda i: (i, 0)),
            pl.BlockSpec((_BN, 1), lambda i: (i, 0)),
        ],
        out_shape=[
            jax.ShapeDtypeStruct((N, D_H), jnp.float32),
            jax.ShapeDtypeStruct((N, 1), jnp.float32),
        ],
    )(aggp, degp, x, b, g, be, Wl, Wr)


def _tc_layer2(aggp, degc, hprev, b, g, be, Wl, Wr):

    def body(agg_ref, dc_ref, h_ref, b_ref, g_ref, be_ref, wl_ref, wr_ref,
             out_ref):
        agg = (agg_ref[0] + agg_ref[1]) / dc_ref[...]
        s = (jnp.dot(agg, wl_ref[...], preferred_element_type=jnp.float32)
             + jnp.dot(h_ref[...], wr_ref[...],
                       preferred_element_type=jnp.float32) + b_ref[...])
        out_ref[...] = _ln_relu(s, g_ref[...], be_ref[...])

    return pl.pallas_call(
        body,
        grid=(N // _BN,),
        in_specs=[
            pl.BlockSpec((2, _BN, D_H), lambda i: (0, i, 0)),
            pl.BlockSpec((_BN, 1), lambda i: (i, 0)),
            pl.BlockSpec((_BN, D_H), lambda i: (i, 0)),
            pl.BlockSpec((1, D_H), lambda i: (0, 0)),
            pl.BlockSpec((1, D_H), lambda i: (0, 0)),
            pl.BlockSpec((1, D_H), lambda i: (0, 0)),
            pl.BlockSpec((D_H, D_H), lambda i: (0, 0)),
            pl.BlockSpec((D_H, D_H), lambda i: (0, 0)),
        ],
        out_specs=pl.BlockSpec((_BN, D_H), lambda i: (i, 0)),
        out_shape=jax.ShapeDtypeStruct((N, D_H), jnp.float32),
    )(aggp, degc, hprev, b, g, be, Wl, Wr)


def _tc_fin(aggp, degc, hprev, b, g, be, Wl, Wr, Wc1a, Wc1b, bc1, Wc2p,
            bc2p):
    G = N // _BN

    def body(agg_ref, dc_ref, h_ref, b_ref, g_ref, be_ref, wl_ref, wr_ref,
             wa_ref, wb_ref, bc1_ref, w2_ref, bc2_ref, out_ref, sum_s,
             max_s):
        i = pl.program_id(0)
        agg = (agg_ref[0] + agg_ref[1]) / dc_ref[...]
        s = (jnp.dot(agg, wl_ref[...], preferred_element_type=jnp.float32)
             + jnp.dot(h_ref[...], wr_ref[...],
                       preferred_element_type=jnp.float32) + b_ref[...])
        h = _ln_relu(s, g_ref[...], be_ref[...])
        ps = jnp.sum(h, axis=0, keepdims=True)
        pm = jnp.max(h, axis=0, keepdims=True)

        @pl.when(i == 0)
        def _():
            sum_s[...] = ps
            max_s[...] = pm

        @pl.when(i > 0)
        def _():
            sum_s[...] += ps
            max_s[...] = jnp.maximum(max_s[...], pm)

        @pl.when(i == G - 1)
        def _():
            zmean = sum_s[...] * (1.0 / N)
            zmax = max_s[...]
            zz = (jnp.dot(zmean, wa_ref[...],
                          preferred_element_type=jnp.float32)
                  + jnp.dot(zmax, wb_ref[...],
                            preferred_element_type=jnp.float32)
                  + bc1_ref[...])
            zz = jnp.maximum(zz, 0.0)
            out_ref[...] = (jnp.dot(zz, w2_ref[...],
                                    preferred_element_type=jnp.float32)
                            + bc2_ref[...])

    return pl.pallas_call(
        body,
        grid=(G,),
        in_specs=[
            pl.BlockSpec((2, _BN, D_H), lambda i: (0, i, 0)),
            pl.BlockSpec((_BN, 1), lambda i: (i, 0)),
            pl.BlockSpec((_BN, D_H), lambda i: (i, 0)),
            pl.BlockSpec((1, D_OUT), lambda i: (0, 0)),
            pl.BlockSpec((1, D_OUT), lambda i: (0, 0)),
            pl.BlockSpec((1, D_OUT), lambda i: (0, 0)),
            pl.BlockSpec((D_H, D_OUT), lambda i: (0, 0)),
            pl.BlockSpec((D_H, D_OUT), lambda i: (0, 0)),
            pl.BlockSpec((D_OUT, D_H), lambda i: (0, 0)),
            pl.BlockSpec((D_OUT, D_H), lambda i: (0, 0)),
            pl.BlockSpec((1, D_H), lambda i: (0, 0)),
            pl.BlockSpec((D_H, 128), lambda i: (0, 0)),
            pl.BlockSpec((1, 128), lambda i: (0, 0)),
        ],
        out_specs=pl.BlockSpec((1, 128), lambda i: (0, 0)),
        out_shape=jax.ShapeDtypeStruct((1, 128), jnp.float32),
        scratch_shapes=[
            pltpu.VMEM((1, D_OUT), jnp.float32),
            pltpu.VMEM((1, D_OUT), jnp.float32),
        ],
    )(aggp, degc, hprev, b, g, be, Wl, Wr, Wc1a, Wc1b, bc1, Wc2p, bc2p)



def kernel(x, edge_index, Wl1, Wr1, b1, g1, be1, Wl2, Wr2, b2, g2, be2,
           Wl3, Wr3, b3, g3, be3, Wc1, bc1, Wc2, bc2):
    src = edge_index[0]
    dst = edge_index[1]
    row = lambda v: v.reshape(1, -1)
    zeros = jnp.zeros((N, 128), jnp.float32)
    ones = jnp.ones((EB, 128), jnp.float32)

    degp = _deg_partials(dst, zeros, ones)
    agg1 = _seg_partials(x, src, dst, zeros)
    h1, degc = _tc_layer1(agg1.reshape(2, N, D_IN), degp.reshape(2, N, 128),
                          x, row(b1), row(g1), row(be1), Wl1, Wr1)

    agg2 = _seg_partials(h1, src, dst, zeros)
    h2 = _tc_layer2(agg2.reshape(2, N, D_H), degc, h1,
                    row(b2), row(g2), row(be2), Wl2, Wr2)

    agg3 = _seg_partials(h2, src, dst, zeros)
    Wc1a = Wc1[:D_OUT]
    Wc1b = Wc1[D_OUT:]
    Wc2p = jnp.zeros((D_H, 128), jnp.float32).at[:, :Wc2.shape[1]].set(Wc2)
    bc2p = jnp.zeros((1, 128), jnp.float32).at[:, :Wc2.shape[1]].set(bc2)
    outp = _tc_fin(agg3.reshape(2, N, D_H), degc, h2,
                   row(b3), row(g3), row(be3), Wl3, Wr3,
                   Wc1a, Wc1b, row(bc1), Wc2p, bc2p)
    return outp[:, :Wc2.shape[1]]

# --- scband reference (transcript-rebuilt; emitter-appended) ---
"""Pipeline reference for scband-graph-sage-36026185678961 (READ-ONLY COPY).

The authoritative reference and input builder live on the scoring server;
editing this copy changes nothing except your own understanding.
"""

import jax, jax.numpy as jnp
import numpy as np

N = 10000
E = 320000
D_IN = 128
D_H = 128
D_OUT = 64
NC = 2
EPS = 1e-5


def setup_inputs(seed: int = 0) -> dict:
    key = jax.random.key(seed)
    ks = jax.random.split(key, 24)
    inp = {}
    inp['x'] = jax.random.normal(ks[0], (N, D_IN), dtype=jnp.float32)
    inp['edge_index'] = jax.random.randint(ks[1], (2, E), 0, N, dtype=jnp.int32)
    # SAGEConv layer 1: in -> hidden
    inp['Wl1'] = jax.random.normal(ks[2], (D_IN, D_H), dtype=jnp.float32) * 0.05
    inp['Wr1'] = jax.random.normal(ks[3], (D_IN, D_H), dtype=jnp.float32) * 0.05
    inp['b1'] = jnp.zeros((D_H,), dtype=jnp.float32)
    inp['g1'] = jnp.ones((D_H,), dtype=jnp.float32)
    inp['be1'] = jnp.zeros((D_H,), dtype=jnp.float32)
    # SAGEConv layer 2: hidden -> hidden
    inp['Wl2'] = jax.random.normal(ks[4], (D_H, D_H), dtype=jnp.float32) * 0.05
    inp['Wr2'] = jax.random.normal(ks[5], (D_H, D_H), dtype=jnp.float32) * 0.05
    inp['b2'] = jnp.zeros((D_H,), dtype=jnp.float32)
    inp['g2'] = jnp.ones((D_H,), dtype=jnp.float32)
    inp['be2'] = jnp.zeros((D_H,), dtype=jnp.float32)
    # SAGEConv layer 3: hidden -> out
    inp['Wl3'] = jax.random.normal(ks[6], (D_H, D_OUT), dtype=jnp.float32) * 0.05
    inp['Wr3'] = jax.random.normal(ks[7], (D_H, D_OUT), dtype=jnp.float32) * 0.05
    inp['b3'] = jnp.zeros((D_OUT,), dtype=jnp.float32)
    inp['g3'] = jnp.ones((D_OUT,), dtype=jnp.float32)
    inp['be3'] = jnp.zeros((D_OUT,), dtype=jnp.float32)
    # classifier: Linear(2*D_OUT, D_H) -> ReLU -> Linear(D_H, NC)
    inp['Wc1'] = jax.random.normal(ks[8], (2 * D_OUT, D_H), dtype=jnp.float32) * 0.05
    inp['bc1'] = jnp.zeros((D_H,), dtype=jnp.float32)
    inp['Wc2'] = jax.random.normal(ks[9], (D_H, NC), dtype=jnp.float32) * 0.05
    inp['bc2'] = jnp.zeros((NC,), dtype=jnp.float32)
    return inp


def _sage_conv(x, edge_index, Wl, Wr, b):
    src = edge_index[0]
    dst = edge_index[1]
    msgs = jnp.take(x, src, axis=0)
    deg = jax.ops.segment_sum(jnp.ones((edge_index.shape[1],), jnp.float32), dst, num_segments=N)
    agg = jax.ops.segment_sum(msgs, dst, num_segments=N)
    agg = agg / jnp.clip(deg, 1.0, None)[:, None]
    return agg @ Wl + x @ Wr + b


def _layer_norm(h, g, be):
    mu = jnp.mean(h, axis=-1, keepdims=True)
    var = jnp.var(h, axis=-1, keepdims=True)
    return (h - mu) / jnp.sqrt(var + EPS) * g + be


def reference(x, edge_index, Wl1, Wr1, b1, g1, be1, Wl2, Wr2, b2, g2, be2, Wl3, Wr3, b3, g3, be3, Wc1, bc1, Wc2, bc2):
    h = x
    params = [(Wl1, Wr1, b1, g1, be1), (Wl2, Wr2, b2, g2, be2), (Wl3, Wr3, b3, g3, be3)]
    for (Wl, Wr, b, g, be) in params:
        h = _sage_conv(h, edge_index, Wl, Wr, b)
        h = _layer_norm(h, g, be)
        h = jax.nn.relu(h)
        # dropout is identity in eval mode
    # batch is all zeros -> single graph pooling
    x_mean = jnp.mean(h, axis=0, keepdims=True)
    x_max = jnp.max(h, axis=0, keepdims=True)
    z = jnp.concatenate([x_mean, x_max], axis=-1)
    z = jax.nn.relu(z @ Wc1 + bc1)
    out = z @ Wc2 + bc2
    return out

if __name__ == "__main__":
    import jax
    _d = setup_inputs()
    print(jax.jit(kernel)(*tuple(_d.values())))

</pallas_src>

<mosaic_0001>
#map = affine_map<(d0, d1) -> (0, 0)>
#map1 = affine_map<(d0, d1) -> (0)>
module attributes {stable_mosaic.version = 14 : i64} {
  func.func @k(%arg0: i32, %arg1: i32, %arg2: memref<10000x128xf32, #tpu.memory_space<hbm>>, %arg3: memref<320000xi32, #tpu.memory_space<hbm>>, %arg4: memref<320000xi32, #tpu.memory_space<hbm>>, %arg5: memref<10000x128xf32, #tpu.memory_space<hbm>>, %arg6: memref<20000x128xf32, #tpu.memory_space<hbm>>, %arg7: memref<128xi32, #tpu.memory_space<vmem>>, %arg8: memref<128xi32, #tpu.memory_space<vmem>>, %arg9: memref<128xi32, #tpu.memory_space<vmem>>, %arg10: memref<128xi32, #tpu.memory_space<vmem>>, %arg11: memref<16xi32, #tpu.memory_space<vmem>>, %arg12: memref<16xi32, #tpu.memory_space<vmem>>, %arg13: memref<128x128xf32, #tpu.memory_space<vmem>>, %arg14: memref<128x128xf32, #tpu.memory_space<vmem>>, %arg15: memref<10000x128xf32, #tpu.memory_space<vmem_shared>>, %arg16: memref<!tpu.dma_semaphore, #tpu.memory_space<semaphore_mem>>, %arg17: memref<!tpu.dma_semaphore, #tpu.memory_space<semaphore_mem>>, %arg18: memref<!tpu.dma_semaphore, #tpu.memory_space<semaphore_mem>>, %arg19: memref<!tpu.dma_semaphore, #tpu.memory_space<semaphore_mem>>) attributes {dimension_semantics = [#tpu.dimension_semantics<core_parallel>, #tpu.dimension_semantics<subcore_parallel>], iteration_bounds = array<i64: 2, 16>, scalar_prefetch = 0 : i64, scratch_operands = 13 : i64, tpu.core_type = #tpu.core_type<sc_vector_subcore>, window_params = [{transform_indices = #map}, {transform_indices = #map1}, {transform_indices = #map1}, {transform_indices = #map}, {transform_indices = #map}]} {
    %mul3A = arith.constant 16 : i32
    %mul3A_0 = arith.muli %arg0, %mul3A : i32
    %add3A = arith.addi %mul3A_0, %arg1 : i32
    %mul3A_1 = arith.constant 10000 : i32
    %mul3A_2 = arith.muli %add3A, %mul3A_1 : i32
    %mul3A_3 = arith.constant 624 : i32
    %mul3A_4 = arith.muli %arg1, %mul3A_3 : i32
    %mul3A_5 = arith.constant 624 : i32
    %mul3A_6 = arith.muli %arg1, %mul3A_5 : i32
    "tpu.region"() ({
      %run_scoped3A = tpu.sem_alloc : memref<!tpu.dma_semaphore, #tpu.memory_space<semaphore_mem>>
      %dma_start3A_51 = arith.constant 0 : i32
      %dma_start3A_52 = tpu.memref_slice %arg15[%mul3A_6, %dma_start3A_51] : memref<10000x128xf32, #tpu.memory_space<vmem_shared>> -> memref<624x128xf32, #tpu.memory_space<vmem_shared>>
      %dma_start3A_53 = arith.constant 0 : i32
      %dma_start3A_54 = tpu.memref_slice %arg5[%mul3A_4, %dma_start3A_53] : memref<10000x128xf32, #tpu.memory_space<hbm>> -> memref<624x128xf32, #tpu.memory_space<hbm>>
      tpu.enqueue_dma source(%dma_start3A_54 : memref<624x128xf32, #tpu.memory_space<hbm>>) target(%dma_start3A_52 : memref<624x128xf32, #tpu.memory_space<vmem_shared>>) target_semaphore(%run_scoped3A : memref<!tpu.dma_semaphore, #tpu.memory_space<semaphore_mem>>)
      %dma_wait3A_55 = arith.constant 0 : i32
      %dma_wait3A_56 = tpu.memref_slice %arg15[%mul3A_6, %dma_wait3A_55] : memref<10000x128xf32, #tpu.memory_space<vmem_shared>> -> memref<624x128xf32, #tpu.memory_space<vmem_shared>>
      %dma_wait3A_57 = arith.constant 0 : i32
      %dma_wait3A_58 = tpu.memref_slice %arg5[%mul3A_4, %dma_wait3A_57] : memref<10000x128xf32, #tpu.memory_space<hbm>> -> memref<624x128xf32, #tpu.memory_space<hbm>>
      tpu.wait_dma2 semaphore(%run_scoped3A : memref<!tpu.dma_semaphore, #tpu.memory_space<semaphore_mem>>) src(%dma_wait3A_58 : memref<624x128xf32, #tpu.memory_space<hbm>>) dst(%dma_wait3A_56 : memref<624x128xf32, #tpu.memory_space<vmem_shared>>)
      tpu.yield
    }) : () -> ()
    %eq3A = arith.constant 15 : i32
    %eq3A_7 = arith.cmpi eq, %arg1, %eq3A : i32
    %convert_element_type3A = arith.extui %eq3A_7 : i1 to i32
    %cond3A = arith.constant 0 : i32
    %cond3A_8 = arith.cmpi ne, %convert_element_type3A, %cond3A : i32
    scf.if %cond3A_8 {
      "tpu.region"() ({
        %run_scoped3A = tpu.sem_alloc : memref<!tpu.dma_semaphore, #tpu.memory_space<semaphore_mem>>
        %dma_start3A_51 = arith.constant 9984 : i32
        %dma_start3A_52 = arith.constant 0 : i32
        %dma_start3A_53 = tpu.memref_slice %arg15[%dma_start3A_51, %dma_start3A_52] : memref<10000x128xf32, #tpu.memory_space<vmem_shared>> -> memref<16x128xf32, #tpu.memory_space<vmem_shared>>
        %dma_start3A_54 = arith.constant 9984 : i32
        %dma_start3A_55 = arith.constant 0 : i32
        %dma_start3A_56 = tpu.memref_slice %arg5[%dma_start3A_54, %dma_start3A_55] : memref<10000x128xf32, #tpu.memory_space<hbm>> -> memref<16x128xf32, #tpu.memory_space<hbm>>
        tpu.enqueue_dma source(%dma_start3A_56 : memref<16x128xf32, #tpu.memory_space<hbm>>) target(%dma_start3A_53 : memref<16x128xf32, #tpu.memory_space<vmem_shared>>) target_semaphore(%run_scoped3A : memref<!tpu.dma_semaphore, #tpu.memory_space<semaphore_mem>>)
        %dma_wait3A_57 = arith.constant 9984 : i32
        %dma_wait3A_58 = arith.constant 0 : i32
        %dma_wait3A_59 = tpu.memref_slice %arg15[%dma_wait3A_57, %dma_wait3A_58] : memref<10000x128xf32, #tpu.memory_space<vmem_shared>> -> memref<16x128xf32, #tpu.memory_space<vmem_shared>>
        %dma_wait3A_60 = arith.constant 9984 : i32
        %dma_wait3A_61 = arith.constant 0 : i32
        %dma_wait3A_62 = tpu.memref_slice %arg5[%dma_wait3A_60, %dma_wait3A_61] : memref<10000x128xf32, #tpu.memory_space<hbm>> -> memref<16x128xf32, #tpu.memory_space<hbm>>
        tpu.wait_dma2 semaphore(%run_scoped3A : memref<!tpu.dma_semaphore, #tpu.memory_space<semaphore_mem>>) src(%dma_wait3A_62 : memref<16x128xf32, #tpu.memory_space<hbm>>) dst(%dma_wait3A_59 : memref<16x128xf32, #tpu.memory_space<vmem_shared>>)
        tpu.yield
      }) : () -> ()
    } else {
    }
    %barrier3A = arith.constant 0 : index
    tpu.barrier barrier_id(%barrier3A)
    %add3A_9 = arith.constant 0 : i32
    %add3A_10 = arith.addi %mul3A_2, %add3A_9 : i32
    %multiple_of3A = tpu.assume_multiple %add3A_10, 8 : i32
    "tpu.region"() ({
      %run_scoped3A = tpu.sem_alloc : memref<!tpu.dma_semaphore, #tpu.memory_space<semaphore_mem>>
      %dma_start3A_51 = tpu.memref_slice %arg3[%multiple_of3A] : memref<320000xi32, #tpu.memory_space<hbm>> -> memref<128xi32, #tpu.memory_space<hbm>>
      %dma_start3A_52 = tpu.memref_slice %arg3[%multiple_of3A] : memref<320000xi32, #tpu.memory_space<hbm>> -> memref<128xi32, #tpu.memory_space<hbm>>
      tpu.enqueue_dma source(%dma_start3A_52 : memref<128xi32, #tpu.memory_space<hbm>>) target(%arg7 : memref<128xi32, #tpu.memory_space<vmem>>) target_semaphore(%run_scoped3A : memref<!tpu.dma_semaphore, #tpu.memory_space<semaphore_mem>>)
      %dma_wait3A_53 = tpu.memref_slice %arg3[%multiple_of3A] : memref<320000xi32, #tpu.memory_space<hbm>> -> memref<128xi32, #tpu.memory_space<hbm>>
      %dma_wait3A_54 = tpu.memref_slice %arg3[%multiple_of3A] : memref<320000xi32, #tpu.memory_space<hbm>> -> memref<128xi32, #tpu.memory_space<hbm>>
      tpu.wait_dma2 semaphore(%run_scoped3A : memref<!tpu.dma_semaphore, #tpu.memory_space<semaphore_mem>>) src(%dma_wait3A_54 : memref<128xi32, #tpu.memory_space<hbm>>) dst(%arg7 : memref<128xi32, #tpu.memory_space<vmem>>)
      tpu.yield
    }) : () -> ()
    "tpu.region"() ({
      %run_scoped3A = tpu.sem_alloc : memref<!tpu.dma_semaphore, #tpu.memory_space<semaphore_mem>>
      %dma_start3A_51 = tpu.memref_slice %arg4[%multiple_of3A] : memref<320000xi32, #tpu.memory_space<hbm>> -> memref<128xi32, #tpu.memory_space<hbm>>
      %dma_start3A_52 = tpu.memref_slice %arg4[%multiple_of3A] : memref<320000xi32, #tpu.memory_space<hbm>> -> memref<128xi32, #tpu.memory_space<hbm>>
      tpu.enqueue_dma source(%dma_start3A_52 : memref<128xi32, #tpu.memory_space<hbm>>) target(%arg8 : memref<128xi32, #tpu.memory_space<vmem>>) target_semaphore(%run_scoped3A : memref<!tpu.dma_semaphore, #tpu.memory_space<semaphore_mem>>)
      %dma_wait3A_53 = tpu.memref_slice %arg4[%multiple_of3A] : memref<320000xi32, #tpu.memory_space<hbm>> -> memref<128xi32, #tpu.memory_space<hbm>>
      %dma_wait3A_54 = tpu.memref_slice %arg4[%multiple_of3A] : memref<320000xi32, #tpu.memory_space<hbm>> -> memref<128xi32, #tpu.memory_space<hbm>>
      tpu.wait_dma2 semaphore(%run_scoped3A : memref<!tpu.dma_semaphore, #tpu.memory_space<semaphore_mem>>) src(%dma_wait3A_54 : memref<128xi32, #tpu.memory_space<hbm>>) dst(%arg8 : memref<128xi32, #tpu.memory_space<vmem>>)
      tpu.yield
    }) : () -> ()
    %dma_start3A = arith.constant 0 : i32
    %dma_start3A_11 = arith.constant 0 : i32
    %dma_start3A_12 = tpu.memref_slice %arg2[%dma_start3A, %dma_start3A_11] : memref<10000x128xf32, #tpu.memory_space<hbm>> -> memref<10000x128xf32, #tpu.memory_space<hbm>>
    tpu.enqueue_indirect_dma source(%dma_start3A_12 : memref<10000x128xf32, #tpu.memory_space<hbm>>) target(%arg13 : memref<128x128xf32, #tpu.memory_space<vmem>>) offsets(%arg7 : memref<128xi32, #tpu.memory_space<vmem>>) semaphore(%arg16 : memref<!tpu.dma_semaphore, #tpu.memory_space<semaphore_mem>>)
    %add3A_13 = arith.constant 128 : i32
    %add3A_14 = arith.addi %mul3A_2, %add3A_13 : i32
    %multiple_of3A_15 = tpu.assume_multiple %add3A_14, 8 : i32
    "tpu.region"() ({
      %run_scoped3A = tpu.sem_alloc : memref<!tpu.dma_semaphore, #tpu.memory_space<semaphore_mem>>
      %dma_start3A_51 = tpu.memref_slice %arg3[%multiple_of3A_15] : memref<320000xi32, #tpu.memory_space<hbm>> -> memref<128xi32, #tpu.memory_space<hbm>>
      %dma_start3A_52 = tpu.memref_slice %arg3[%multiple_of3A_15] : memref<320000xi32, #tpu.memory_space<hbm>> -> memref<128xi32, #tpu.memory_space<hbm>>
      tpu.enqueue_dma source(%dma_start3A_52 : memref<128xi32, #tpu.memory_space<hbm>>) target(%arg9 : memref<128xi32, #tpu.memory_space<vmem>>) target_semaphore(%run_scoped3A : memref<!tpu.dma_semaphore, #tpu.memory_space<semaphore_mem>>)
      %dma_wait3A_53 = tpu.memref_slice %arg3[%multiple_of3A_15] : memref<320000xi32, #tpu.memory_space<hbm>> -> memref<128xi32, #tpu.memory_space<hbm>>
      %dma_wait3A_54 = tpu.memref_slice %arg3[%multiple_of3A_15] : memref<320000xi32, #tpu.memory_space<hbm>> -> memref<128xi32, #tpu.memory_space<hbm>>
      tpu.wait_dma2 semaphore(%run_scoped3A : memref<!tpu.dma_semaphore, #tpu.memory_space<semaphore_mem>>) src(%dma_wait3A_54 : memref<128xi32, #tpu.memory_space<hbm>>) dst(%arg9 : memref<128xi32, #tpu.memory_space<vmem>>)
      tpu.yield
    }) : () -> ()
    "tpu.region"() ({
      %run_scoped3A = tpu.sem_alloc : memref<!tpu.dma_semaphore, #tpu.memory_space<semaphore_mem>>
      %dma_start3A_51 = tpu.memref_slice %arg4[%multiple_of3A_15] : memref<320000xi32, #tpu.memory_space<hbm>> -> memref<128xi32, #tpu.memory_space<hbm>>
      %dma_start3A_52 = tpu.memref_slice %arg4[%multiple_of3A_15] : memref<320000xi32, #tpu.memory_space<hbm>> -> memref<128xi32, #tpu.memory_space<hbm>>
      tpu.enqueue_dma source(%dma_start3A_52 : memref<128xi32, #tpu.memory_space<hbm>>) target(%arg10 : memref<128xi32, #tpu.memory_space<vmem>>) target_semaphore(%run_scoped3A : memref<!tpu.dma_semaphore, #tpu.memory_space<semaphore_mem>>)
      %dma_wait3A_53 = tpu.memref_slice %arg4[%multiple_of3A_15] : memref<320000xi32, #tpu.memory_space<hbm>> -> memref<128xi32, #tpu.memory_space<hbm>>
      %dma_wait3A_54 = tpu.memref_slice %arg4[%multiple_of3A_15] : memref<320000xi32, #tpu.memory_space<hbm>> -> memref<128xi32, #tpu.memory_space<hbm>>
      tpu.wait_dma2 semaphore(%run_scoped3A : memref<!tpu.dma_semaphore, #tpu.memory_space<semaphore_mem>>) src(%dma_wait3A_54 : memref<128xi32, #tpu.memory_space<hbm>>) dst(%arg10 : memref<128xi32, #tpu.memory_space<vmem>>)
      tpu.yield
    }) : () -> ()
    %dma_start3A_16 = arith.constant 0 : i32
    %dma_start3A_17 = arith.constant 0 : i32
    %dma_start3A_18 = tpu.memref_slice %arg2[%dma_start3A_16, %dma_start3A_17] : memref<10000x128xf32, #tpu.memory_space<hbm>> -> memref<10000x128xf32, #tpu.memory_space<hbm>>
    tpu.enqueue_indirect_dma source(%dma_start3A_18 : memref<10000x128xf32, #tpu.memory_space<hbm>>) target(%arg14 : memref<128x128xf32, #tpu.memory_space<vmem>>) offsets(%arg9 : memref<128xi32, #tpu.memory_space<vmem>>) semaphore(%arg17 : memref<!tpu.dma_semaphore, #tpu.memory_space<semaphore_mem>>)
    %scan3A = arith.constant 0 : i32
    %scan3A_19 = arith.constant 0 : i32
    %scan3A_20 = arith.constant 39 : i32
    %scan3A_21 = arith.addi %scan3A_19, %scan3A_20 : i32
    %scan3A_22 = arith.constant 1 : i32
    scf.for %scan3A_51 = %scan3A_19 to %scan3A_21 step %scan3A_22  : i32 {
      %dma_wait3A_52 = arith.constant 0 : i32
      %dma_wait3A_53 = arith.constant 0 : i32
      %dma_wait3A_54 = tpu.memref_slice %arg2[%dma_wait3A_52, %dma_wait3A_53] : memref<10000x128xf32, #tpu.memory_space<hbm>> -> memref<128x128xf32, #tpu.memory_space<hbm>>
      %dma_wait3A_55 = arith.constant 0 : i32
      %dma_wait3A_56 = arith.constant 0 : i32
      %dma_wait3A_57 = tpu.memref_slice %arg2[%dma_wait3A_55, %dma_wait3A_56] : memref<10000x128xf32, #tpu.memory_space<hbm>> -> memref<128x128xf32, #tpu.memory_space<hbm>>
      tpu.wait_dma2 semaphore(%arg16 : memref<!tpu.dma_semaphore, #tpu.memory_space<semaphore_mem>>) src(%dma_wait3A_57 : memref<128x128xf32, #tpu.memory_space<hbm>>) dst(%arg13 : memref<128x128xf32, #tpu.memory_space<vmem>>)
      %dma_start3A_58 = arith.constant 0 : i32
      %dma_start3A_59 = arith.constant 0 : i32
      %dma_start3A_60 = tpu.memref_slice %arg15[%dma_start3A_58, %dma_start3A_59] : memref<10000x128xf32, #tpu.memory_space<vmem_shared>> -> memref<10000x128xf32, #tpu.memory_space<vmem_shared>>
      tpu.enqueue_indirect_dma source(%arg13 : memref<128x128xf32, #tpu.memory_space<vmem>>) target(%dma_start3A_60 : memref<10000x128xf32, #tpu.memory_space<vmem_shared>>) offsets(%arg8 : memref<128xi32, #tpu.memory_space<vmem>>) semaphore(%arg18 : memref<!tpu.dma_semaphore, #tpu.memory_space<semaphore_mem>>) {add = true}
      %dma_wait3A_61 = arith.constant 0 : i32
      %dma_wait3A_62 = arith.constant 0 : i32
      %dma_wait3A_63 = tpu.memref_slice %arg2[%dma_wait3A_61, %dma_wait3A_62] : memref<10000x128xf32, #tpu.memory_space<hbm>> -> memref<128x128xf32, #tpu.memory_space<hbm>>
      %dma_wait3A_64 = arith.constant 0 : i32
      %dma_wait3A_65 = arith.constant 0 : i32
      %dma_wait3A_66 = tpu.memref_slice %arg2[%dma_wait3A_64, %dma_wait3A_65] : memref<10000x128xf32, #tpu.memory_space<hbm>> -> memref<128x128xf32, #tpu.memory_space<hbm>>
      tpu.wait_dma2 semaphore(%arg17 : memref<!tpu.dma_semaphore, #tpu.memory_space<semaphore_mem>>) src(%dma_wait3A_66 : memref<128x128xf32, #tpu.memory_space<hbm>>) dst(%arg14 : memref<128x128xf32, #tpu.memory_space<vmem>>)
      %dma_start3A_67 = arith.constant 0 : i32
      %dma_start3A_68 = arith.constant 0 : i32
      %dma_start3A_69 = tpu.memref_slice %arg15[%dma_start3A_67, %dma_start3A_68] : memref<10000x128xf32, #tpu.memory_space<vmem_shared>> -> memref<10000x128xf32, #tpu.memory_space<vmem_shared>>
      tpu.enqueue_indirect_dma source(%arg14 : memref<128x128xf32, #tpu.memory_space<vmem>>) target(%dma_start3A_69 : memref<10000x128xf32, #tpu.memory_space<vmem_shared>>) offsets(%arg10 : memref<128xi32, #tpu.memory_space<vmem>>) semaphore(%arg19 : memref<!tpu.dma_semaphore, #tpu.memory_space<semaphore_mem>>) {add = true}
      %dma_wait3A_70 = arith.constant 0 : i32
      %dma_wait3A_71 = arith.constant 0 : i32
      %dma_wait3A_72 = tpu.memref_slice %arg15[%dma_wait3A_70, %dma_wait3A_71] : memref<10000x128xf32, #tpu.memory_space<vmem_shared>> -> memref<10000x128xf32, #tpu.memory_space<vmem_shared>>
      tpu.wait_indirect_dma semaphore(%arg18 : memref<!tpu.dma_semaphore, #tpu.memory_space<semaphore_mem>>) src(%arg13 : memref<128x128xf32, #tpu.memory_space<vmem>>) dst(%dma_wait3A_72 : memref<10000x128xf32, #tpu.memory_space<vmem_shared>>)
      %mul3A_73 = arith.constant 2 : i32
      %mul3A_74 = arith.muli %mul3A_73, %scan3A_51 : i32
      %add3A_75 = arith.constant 2 : i32
      %add3A_76 = arith.addi %mul3A_74, %add3A_75 : i32
      %lt3A = arith.constant 78 : i32
      %lt3A_77 = arith.cmpi slt, %add3A_76, %lt3A : i32
      %convert_element_type3A_78 = arith.extui %lt3A_77 : i1 to i32
      %cond3A_79 = arith.constant 0 : i32
      %cond3A_80 = arith.cmpi ne, %convert_element_type3A_78, %cond3A_79 : i32
      scf.if %cond3A_80 {
        %mul3A_93 = arith.constant 2 : i32
        %mul3A_94 = arith.muli %mul3A_93, %scan3A_51 : i32
        %add3A_95 = arith.constant 2 : i32
        %add3A_96 = arith.addi %mul3A_94, %add3A_95 : i32
        %mul3A_97 = arith.constant 128 : i32
        %mul3A_98 = arith.muli %add3A_96, %mul3A_97 : i32
        %add3A_99 = arith.addi %mul3A_2, %mul3A_98 : i32
        %multiple_of3A_100 = tpu.assume_multiple %add3A_99, 8 : i32
        "tpu.region"() ({
          %run_scoped3A = tpu.sem_alloc : memref<!tpu.dma_semaphore, #tpu.memory_space<semaphore_mem>>
          %dma_start3A_104 = tpu.memref_slice %arg3[%multiple_of3A_100] : memref<320000xi32, #tpu.memory_space<hbm>> -> memref<128xi32, #tpu.memory_space<hbm>>
          %dma_start3A_105 = tpu.memref_slice %arg3[%multiple_of3A_100] : memref<320000xi32, #tpu.memory_space<hbm>> -> memref<128xi32, #tpu.memory_space<hbm>>
          tpu.enqueue_dma source(%dma_start3A_105 : memref<128xi32, #tpu.memory_space<hbm>>) target(%arg7 : memref<128xi32, #tpu.memory_space<vmem>>) target_semaphore(%run_scoped3A : memref<!tpu.dma_semaphore, #tpu.memory_space<semaphore_mem>>)
          %dma_wait3A_106 = tpu.memref_slice %arg3[%multiple_of3A_100] : memref<320000xi32, #tpu.memory_space<hbm>> -> memref<128xi32, #tpu.memory_space<hbm>>
          %dma_wait3A_107 = tpu.memref_slice %arg3[%multiple_of3A_100] : memref<320000xi32, #tpu.memory_space<hbm>> -> memref<128xi32, #tpu.memory_space<hbm>>
          tpu.wait_dma2 semaphore(%run_scoped3A : memref<!tpu.dma_semaphore, #tpu.memory_space<semaphore_mem>>) src(%dma_wait3A_107 : memref<128xi32, #tpu.memory_space<hbm>>) dst(%arg7 : memref<128xi32, #tpu.memory_space<vmem>>)
          tpu.yield
        }) : () -> ()
        "tpu.region"() ({
          %run_scoped3A = tpu.sem_alloc : memref<!tpu.dma_semaphore, #tpu.memory_space<semaphore_mem>>
          %dma_start3A_104 = tpu.memref_slice %arg4[%multiple_of3A_100] : memref<320000xi32, #tpu.memory_space<hbm>> -> memref<128xi32, #tpu.memory_space<hbm>>
          %dma_start3A_105 = tpu.memref_slice %arg4[%multiple_of3A_100] : memref<320000xi32, #tpu.memory_space<hbm>> -> memref<128xi32, #tpu.memory_space<hbm>>
          tpu.enqueue_dma source(%dma_start3A_105 : memref<128xi32, #tpu.memory_space<hbm>>) target(%arg8 : memref<128xi32, #tpu.memory_space<vmem>>) target_semaphore(%run_scoped3A : memref<!tpu.dma_semaphore, #tpu.memory_space<semaphore_mem>>)
          %dma_wait3A_106 = tpu.memref_slice %arg4[%multiple_of3A_100] : memref<320000xi32, #tpu.memory_space<hbm>> -> memref<128xi32, #tpu.memory_space<hbm>>
          %dma_wait3A_107 = tpu.memref_slice %arg4[%multiple_of3A_100] : memref<320000xi32, #tpu.memory_space<hbm>> -> memref<128xi32, #tpu.memory_space<hbm>>
          tpu.wait_dma2 semaphore(%run_scoped3A : memref<!tpu.dma_semaphore, #tpu.memory_space<semaphore_mem>>) src(%dma_wait3A_107 : memref<128xi32, #tpu.memory_space<hbm>>) dst(%arg8 : memref<128xi32, #tpu.memory_space<vmem>>)
          tpu.yield
        }) : () -> ()
        %dma_start3A_101 = arith.constant 0 : i32
        %dma_start3A_102 = arith.constant 0 : i32
        %dma_start3A_103 = tpu.memref_slice %arg2[%dma_start3A_101, %dma_start3A_102] : memref<10000x128xf32, #tpu.memory_space<hbm>> -> memref<10000x128xf32, #tpu.memory_space<hbm>>
        tpu.enqueue_indirect_dma source(%dma_start3A_103 : memref<10000x128xf32, #tpu.memory_space<hbm>>) target(%arg13 : memref<128x128xf32, #tpu.memory_space<vmem>>) offsets(%arg7 : memref<128xi32, #tpu.memory_space<vmem>>) semaphore(%arg16 : memref<!tpu.dma_semaphore, #tpu.memory_space<semaphore_mem>>)
      } else {
      }
      %dma_wait3A_81 = arith.constant 0 : i32
      %dma_wait3A_82 = arith.constant 0 : i32
      %dma_wait3A_83 = tpu.memref_slice %arg15[%dma_wait3A_81, %dma_wait3A_82] : memref<10000x128xf32, #tpu.memory_space<vmem_shared>> -> memref<10000x128xf32, #tpu.memory_space<vmem_shared>>
      tpu.wait_indirect_dma semaphore(%arg19 : memref<!tpu.dma_semaphore, #tpu.memory_space<semaphore_mem>>) src(%arg14 : memref<128x128xf32, #tpu.memory_space<vmem>>) dst(%dma_wait3A_83 : memref<10000x128xf32, #tpu.memory_space<vmem_shared>>)
      %mul3A_84 = arith.constant 2 : i32
      %mul3A_85 = arith.muli %mul3A_84, %scan3A_51 : i32
      %add3A_86 = arith.constant 3 : i32
      %add3A_87 = arith.addi %mul3A_85, %add3A_86 : i32
      %lt3A_88 = arith.constant 78 : i32
      %lt3A_89 = arith.cmpi slt, %add3A_87, %lt3A_88 : i32
      %convert_element_type3A_90 = arith.extui %lt3A_89 : i1 to i32
      %cond3A_91 = arith.constant 0 : i32
      %cond3A_92 = arith.cmpi ne, %convert_element_type3A_90, %cond3A_91 : i32
      scf.if %cond3A_92 {
        %mul3A_93 = arith.constant 2 : i32
        %mul3A_94 = arith.muli %mul3A_93, %scan3A_51 : i32
        %add3A_95 = arith.constant 3 : i32
        %add3A_96 = arith.addi %mul3A_94, %add3A_95 : i32
        %mul3A_97 = arith.constant 128 : i32
        %mul3A_98 = arith.muli %add3A_96, %mul3A_97 : i32
        %add3A_99 = arith.addi %mul3A_2, %mul3A_98 : i32
        %multiple_of3A_100 = tpu.assume_multiple %add3A_99, 8 : i32
        "tpu.region"() ({
          %run_scoped3A = tpu.sem_alloc : memref<!tpu.dma_semaphore, #tpu.memory_space<semaphore_mem>>
          %dma_start3A_104 = tpu.memref_slice %arg3[%multiple_of3A_100] : memref<320000xi32, #tpu.memory_space<hbm>> -> memref<128xi32, #tpu.memory_space<hbm>>
          %dma_start3A_105 = tpu.memref_slice %arg3[%multiple_of3A_100] : memref<320000xi32, #tpu.memory_space<hbm>> -> memref<128xi32, #tpu.memory_space<hbm>>
          tpu.enqueue_dma source(%dma_start3A_105 : memref<128xi32, #tpu.memory_space<hbm>>) target(%arg9 : memref<128xi32, #tpu.memory_space<vmem>>) target_semaphore(%run_scoped3A : memref<!tpu.dma_semaphore, #tpu.memory_space<semaphore_mem>>)
          %dma_wait3A_106 = tpu.memref_slice %arg3[%multiple_of3A_100] : memref<320000xi32, #tpu.memory_space<hbm>> -> memref<128xi32, #tpu.memory_space<hbm>>
          %dma_wait3A_107 = tpu.memref_slice %arg3[%multiple_of3A_100] : memref<320000xi32, #tpu.memory_space<hbm>> -> memref<128xi32, #tpu.memory_space<hbm>>
          tpu.wait_dma2 semaphore(%run_scoped3A : memref<!tpu.dma_semaphore, #tpu.memory_space<semaphore_mem>>) src(%dma_wait3A_107 : memref<128xi32, #tpu.memory_space<hbm>>) dst(%arg9 : memref<128xi32, #tpu.memory_space<vmem>>)
          tpu.yield
        }) : () -> ()
        "tpu.region"() ({
          %run_scoped3A = tpu.sem_alloc : memref<!tpu.dma_semaphore, #tpu.memory_space<semaphore_mem>>
          %dma_start3A_104 = tpu.memref_slice %arg4[%multiple_of3A_100] : memref<320000xi32, #tpu.memory_space<hbm>> -> memref<128xi32, #tpu.memory_space<hbm>>
          %dma_start3A_105 = tpu.memref_slice %arg4[%multiple_of3A_100] : memref<320000xi32, #tpu.memory_space<hbm>> -> memref<128xi32, #tpu.memory_space<hbm>>
          tpu.enqueue_dma source(%dma_start3A_105 : memref<128xi32, #tpu.memory_space<hbm>>) target(%arg10 : memref<128xi32, #tpu.memory_space<vmem>>) target_semaphore(%run_scoped3A : memref<!tpu.dma_semaphore, #tpu.memory_space<semaphore_mem>>)
          %dma_wait3A_106 = tpu.memref_slice %arg4[%multiple_of3A_100] : memref<320000xi32, #tpu.memory_space<hbm>> -> memref<128xi32, #tpu.memory_space<hbm>>
          %dma_wait3A_107 = tpu.memref_slice %arg4[%multiple_of3A_100] : memref<320000xi32, #tpu.memory_space<hbm>> -> memref<128xi32, #tpu.memory_space<hbm>>
          tpu.wait_dma2 semaphore(%run_scoped3A : memref<!tpu.dma_semaphore, #tpu.memory_space<semaphore_mem>>) src(%dma_wait3A_107 : memref<128xi32, #tpu.memory_space<hbm>>) dst(%arg10 : memref<128xi32, #tpu.memory_space<vmem>>)
          tpu.yield
        }) : () -> ()
        %dma_start3A_101 = arith.constant 0 : i32
        %dma_start3A_102 = arith.constant 0 : i32
        %dma_start3A_103 = tpu.memref_slice %arg2[%dma_start3A_101, %dma_start3A_102] : memref<10000x128xf32, #tpu.memory_space<hbm>> -> memref<10000x128xf32, #tpu.memory_space<hbm>>
        tpu.enqueue_indirect_dma source(%dma_start3A_103 : memref<10000x128xf32, #tpu.memory_space<hbm>>) target(%arg14 : memref<128x128xf32, #tpu.memory_space<vmem>>) offsets(%arg9 : memref<128xi32, #tpu.memory_space<vmem>>) semaphore(%arg17 : memref<!tpu.dma_semaphore, #tpu.memory_space<semaphore_mem>>)
      } else {
      }
    }
    %scan3A_23 = arith.constant 39 : i32
    %add3A_24 = arith.constant 9984 : i32
    %add3A_25 = arith.addi %mul3A_2, %add3A_24 : i32
    %multiple_of3A_26 = tpu.assume_multiple %add3A_25, 8 : i32
    "tpu.region"() ({
      %run_scoped3A = tpu.sem_alloc : memref<!tpu.dma_semaphore, #tpu.memory_space<semaphore_mem>>
      %dma_start3A_51 = tpu.memref_slice %arg3[%multiple_of3A_26] : memref<320000xi32, #tpu.memory_space<hbm>> -> memref<16xi32, #tpu.memory_space<hbm>>
      %dma_start3A_52 = tpu.memref_slice %arg3[%multiple_of3A_26] : memref<320000xi32, #tpu.memory_space<hbm>> -> memref<16xi32, #tpu.memory_space<hbm>>
      tpu.enqueue_dma source(%dma_start3A_52 : memref<16xi32, #tpu.memory_space<hbm>>) target(%arg11 : memref<16xi32, #tpu.memory_space<vmem>>) target_semaphore(%run_scoped3A : memref<!tpu.dma_semaphore, #tpu.memory_space<semaphore_mem>>)
      %dma_wait3A_53 = tpu.memref_slice %arg3[%multiple_of3A_26] : memref<320000xi32, #tpu.memory_space<hbm>> -> memref<16xi32, #tpu.memory_space<hbm>>
      %dma_wait3A_54 = tpu.memref_slice %arg3[%multiple_of3A_26] : memref<320000xi32, #tpu.memory_space<hbm>> -> memref<16xi32, #tpu.memory_space<hbm>>
      tpu.wait_dma2 semaphore(%run_scoped3A : memref<!tpu.dma_semaphore, #tpu.memory_space<semaphore_mem>>) src(%dma_wait3A_54 : memref<16xi32, #tpu.memory_space<hbm>>) dst(%arg11 : memref<16xi32, #tpu.memory_space<vmem>>)
      tpu.yield
    }) : () -> ()
    "tpu.region"() ({
      %run_scoped3A = tpu.sem_alloc : memref<!tpu.dma_semaphore, #tpu.memory_space<semaphore_mem>>
      %dma_start3A_51 = tpu.memref_slice %arg4[%multiple_of3A_26] : memref<320000xi32, #tpu.memory_space<hbm>> -> memref<16xi32, #tpu.memory_space<hbm>>
      %dma_start3A_52 = tpu.memref_slice %arg4[%multiple_of3A_26] : memref<320000xi32, #tpu.memory_space<hbm>> -> memref<16xi32, #tpu.memory_space<hbm>>
      tpu.enqueue_dma source(%dma_start3A_52 : memref<16xi32, #tpu.memory_space<hbm>>) target(%arg12 : memref<16xi32, #tpu.memory_space<vmem>>) target_semaphore(%run_scoped3A : memref<!tpu.dma_semaphore, #tpu.memory_space<semaphore_mem>>)
      %dma_wait3A_53 = tpu.memref_slice %arg4[%multiple_of3A_26] : memref<320000xi32, #tpu.memory_space<hbm>> -> memref<16xi32, #tpu.memory_space<hbm>>
      %dma_wait3A_54 = tpu.memref_slice %arg4[%multiple_of3A_26] : memref<320000xi32, #tpu.memory_space<hbm>> -> memref<16xi32, #tpu.memory_space<hbm>>
      tpu.wait_dma2 semaphore(%run_scoped3A : memref<!tpu.dma_semaphore, #tpu.memory_space<semaphore_mem>>) src(%dma_wait3A_54 : memref<16xi32, #tpu.memory_space<hbm>>) dst(%arg12 : memref<16xi32, #tpu.memory_space<vmem>>)
      tpu.yield
    }) : () -> ()
    %dma_start3A_27 = arith.constant 0 : i32
    %dma_start3A_28 = arith.constant 0 : i32
    %dma_start3A_29 = tpu.memref_slice %arg13[%dma_start3A_27, %dma_start3A_28] : memref<128x128xf32, #tpu.memory_space<vmem>> -> memref<16x128xf32, #tpu.memory_space<vmem>>
    %dma_start3A_30 = arith.constant 0 : i32
    %dma_start3A_31 = arith.constant 0 : i32
    %dma_start3A_32 = tpu.memref_slice %arg2[%dma_start3A_30, %dma_start3A_31] : memref<10000x128xf32, #tpu.memory_space<hbm>> -> memref<10000x128xf32, #tpu.memory_space<hbm>>
    tpu.enqueue_indirect_dma source(%dma_start3A_32 : memref<10000x128xf32, #tpu.memory_space<hbm>>) target(%dma_start3A_29 : memref<16x128xf32, #tpu.memory_space<vmem>>) offsets(%arg11 : memref<16xi32, #tpu.memory_space<vmem>>) semaphore(%arg16 : memref<!tpu.dma_semaphore, #tpu.memory_space<semaphore_mem>>)
    %dma_wait3A = arith.constant 0 : i32
    %dma_wait3A_33 = arith.constant 0 : i32
    %dma_wait3A_34 = tpu.memref_slice %arg13[%dma_wait3A, %dma_wait3A_33] : memref<128x128xf32, #tpu.memory_space<vmem>> -> memref<16x128xf32, #tpu.memory_space<vmem>>
    %dma_wait3A_35 = arith.constant 0 : i32
    %dma_wait3A_36 = arith.constant 0 : i32
    %dma_wait3A_37 = tpu.memref_slice %arg2[%dma_wait3A_35, %dma_wait3A_36] : memref<10000x128xf32, #tpu.memory_space<hbm>> -> memref<10000x128xf32, #tpu.memory_space<hbm>>
    tpu.wait_indirect_dma semaphore(%arg16 : memref<!tpu.dma_semaphore, #tpu.memory_space<semaphore_mem>>) src(%dma_wait3A_37 : memref<10000x128xf32, #tpu.memory_space<hbm>>) dst(%dma_wait3A_34 : memref<16x128xf32, #tpu.memory_space<vmem>>)
    "tpu.region"() ({
      %run_scoped3A = tpu.sem_alloc : memref<!tpu.dma_semaphore, #tpu.memory_space<semaphore_mem>>
      %dma_start3A_51 = arith.constant 0 : i32
      %dma_start3A_52 = arith.constant 0 : i32
      %dma_start3A_53 = tpu.memref_slice %arg13[%dma_start3A_51, %dma_start3A_52] : memref<128x128xf32, #tpu.memory_space<vmem>> -> memref<16x128xf32, #tpu.memory_space<vmem>>
      %dma_start3A_54 = arith.constant 0 : i32
      %dma_start3A_55 = arith.constant 0 : i32
      %dma_start3A_56 = tpu.memref_slice %arg15[%dma_start3A_54, %dma_start3A_55] : memref<10000x128xf32, #tpu.memory_space<vmem_shared>> -> memref<10000x128xf32, #tpu.memory_space<vmem_shared>>
      tpu.enqueue_indirect_dma source(%dma_start3A_53 : memref<16x128xf32, #tpu.memory_space<vmem>>) target(%dma_start3A_56 : memref<10000x128xf32, #tpu.memory_space<vmem_shared>>) offsets(%arg12 : memref<16xi32, #tpu.memory_space<vmem>>) semaphore(%run_scoped3A : memref<!tpu.dma_semaphore, #tpu.memory_space<semaphore_mem>>) {add = true}
      %dma_wait3A_57 = arith.constant 0 : i32
      %dma_wait3A_58 = arith.constant 0 : i32
      %dma_wait3A_59 = tpu.memref_slice %arg13[%dma_wait3A_57, %dma_wait3A_58] : memref<128x128xf32, #tpu.memory_space<vmem>> -> memref<16x128xf32, #tpu.memory_space<vmem>>
      %dma_wait3A_60 = arith.constant 0 : i32
      %dma_wait3A_61 = arith.constant 0 : i32
      %dma_wait3A_62 = tpu.memref_slice %arg15[%dma_wait3A_60, %dma_wait3A_61] : memref<10000x128xf32, #tpu.memory_space<vmem_shared>> -> memref<10000x128xf32, #tpu.memory_space<vmem_shared>>
      tpu.wait_indirect_dma semaphore(%run_scoped3A : memref<!tpu.dma_semaphore, #tpu.memory_space<semaphore_mem>>) src(%dma_wait3A_59 : memref<16x128xf32, #tpu.memory_space<vmem>>) dst(%dma_wait3A_62 : memref<10000x128xf32, #tpu.memory_space<vmem_shared>>)
      tpu.yield
    }) : () -> ()
    %barrier3A_38 = arith.constant 0 : index
    tpu.barrier barrier_id(%barrier3A_38)
    %mul3A_39 = arith.constant 10000 : i32
    %mul3A_40 = arith.muli %arg0, %mul3A_39 : i32
    %mul3A_41 = arith.constant 624 : i32
    %mul3A_42 = arith.muli %arg1, %mul3A_41 : i32
    %add3A_43 = arith.addi %mul3A_40, %mul3A_42 : i32
    %mul3A_44 = arith.constant 624 : i32
    %mul3A_45 = arith.muli %arg1, %mul3A_44 : i32
    "tpu.region"() ({
      %run_scoped3A = tpu.sem_alloc : memref<!tpu.dma_semaphore, #tpu.memory_space<semaphore_mem>>
      %dma_start3A_51 = arith.constant 0 : i32
      %dma_start3A_52 = tpu.memref_slice %arg6[%add3A_43, %dma_start3A_51] : memref<20000x128xf32, #tpu.memory_space<hbm>> -> memref<624x128xf32, #tpu.memory_space<hbm>>
      %dma_start3A_53 = arith.constant 0 : i32
      %dma_start3A_54 = tpu.memref_slice %arg15[%mul3A_45, %dma_start3A_53] : memref<10000x128xf32, #tpu.memory_space<vmem_shared>> -> memref<624x128xf32, #tpu.memory_space<vmem_shared>>
      tpu.enqueue_dma source(%dma_start3A_54 : memref<624x128xf32, #tpu.memory_space<vmem_shared>>) target(%dma_start3A_52 : memref<624x128xf32, #tpu.memory_space<hbm>>) target_semaphore(%run_scoped3A : memref<!tpu.dma_semaphore, #tpu.memory_space<semaphore_mem>>)
      %dma_wait3A_55 = arith.constant 0 : i32
      %dma_wait3A_56 = tpu.memref_slice %arg6[%add3A_43, %dma_wait3A_55] : memref<20000x128xf32, #tpu.memory_space<hbm>> -> memref<624x128xf32, #tpu.memory_space<hbm>>
      %dma_wait3A_57 = arith.constant 0 : i32
      %dma_wait3A_58 = tpu.memref_slice %arg15[%mul3A_45, %dma_wait3A_57] : memref<10000x128xf32, #tpu.memory_space<vmem_shared>> -> memref<624x128xf32, #tpu.memory_space<vmem_shared>>
      tpu.wait_dma2 semaphore(%run_scoped3A : memref<!tpu.dma_semaphore, #tpu.memory_space<semaphore_mem>>) src(%dma_wait3A_58 : memref<624x128xf32, #tpu.memory_space<vmem_shared>>) dst(%dma_wait3A_56 : memref<624x128xf32, #tpu.memory_space<hbm>>)
      tpu.yield
    }) : () -> ()
    %eq3A_46 = arith.constant 15 : i32
    %eq3A_47 = arith.cmpi eq, %arg1, %eq3A_46 : i32
    %convert_element_type3A_48 = arith.extui %eq3A_47 : i1 to i32
    %cond3A_49 = arith.constant 0 : i32
    %cond3A_50 = arith.cmpi ne, %convert_element_type3A_48, %cond3A_49 : i32
    scf.if %cond3A_50 {
      %mul3A_51 = arith.constant 10000 : i32
      %mul3A_52 = arith.muli %arg0, %mul3A_51 : i32
      %add3A_53 = arith.constant 9984 : i32
      %add3A_54 = arith.addi %mul3A_52, %add3A_53 : i32
      "tpu.region"() ({
        %run_scoped3A = tpu.sem_alloc : memref<!tpu.dma_semaphore, #tpu.memory_space<semaphore_mem>>
        %dma_start3A_55 = arith.constant 0 : i32
        %dma_start3A_56 = tpu.memref_slice %arg6[%add3A_54, %dma_start3A_55] : memref<20000x128xf32, #tpu.memory_space<hbm>> -> memref<16x128xf32, #tpu.memory_space<hbm>>
        %dma_start3A_57 = arith.constant 9984 : i32
        %dma_start3A_58 = arith.constant 0 : i32
        %dma_start3A_59 = tpu.memref_slice %arg15[%dma_start3A_57, %dma_start3A_58] : memref<10000x128xf32, #tpu.memory_space<vmem_shared>> -> memref<16x128xf32, #tpu.memory_space<vmem_shared>>
        tpu.enqueue_dma source(%dma_start3A_59 : memref<16x128xf32, #tpu.memory_space<vmem_shared>>) target(%dma_start3A_56 : memref<16x128xf32, #tpu.memory_space<hbm>>) target_semaphore(%run_scoped3A : memref<!tpu.dma_semaphore, #tpu.memory_space<semaphore_mem>>)
        %dma_wait3A_60 = arith.constant 0 : i32
        %dma_wait3A_61 = tpu.memref_slice %arg6[%add3A_54, %dma_wait3A_60] : memref<20000x128xf32, #tpu.memory_space<hbm>> -> memref<16x128xf32, #tpu.memory_space<hbm>>
        %dma_wait3A_62 = arith.constant 9984 : i32
        %dma_wait3A_63 = arith.constant 0 : i32
        %dma_wait3A_64 = tpu.memref_slice %arg15[%dma_wait3A_62, %dma_wait3A_63] : memref<10000x128xf32, #tpu.memory_space<vmem_shared>> -> memref<16x128xf32, #tpu.memory_space<vmem_shared>>
        tpu.wait_dma2 semaphore(%run_scoped3A : memref<!tpu.dma_semaphore, #tpu.memory_space<semaphore_mem>>) src(%dma_wait3A_64 : memref<16x128xf32, #tpu.memory_space<vmem_shared>>) dst(%dma_wait3A_61 : memref<16x128xf32, #tpu.memory_space<hbm>>)
        tpu.yield
      }) : () -> ()
    } else {
    }
    return
  }
}

#map = affine_map<(d0, d1) -> (0)>
#map1 = affine_map<(d0, d1) -> (0, 0)>
module attributes {stable_mosaic.version = 14 : i64} {
  func.func @k(%arg0: i32, %arg1: i32, %arg2: memref<320000xi32, #tpu.memory_space<hbm>>, %arg3: memref<10000x128xf32, #tpu.memory_space<hbm>>, %arg4: memref<128x128xf32, #tpu.memory_space<hbm>>, %arg5: memref<20000x128xf32, #tpu.memory_space<hbm>>, %arg6: memref<128xi32, #tpu.memory_space<vmem>>, %arg7: memref<128xi32, #tpu.memory_space<vmem>>, %arg8: memref<16xi32, #tpu.memory_space<vmem>>, %arg9: memref<128x128xf32, #tpu.memory_space<vmem>>, %arg10: memref<10000x128xf32, #tpu.memory_space<vmem_shared>>, %arg11: memref<!tpu.dma_semaphore, #tpu.memory_space<semaphore_mem>>, %arg12: memref<!tpu.dma_semaphore, #tpu.memory_space<semaphore_mem>>) attributes {dimension_semantics = [#tpu.dimension_semantics<core_parallel>, #tpu.dimension_semantics<subcore_parallel>], iteration_bounds = array<i64: 2, 16>, scalar_prefetch = 0 : i64, scratch_operands = 7 : i64, tpu.core_type = #tpu.core_type<sc_vector_subcore>, window_params = [{transform_indices = #map}, {transform_indices = #map1}, {transform_indices = #map1}, {transform_indices = #map1}]} {
    %mul3A = arith.constant 16 : i32
    %mul3A_0 = arith.muli %arg0, %mul3A : i32
    %add3A = arith.addi %mul3A_0, %arg1 : i32
    %mul3A_1 = arith.constant 10000 : i32
    %mul3A_2 = arith.muli %add3A, %mul3A_1 : i32
    "tpu.region"() ({
      %run_scoped3A = tpu.sem_alloc : memref<!tpu.dma_semaphore, #tpu.memory_space<semaphore_mem>>
      tpu.enqueue_dma source(%arg4 : memref<128x128xf32, #tpu.memory_space<hbm>>) target(%arg9 : memref<128x128xf32, #tpu.memory_space<vmem>>) target_semaphore(%run_scoped3A : memref<!tpu.dma_semaphore, #tpu.memory_space<semaphore_mem>>)
      tpu.wait_dma2 semaphore(%run_scoped3A : memref<!tpu.dma_semaphore, #tpu.memory_space<semaphore_mem>>) src(%arg4 : memref<128x128xf32, #tpu.memory_space<hbm>>) dst(%arg9 : memref<128x128xf32, #tpu.memory_space<vmem>>)
      tpu.yield
    }) : () -> ()
    %mul3A_3 = arith.constant 624 : i32
    %mul3A_4 = arith.muli %arg1, %mul3A_3 : i32
    %mul3A_5 = arith.constant 624 : i32
    %mul3A_6 = arith.muli %arg1, %mul3A_5 : i32
    "tpu.region"() ({
      %run_scoped3A = tpu.sem_alloc : memref<!tpu.dma_semaphore, #tpu.memory_space<semaphore_mem>>
      %dma_start3A = arith.constant 0 : i32
      %dma_start3A_35 = tpu.memref_slice %arg10[%mul3A_6, %dma_start3A] : memref<10000x128xf32, #tpu.memory_space<vmem_shared>> -> memref<624x128xf32, #tpu.memory_space<vmem_shared>>
      %dma_start3A_36 = arith.constant 0 : i32
      %dma_start3A_37 = tpu.memref_slice %arg3[%mul3A_4, %dma_start3A_36] : memref<10000x128xf32, #tpu.memory_space<hbm>> -> memref<624x128xf32, #tpu.memory_space<hbm>>
      tpu.enqueue_dma source(%dma_start3A_37 : memref<624x128xf32, #tpu.memory_space<hbm>>) target(%dma_start3A_35 : memref<624x128xf32, #tpu.memory_space<vmem_shared>>) target_semaphore(%run_scoped3A : memref<!tpu.dma_semaphore, #tpu.memory_space<semaphore_mem>>)
      %dma_wait3A = arith.constant 0 : i32
      %dma_wait3A_38 = tpu.memref_slice %arg10[%mul3A_6, %dma_wait3A] : memref<10000x128xf32, #tpu.memory_space<vmem_shared>> -> memref<624x128xf32, #tpu.memory_space<vmem_shared>>
      %dma_wait3A_39 = arith.constant 0 : i32
      %dma_wait3A_40 = tpu.memref_slice %arg3[%mul3A_4, %dma_wait3A_39] : memref<10000x128xf32, #tpu.memory_space<hbm>> -> memref<624x128xf32, #tpu.memory_space<hbm>>
      tpu.wait_dma2 semaphore(%run_scoped3A : memref<!tpu.dma_semaphore, #tpu.memory_space<semaphore_mem>>) src(%dma_wait3A_40 : memref<624x128xf32, #tpu.memory_space<hbm>>) dst(%dma_wait3A_38 : memref<624x128xf32, #tpu.memory_space<vmem_shared>>)
      tpu.yield
    }) : () -> ()
    %eq3A = arith.constant 15 : i32
    %eq3A_7 = arith.cmpi eq, %arg1, %eq3A : i32
    %convert_element_type3A = arith.extui %eq3A_7 : i1 to i32
    %cond3A = arith.constant 0 : i32
    %cond3A_8 = arith.cmpi ne, %convert_element_type3A, %cond3A : i32
    scf.if %cond3A_8 {
      "tpu.region"() ({
        %run_scoped3A = tpu.sem_alloc : memref<!tpu.dma_semaphore, #tpu.memory_space<semaphore_mem>>
        %dma_start3A = arith.constant 9984 : i32
        %dma_start3A_35 = arith.constant 0 : i32
        %dma_start3A_36 = tpu.memref_slice %arg10[%dma_start3A, %dma_start3A_35] : memref<10000x128xf32, #tpu.memory_space<vmem_shared>> -> memref<16x128xf32, #tpu.memory_space<vmem_shared>>
        %dma_start3A_37 = arith.constant 9984 : i32
        %dma_start3A_38 = arith.constant 0 : i32
        %dma_start3A_39 = tpu.memref_slice %arg3[%dma_start3A_37, %dma_start3A_38] : memref<10000x128xf32, #tpu.memory_space<hbm>> -> memref<16x128xf32, #tpu.memory_space<hbm>>
        tpu.enqueue_dma source(%dma_start3A_39 : memref<16x128xf32, #tpu.memory_space<hbm>>) target(%dma_start3A_36 : memref<16x128xf32, #tpu.memory_space<vmem_shared>>) target_semaphore(%run_scoped3A : memref<!tpu.dma_semaphore, #tpu.memory_space<semaphore_mem>>)
        %dma_wait3A = arith.constant 9984 : i32
        %dma_wait3A_40 = arith.constant 0 : i32
        %dma_wait3A_41 = tpu.memref_slice %arg10[%dma_wait3A, %dma_wait3A_40] : memref<10000x128xf32, #tpu.memory_space<vmem_shared>> -> memref<16x128xf32, #tpu.memory_space<vmem_shared>>
        %dma_wait3A_42 = arith.constant 9984 : i32
        %dma_wait3A_43 = arith.constant 0 : i32
        %dma_wait3A_44 = tpu.memref_slice %arg3[%dma_wait3A_42, %dma_wait3A_43] : memref<10000x128xf32, #tpu.memory_space<hbm>> -> memref<16x128xf32, #tpu.memory_space<hbm>>
        tpu.wait_dma2 semaphore(%run_scoped3A : memref<!tpu.dma_semaphore, #tpu.memory_space<semaphore_mem>>) src(%dma_wait3A_44 : memref<16x128xf32, #tpu.memory_space<hbm>>) dst(%dma_wait3A_41 : memref<16x128xf32, #tpu.memory_space<vmem_shared>>)
        tpu.yield
      }) : () -> ()
    } else {
    }
    %barrier3A = arith.constant 0 : index
    tpu.barrier barrier_id(%barrier3A)
    %add3A_9 = arith.constant 0 : i32
    %add3A_10 = arith.addi %mul3A_2, %add3A_9 : i32
    %multiple_of3A = tpu.assume_multiple %add3A_10, 8 : i32
    "tpu.region"() ({
      %run_scoped3A = tpu.sem_alloc : memref<!tpu.dma_semaphore, #tpu.memory_space<semaphore_mem>>
      %dma_start3A = tpu.memref_slice %arg2[%multiple_of3A] : memref<320000xi32, #tpu.memory_space<hbm>> -> memref<128xi32, #tpu.memory_space<hbm>>
      %dma_start3A_35 = tpu.memref_slice %arg2[%multiple_of3A] : memref<320000xi32, #tpu.memory_space<hbm>> -> memref<128xi32, #tpu.memory_space<hbm>>
      tpu.enqueue_dma source(%dma_start3A_35 : memref<128xi32, #tpu.memory_space<hbm>>) target(%arg6 : memref<128xi32, #tpu.memory_space<vmem>>) target_semaphore(%run_scoped3A : memref<!tpu.dma_semaphore, #tpu.memory_space<semaphore_mem>>)
      %dma_wait3A = tpu.memref_slice %arg2[%multiple_of3A] : memref<320000xi32, #tpu.memory_space<hbm>> -> memref<128xi32, #tpu.memory_space<hbm>>
      %dma_wait3A_36 = tpu.memref_slice %arg2[%multiple_of3A] : memref<320000xi32, #tpu.memory_space<hbm>> -> memref<128xi32, #tpu.memory_space<hbm>>
      tpu.wait_dma2 semaphore(%run_scoped3A : memref<!tpu.dma_semaphore, #tpu.memory_space<semaphore_mem>>) src(%dma_wait3A_36 : memref<128xi32, #tpu.memory_space<hbm>>) dst(%arg6 : memref<128xi32, #tpu.memory_space<vmem>>)
      tpu.yield
    }) : () -> ()
    %add3A_11 = arith.constant 128 : i32
    %add3A_12 = arith.addi %mul3A_2, %add3A_11 : i32
    %multiple_of3A_13 = tpu.assume_multiple %add3A_12, 8 : i32
    "tpu.region"() ({
      %run_scoped3A = tpu.sem_alloc : memref<!tpu.dma_semaphore, #tpu.memory_space<semaphore_mem>>
      %dma_start3A = tpu.memref_slice %arg2[%multiple_of3A_13] : memref<320000xi32, #tpu.memory_space<hbm>> -> memref<128xi32, #tpu.memory_space<hbm>>
      %dma_start3A_35 = tpu.memref_slice %arg2[%multiple_of3A_13] : memref<320000xi32, #tpu.memory_space<hbm>> -> memref<128xi32, #tpu.memory_space<hbm>>
      tpu.enqueue_dma source(%dma_start3A_35 : memref<128xi32, #tpu.memory_space<hbm>>) target(%arg7 : memref<128xi32, #tpu.memory_space<vmem>>) target_semaphore(%run_scoped3A : memref<!tpu.dma_semaphore, #tpu.memory_space<semaphore_mem>>)
      %dma_wait3A = tpu.memref_slice %arg2[%multiple_of3A_13] : memref<320000xi32, #tpu.memory_space<hbm>> -> memref<128xi32, #tpu.memory_space<hbm>>
      %dma_wait3A_36 = tpu.memref_slice %arg2[%multiple_of3A_13] : memref<320000xi32, #tpu.memory_space<hbm>> -> memref<128xi32, #tpu.memory_space<hbm>>
      tpu.wait_dma2 semaphore(%run_scoped3A : memref<!tpu.dma_semaphore, #tpu.memory_space<semaphore_mem>>) src(%dma_wait3A_36 : memref<128xi32, #tpu.memory_space<hbm>>) dst(%arg7 : memref<128xi32, #tpu.memory_space<vmem>>)
      tpu.yield
    }) : () -> ()
    %scan3A = arith.constant 0 : i32
    %scan3A_14 = arith.constant 0 : i32
    %scan3A_15 = arith.constant 39 : i32
    %scan3A_16 = arith.addi %scan3A_14, %scan3A_15 : i32
    %scan3A_17 = arith.constant 1 : i32
    scf.for %scan3A_35 = %scan3A_14 to %scan3A_16 step %scan3A_17  : i32 {
      %dma_start3A = arith.constant 0 : i32
      %dma_start3A_36 = arith.constant 0 : i32
      %dma_start3A_37 = tpu.memref_slice %arg10[%dma_start3A, %dma_start3A_36] : memref<10000x128xf32, #tpu.memory_space<vmem_shared>> -> memref<10000x128xf32, #tpu.memory_space<vmem_shared>>
      tpu.enqueue_indirect_dma source(%arg9 : memref<128x128xf32, #tpu.memory_space<vmem>>) target(%dma_start3A_37 : memref<10000x128xf32, #tpu.memory_space<vmem_shared>>) offsets(%arg6 : memref<128xi32, #tpu.memory_space<vmem>>) semaphore(%arg11 : memref<!tpu.dma_semaphore, #tpu.memory_space<semaphore_mem>>) {add = true}
      %dma_start3A_38 = arith.constant 0 : i32
      %dma_start3A_39 = arith.constant 0 : i32
      %dma_start3A_40 = tpu.memref_slice %arg10[%dma_start3A_38, %dma_start3A_39] : memref<10000x128xf32, #tpu.memory_space<vmem_shared>> -> memref<10000x128xf32, #tpu.memory_space<vmem_shared>>
      tpu.enqueue_indirect_dma source(%arg9 : memref<128x128xf32, #tpu.memory_space<vmem>>) target(%dma_start3A_40 : memref<10000x128xf32, #tpu.memory_space<vmem_shared>>) offsets(%arg7 : memref<128xi32, #tpu.memory_space<vmem>>) semaphore(%arg12 : memref<!tpu.dma_semaphore, #tpu.memory_space<semaphore_mem>>) {add = true}
      %dma_wait3A = arith.constant 0 : i32
      %dma_wait3A_41 = arith.constant 0 : i32
      %dma_wait3A_42 = tpu.memref_slice %arg10[%dma_wait3A, %dma_wait3A_41] : memref<10000x128xf32, #tpu.memory_space<vmem_shared>> -> memref<10000x128xf32, #tpu.memory_space<vmem_shared>>
      tpu.wait_indirect_dma semaphore(%arg11 : memref<!tpu.dma_semaphore, #tpu.memory_space<semaphore_mem>>) src(%arg9 : memref<128x128xf32, #tpu.memory_space<vmem>>) dst(%dma_wait3A_42 : memref<10000x128xf32, #tpu.memory_space<vmem_shared>>)
      %mul3A_43 = arith.constant 2 : i32
      %mul3A_44 = arith.muli %mul3A_43, %scan3A_35 : i32
      %add3A_45 = arith.constant 2 : i32
      %add3A_46 = arith.addi %mul3A_44, %add3A_45 : i32
      %lt3A = arith.constant 78 : i32
      %lt3A_47 = arith.cmpi slt, %add3A_46, %lt3A : i32
      %convert_element_type3A_48 = arith.extui %lt3A_47 : i1 to i32
      %cond3A_49 = arith.constant 0 : i32
      %cond3A_50 = arith.cmpi ne, %convert_element_type3A_48, %cond3A_49 : i32
      scf.if %cond3A_50 {
        %mul3A_63 = arith.constant 2 : i32
        %mul3A_64 = arith.muli %mul3A_63, %scan3A_35 : i32
        %add3A_65 = arith.constant 2 : i32
        %add3A_66 = arith.addi %mul3A_64, %add3A_65 : i32
        %mul3A_67 = arith.constant 128 : i32
        %mul3A_68 = arith.muli %add3A_66, %mul3A_67 : i32
        %add3A_69 = arith.addi %mul3A_2, %mul3A_68 : i32
        %multiple_of3A_70 = tpu.assume_multiple %add3A_69, 8 : i32
        "tpu.region"() ({
          %run_scoped3A = tpu.sem_alloc : memref<!tpu.dma_semaphore, #tpu.memory_space<semaphore_mem>>
          %dma_start3A_71 = tpu.memref_slice %arg2[%multiple_of3A_70] : memref<320000xi32, #tpu.memory_space<hbm>> -> memref<128xi32, #tpu.memory_space<hbm>>
          %dma_start3A_72 = tpu.memref_slice %arg2[%multiple_of3A_70] : memref<320000xi32, #tpu.memory_space<hbm>> -> memref<128xi32, #tpu.memory_space<hbm>>
          tpu.enqueue_dma source(%dma_start3A_72 : memref<128xi32, #tpu.memory_space<hbm>>) target(%arg6 : memref<128xi32, #tpu.memory_space<vmem>>) target_semaphore(%run_scoped3A : memref<!tpu.dma_semaphore, #tpu.memory_space<semaphore_mem>>)
          %dma_wait3A_73 = tpu.memref_slice %arg2[%multiple_of3A_70] : memref<320000xi32, #tpu.memory_space<hbm>> -> memref<128xi32, #tpu.memory_space<hbm>>
          %dma_wait3A_74 = tpu.memref_slice %arg2[%multiple_of3A_70] : memref<320000xi32, #tpu.memory_space<hbm>> -> memref<128xi32, #tpu.memory_space<hbm>>
          tpu.wait_dma2 semaphore(%run_scoped3A : memref<!tpu.dma_semaphore, #tpu.memory_space<semaphore_mem>>) src(%dma_wait3A_74 : memref<128xi32, #tpu.memory_space<hbm>>) dst(%arg6 : memref<128xi32, #tpu.memory_space<vmem>>)
          tpu.yield
        }) : () -> ()
      } else {
      }
      %dma_wait3A_51 = arith.constant 0 : i32
      %dma_wait3A_52 = arith.constant 0 : i32
      %dma_wait3A_53 = tpu.memref_slice %arg10[%dma_wait3A_51, %dma_wait3A_52] : memref<10000x128xf32, #tpu.memory_space<vmem_shared>> -> memref<10000x128xf32, #tpu.memory_space<vmem_shared>>
      tpu.wait_indirect_dma semaphore(%arg12 : memref<!tpu.dma_semaphore, #tpu.memory_space<semaphore_mem>>) src(%arg9 : memref<128x128xf32, #tpu.memory_space<vmem>>) dst(%dma_wait3A_53 : memref<10000x128xf32, #tpu.memory_space<vmem_shared>>)
      %mul3A_54 = arith.constant 2 : i32
      %mul3A_55 = arith.muli %mul3A_54, %scan3A_35 : i32
      %add3A_56 = arith.constant 3 : i32
      %add3A_57 = arith.addi %mul3A_55, %add3A_56 : i32
      %lt3A_58 = arith.constant 78 : i32
      %lt3A_59 = arith.cmpi slt, %add3A_57, %lt3A_58 : i32
      %convert_element_type3A_60 = arith.extui %lt3A_59 : i1 to i32
      %cond3A_61 = arith.constant 0 : i32
      %cond3A_62 = arith.cmpi ne, %convert_element_type3A_60, %cond3A_61 : i32
      scf.if %cond3A_62 {
        %mul3A_63 = arith.constant 2 : i32
        %mul3A_64 = arith.muli %mul3A_63, %scan3A_35 : i32
        %add3A_65 = arith.constant 3 : i32
        %add3A_66 = arith.addi %mul3A_64, %add3A_65 : i32
        %mul3A_67 = arith.constant 128 : i32
        %mul3A_68 = arith.muli %add3A_66, %mul3A_67 : i32
        %add3A_69 = arith.addi %mul3A_2, %mul3A_68 : i32
        %multiple_of3A_70 = tpu.assume_multiple %add3A_69, 8 : i32
        "tpu.region"() ({
          %run_scoped3A = tpu.sem_alloc : memref<!tpu.dma_semaphore, #tpu.memory_space<semaphore_mem>>
          %dma_start3A_71 = tpu.memref_slice %arg2[%multiple_of3A_70] : memref<320000xi32, #tpu.memory_space<hbm>> -> memref<128xi32, #tpu.memory_space<hbm>>
          %dma_start3A_72 = tpu.memref_slice %arg2[%multiple_of3A_70] : memref<320000xi32, #tpu.memory_space<hbm>> -> memref<128xi32, #tpu.memory_space<hbm>>
          tpu.enqueue_dma source(%dma_start3A_72 : memref<128xi32, #tpu.memory_space<hbm>>) target(%arg7 : memref<128xi32, #tpu.memory_space<vmem>>) target_semaphore(%run_scoped3A : memref<!tpu.dma_semaphore, #tpu.memory_space<semaphore_mem>>)
          %dma_wait3A_73 = tpu.memref_slice %arg2[%multiple_of3A_70] : memref<320000xi32, #tpu.memory_space<hbm>> -> memref<128xi32, #tpu.memory_space<hbm>>
          %dma_wait3A_74 = tpu.memref_slice %arg2[%multiple_of3A_70] : memref<320000xi32, #tpu.memory_space<hbm>> -> memref<128xi32, #tpu.memory_space<hbm>>
          tpu.wait_dma2 semaphore(%run_scoped3A : memref<!tpu.dma_semaphore, #tpu.memory_space<semaphore_mem>>) src(%dma_wait3A_74 : memref<128xi32, #tpu.memory_space<hbm>>) dst(%arg7 : memref<128xi32, #tpu.memory_space<vmem>>)
          tpu.yield
        }) : () -> ()
      } else {
      }
    }
    %scan3A_18 = arith.constant 39 : i32
    %add3A_19 = arith.constant 9984 : i32
    %add3A_20 = arith.addi %mul3A_2, %add3A_19 : i32
    %multiple_of3A_21 = tpu.assume_multiple %add3A_20, 8 : i32
    "tpu.region"() ({
      %run_scoped3A = tpu.sem_alloc : memref<!tpu.dma_semaphore, #tpu.memory_space<semaphore_mem>>
      %dma_start3A = tpu.memref_slice %arg2[%multiple_of3A_21] : memref<320000xi32, #tpu.memory_space<hbm>> -> memref<16xi32, #tpu.memory_space<hbm>>
      %dma_start3A_35 = tpu.memref_slice %arg2[%multiple_of3A_21] : memref<320000xi32, #tpu.memory_space<hbm>> -> memref<16xi32, #tpu.memory_space<hbm>>
      tpu.enqueue_dma source(%dma_start3A_35 : memref<16xi32, #tpu.memory_space<hbm>>) target(%arg8 : memref<16xi32, #tpu.memory_space<vmem>>) target_semaphore(%run_scoped3A : memref<!tpu.dma_semaphore, #tpu.memory_space<semaphore_mem>>)
      %dma_wait3A = tpu.memref_slice %arg2[%multiple_of3A_21] : memref<320000xi32, #tpu.memory_space<hbm>> -> memref<16xi32, #tpu.memory_space<hbm>>
      %dma_wait3A_36 = tpu.memref_slice %arg2[%multiple_of3A_21] : memref<320000xi32, #tpu.memory_space<hbm>> -> memref<16xi32, #tpu.memory_space<hbm>>
      tpu.wait_dma2 semaphore(%run_scoped3A : memref<!tpu.dma_semaphore, #tpu.memory_space<semaphore_mem>>) src(%dma_wait3A_36 : memref<16xi32, #tpu.memory_space<hbm>>) dst(%arg8 : memref<16xi32, #tpu.memory_space<vmem>>)
      tpu.yield
    }) : () -> ()
    "tpu.region"() ({
      %run_scoped3A = tpu.sem_alloc : memref<!tpu.dma_semaphore, #tpu.memory_space<semaphore_mem>>
      %dma_start3A = arith.constant 0 : i32
      %dma_start3A_35 = arith.constant 0 : i32
      %dma_start3A_36 = tpu.memref_slice %arg9[%dma_start3A, %dma_start3A_35] : memref<128x128xf32, #tpu.memory_space<vmem>> -> memref<16x128xf32, #tpu.memory_space<vmem>>
      %dma_start3A_37 = arith.constant 0 : i32
      %dma_start3A_38 = arith.constant 0 : i32
      %dma_start3A_39 = tpu.memref_slice %arg10[%dma_start3A_37, %dma_start3A_38] : memref<10000x128xf32, #tpu.memory_space<vmem_shared>> -> memref<10000x128xf32, #tpu.memory_space<vmem_shared>>
      tpu.enqueue_indirect_dma source(%dma_start3A_36 : memref<16x128xf32, #tpu.memory_space<vmem>>) target(%dma_start3A_39 : memref<10000x128xf32, #tpu.memory_space<vmem_shared>>) offsets(%arg8 : memref<16xi32, #tpu.memory_space<vmem>>) semaphore(%run_scoped3A : memref<!tpu.dma_semaphore, #tpu.memory_space<semaphore_mem>>) {add = true}
      %dma_wait3A = arith.constant 0 : i32
      %dma_wait3A_40 = arith.constant 0 : i32
      %dma_wait3A_41 = tpu.memref_slice %arg9[%dma_wait3A, %dma_wait3A_40] : memref<128x128xf32, #tpu.memory_space<vmem>> -> memref<16x128xf32, #tpu.memory_space<vmem>>
      %dma_wait3A_42 = arith.constant 0 : i32
      %dma_wait3A_43 = arith.constant 0 : i32
      %dma_wait3A_44 = tpu.memref_slice %arg10[%dma_wait3A_42, %dma_wait3A_43] : memref<10000x128xf32, #tpu.memory_space<vmem_shared>> -> memref<10000x128xf32, #tpu.memory_space<vmem_shared>>
      tpu.wait_indirect_dma semaphore(%run_scoped3A : memref<!tpu.dma_semaphore, #tpu.memory_space<semaphore_mem>>) src(%dma_wait3A_41 : memref<16x128xf32, #tpu.memory_space<vmem>>) dst(%dma_wait3A_44 : memref<10000x128xf32, #tpu.memory_space<vmem_shared>>)
      tpu.yield
    }) : () -> ()
    %barrier3A_22 = arith.constant 0 : index
    tpu.barrier barrier_id(%barrier3A_22)
    %mul3A_23 = arith.constant 10000 : i32
    %mul3A_24 = arith.muli %arg0, %mul3A_23 : i32
    %mul3A_25 = arith.constant 624 : i32
    %mul3A_26 = arith.muli %arg1, %mul3A_25 : i32
    %add3A_27 = arith.addi %mul3A_24, %mul3A_26 : i32
    %mul3A_28 = arith.constant 624 : i32
    %mul3A_29 = arith.muli %arg1, %mul3A_28 : i32
    "tpu.region"() ({
      %run_scoped3A = tpu.sem_alloc : memref<!tpu.dma_semaphore, #tpu.memory_space<semaphore_mem>>
      %dma_start3A = arith.constant 0 : i32
      %dma_start3A_35 = tpu.memref_slice %arg5[%add3A_27, %dma_start3A] : memref<20000x128xf32, #tpu.memory_space<hbm>> -> memref<624x128xf32, #tpu.memory_space<hbm>>
      %dma_start3A_36 = arith.constant 0 : i32
      %dma_start3A_37 = tpu.memref_slice %arg10[%mul3A_29, %dma_start3A_36] : memref<10000x128xf32, #tpu.memory_space<vmem_shared>> -> memref<624x128xf32, #tpu.memory_space<vmem_shared>>
      tpu.enqueue_dma source(%dma_start3A_37 : memref<624x128xf32, #tpu.memory_space<vmem_shared>>) target(%dma_start3A_35 : memref<624x128xf32, #tpu.memory_space<hbm>>) target_semaphore(%run_scoped3A : memref<!tpu.dma_semaphore, #tpu.memory_space<semaphore_mem>>)
      %dma_wait3A = arith.constant 0 : i32
      %dma_wait3A_38 = tpu.memref_slice %arg5[%add3A_27, %dma_wait3A] : memref<20000x128xf32, #tpu.memory_space<hbm>> -> memref<624x128xf32, #tpu.memory_space<hbm>>
      %dma_wait3A_39 = arith.constant 0 : i32
      %dma_wait3A_40 = tpu.memref_slice %arg10[%mul3A_29, %dma_wait3A_39] : memref<10000x128xf32, #tpu.memory_space<vmem_shared>> -> memref<624x128xf32, #tpu.memory_space<vmem_shared>>
      tpu.wait_dma2 semaphore(%run_scoped3A : memref<!tpu.dma_semaphore, #tpu.memory_space<semaphore_mem>>) src(%dma_wait3A_40 : memref<624x128xf32, #tpu.memory_space<vmem_shared>>) dst(%dma_wait3A_38 : memref<624x128xf32, #tpu.memory_space<hbm>>)
      tpu.yield
    }) : () -> ()
    %eq3A_30 = arith.constant 15 : i32
    %eq3A_31 = arith.cmpi eq, %arg1, %eq3A_30 : i32
    %convert_element_type3A_32 = arith.extui %eq3A_31 : i1 to i32
    %cond3A_33 = arith.constant 0 : i32
    %cond3A_34 = arith.cmpi ne, %convert_element_type3A_32, %cond3A_33 : i32
    scf.if %cond3A_34 {
      %mul3A_35 = arith.constant 10000 : i32
      %mul3A_36 = arith.muli %arg0, %mul3A_35 : i32
      %add3A_37 = arith.constant 9984 : i32
      %add3A_38 = arith.addi %mul3A_36, %add3A_37 : i32
      "tpu.region"() ({
        %run_scoped3A = tpu.sem_alloc : memref<!tpu.dma_semaphore, #tpu.memory_space<semaphore_mem>>
        %dma_start3A = arith.constant 0 : i32
        %dma_start3A_39 = tpu.memref_slice %arg5[%add3A_38, %dma_start3A] : memref<20000x128xf32, #tpu.memory_space<hbm>> -> memref<16x128xf32, #tpu.memory_space<hbm>>
        %dma_start3A_40 = arith.constant 9984 : i32
        %dma_start3A_41 = arith.constant 0 : i32
        %dma_start3A_42 = tpu.memref_slice %arg10[%dma_start3A_40, %dma_start3A_41] : memref<10000x128xf32, #tpu.memory_space<vmem_shared>> -> memref<16x128xf32, #tpu.memory_space<vmem_shared>>
        tpu.enqueue_dma source(%dma_start3A_42 : memref<16x128xf32, #tpu.memory_space<vmem_shared>>) target(%dma_start3A_39 : memref<16x128xf32, #tpu.memory_space<hbm>>) target_semaphore(%run_scoped3A : memref<!tpu.dma_semaphore, #tpu.memory_space<semaphore_mem>>)
        %dma_wait3A = arith.constant 0 : i32
        %dma_wait3A_43 = tpu.memref_slice %arg5[%add3A_38, %dma_wait3A] : memref<20000x128xf32, #tpu.memory_space<hbm>> -> memref<16x128xf32, #tpu.memory_space<hbm>>
        %dma_wait3A_44 = arith.constant 9984 : i32
        %dma_wait3A_45 = arith.constant 0 : i32
        %dma_wait3A_46 = tpu.memref_slice %arg10[%dma_wait3A_44, %dma_wait3A_45] : memref<10000x128xf32, #tpu.memory_space<vmem_shared>> -> memref<16x128xf32, #tpu.memory_space<vmem_shared>>
        tpu.wait_dma2 semaphore(%run_scoped3A : memref<!tpu.dma_semaphore, #tpu.memory_space<semaphore_mem>>) src(%dma_wait3A_46 : memref<16x128xf32, #tpu.memory_space<vmem_shared>>) dst(%dma_wait3A_43 : memref<16x128xf32, #tpu.memory_space<hbm>>)
        tpu.yield
      }) : () -> ()
    } else {
    }
    return
  }
}

#map = affine_map<(d0, d1) -> (0, 0)>
#map1 = affine_map<(d0, d1) -> (0)>
module attributes {stable_mosaic.version = 14 : i64} {
  func.func @k(%arg0: i32, %arg1: i32, %arg2: memref<10000x128xf32, #tpu.memory_space<hbm>>, %arg3: memref<320000xi32, #tpu.memory_space<hbm>>, %arg4: memref<320000xi32, #tpu.memory_space<hbm>>, %arg5: memref<10000x128xf32, #tpu.memory_space<hbm>>, %arg6: memref<20000x128xf32, #tpu.memory_space<hbm>>, %arg7: memref<128xi32, #tpu.memory_space<vmem>>, %arg8: memref<128xi32, #tpu.memory_space<vmem>>, %arg9: memref<128xi32, #tpu.memory_space<vmem>>, %arg10: memref<128xi32, #tpu.memory_space<vmem>>, %arg11: memref<16xi32, #tpu.memory_space<vmem>>, %arg12: memref<16xi32, #tpu.memory_space<vmem>>, %arg13: memref<128x128xf32, #tpu.memory_space<vmem>>, %arg14: memref<128x128xf32, #tpu.memory_space<vmem>>, %arg15: memref<10000x128xf32, #tpu.memory_space<vmem_shared>>, %arg16: memref<!tpu.dma_semaphore, #tpu.memory_space<semaphore_mem>>, %arg17: memref<!tpu.dma_semaphore, #tpu.memory_space<semaphore_mem>>, %arg18: memref<!tpu.dma_semaphore, #tpu.memory_space<semaphore_mem>>, %arg19: memref<!tpu.dma_semaphore, #tpu.memory_space<semaphore_mem>>) attributes {dimension_semantics = [#tpu.dimension_semantics<core_parallel>, #tpu.dimension_semantics<subcore_parallel>], iteration_bounds = array<i64: 2, 16>, scalar_prefetch = 0 : i64, scratch_operands = 13 : i64, tpu.core_type = #tpu.core_type<sc_vector_subcore>, window_params = [{transform_indices = #map}, {transform_indices = #map1}, {transform_indices = #map1}, {transform_indices = #map}, {transform_indices = #map}]} {
    %mul3A = arith.constant 16 : i32
    %mul3A_0 = arith.muli %arg0, %mul3A : i32
    %add3A = arith.addi %mul3A_0, %arg1 : i32
    %mul3A_1 = arith.constant 10000 : i32
    %mul3A_2 = arith.muli %add3A, %mul3A_1 : i32
    %mul3A_3 = arith.constant 624 : i32
    %mul3A_4 = arith.muli %arg1, %mul3A_3 : i32
    %mul3A_5 = arith.constant 624 : i32
    %mul3A_6 = arith.muli %arg1, %mul3A_5 : i32
    "tpu.region"() ({
      %run_scoped3A = tpu.sem_alloc : memref<!tpu.dma_semaphore, #tpu.memory_space<semaphore_mem>>
      %dma_start3A_51 = arith.constant 0 : i32
      %dma_start3A_52 = tpu.memref_slice %arg15[%mul3A_6, %dma_start3A_51] : memref<10000x128xf32, #tpu.memory_space<vmem_shared>> -> memref<624x128xf32, #tpu.memory_space<vmem_shared>>
      %dma_start3A_53 = arith.constant 0 : i32
      %dma_start3A_54 = tpu.memref_slice %arg5[%mul3A_4, %dma_start3A_53] : memref<10000x128xf32, #tpu.memory_space<hbm>> -> memref<624x128xf32, #tpu.memory_space<hbm>>
      tpu.enqueue_dma source(%dma_start3A_54 : memref<624x128xf32, #tpu.memory_space<hbm>>) target(%dma_start3A_52 : memref<624x128xf32, #tpu.memory_space<vmem_shared>>) target_semaphore(%run_scoped3A : memref<!tpu.dma_semaphore, #tpu.memory_space<semaphore_mem>>)
      %dma_wait3A_55 = arith.constant 0 : i32
      %dma_wait3A_56 = tpu.memref_slice %arg15[%mul3A_6, %dma_wait3A_55] : memref<10000x128xf32, #tpu.memory_space<vmem_shared>> -> memref<624x128xf32, #tpu.memory_space<vmem_shared>>
      %dma_wait3A_57 = arith.constant 0 : i32
      %dma_wait3A_58 = tpu.memref_slice %arg5[%mul3A_4, %dma_wait3A_57] : memref<10000x128xf32, #tpu.memory_space<hbm>> -> memref<624x128xf32, #tpu.memory_space<hbm>>
      tpu.wait_dma2 semaphore(%run_scoped3A : memref<!tpu.dma_semaphore, #tpu.memory_space<semaphore_mem>>) src(%dma_wait3A_58 : memref<624x128xf32, #tpu.memory_space<hbm>>) dst(%dma_wait3A_56 : memref<624x128xf32, #tpu.memory_space<vmem_shared>>)
      tpu.yield
    }) : () -> ()
    %eq3A = arith.constant 15 : i32
    %eq3A_7 = arith.cmpi eq, %arg1, %eq3A : i32
    %convert_element_type3A = arith.extui %eq3A_7 : i1 to i32
    %cond3A = arith.constant 0 : i32
    %cond3A_8 = arith.cmpi ne, %convert_element_type3A, %cond3A : i32
    scf.if %cond3A_8 {
      "tpu.region"() ({
        %run_scoped3A = tpu.sem_alloc : memref<!tpu.dma_semaphore, #tpu.memory_space<semaphore_mem>>
        %dma_start3A_51 = arith.constant 9984 : i32
        %dma_start3A_52 = arith.constant 0 : i32
        %dma_start3A_53 = tpu.memref_slice %arg15[%dma_start3A_51, %dma_start3A_52] : memref<10000x128xf32, #tpu.memory_space<vmem_shared>> -> memref<16x128xf32, #tpu.memory_space<vmem_shared>>
        %dma_start3A_54 = arith.constant 9984 : i32
        %dma_start3A_55 = arith.constant 0 : i32
        %dma_start3A_56 = tpu.memref_slice %arg5[%dma_start3A_54, %dma_start3A_55] : memref<10000x128xf32, #tpu.memory_space<hbm>> -> memref<16x128xf32, #tpu.memory_space<hbm>>
        tpu.enqueue_dma source(%dma_start3A_56 : memref<16x128xf32, #tpu.memory_space<hbm>>) target(%dma_start3A_53 : memref<16x128xf32, #tpu.memory_space<vmem_shared>>) target_semaphore(%run_scoped3A : memref<!tpu.dma_semaphore, #tpu.memory_space<semaphore_mem>>)
        %dma_wait3A_57 = arith.constant 9984 : i32
        %dma_wait3A_58 = arith.constant 0 : i32
        %dma_wait3A_59 = tpu.memref_slice %arg15[%dma_wait3A_57, %dma_wait3A_58] : memref<10000x128xf32, #tpu.memory_space<vmem_shared>> -> memref<16x128xf32, #tpu.memory_space<vmem_shared>>
        %dma_wait3A_60 = arith.constant 9984 : i32
        %dma_wait3A_61 = arith.constant 0 : i32
        %dma_wait3A_62 = tpu.memref_slice %arg5[%dma_wait3A_60, %dma_wait3A_61] : memref<10000x128xf32, #tpu.memory_space<hbm>> -> memref<16x128xf32, #tpu.memory_space<hbm>>
        tpu.wait_dma2 semaphore(%run_scoped3A : memref<!tpu.dma_semaphore, #tpu.memory_space<semaphore_mem>>) src(%dma_wait3A_62 : memref<16x128xf32, #tpu.memory_space<hbm>>) dst(%dma_wait3A_59 : memref<16x128xf32, #tpu.memory_space<vmem_shared>>)
        tpu.yield
      }) : () -> ()
    } else {
    }
    %barrier3A = arith.constant 0 : index
    tpu.barrier barrier_id(%barrier3A)
    %add3A_9 = arith.constant 0 : i32
    %add3A_10 = arith.addi %mul3A_2, %add3A_9 : i32
    %multiple_of3A = tpu.assume_multiple %add3A_10, 8 : i32
    "tpu.region"() ({
      %run_scoped3A = tpu.sem_alloc : memref<!tpu.dma_semaphore, #tpu.memory_space<semaphore_mem>>
      %dma_start3A_51 = tpu.memref_slice %arg3[%multiple_of3A] : memref<320000xi32, #tpu.memory_space<hbm>> -> memref<128xi32, #tpu.memory_space<hbm>>
      %dma_start3A_52 = tpu.memref_slice %arg3[%multiple_of3A] : memref<320000xi32, #tpu.memory_space<hbm>> -> memref<128xi32, #tpu.memory_space<hbm>>
      tpu.enqueue_dma source(%dma_start3A_52 : memref<128xi32, #tpu.memory_space<hbm>>) target(%arg7 : memref<128xi32, #tpu.memory_space<vmem>>) target_semaphore(%run_scoped3A : memref<!tpu.dma_semaphore, #tpu.memory_space<semaphore_mem>>)
      %dma_wait3A_53 = tpu.memref_slice %arg3[%multiple_of3A] : memref<320000xi32, #tpu.memory_space<hbm>> -> memref<128xi32, #tpu.memory_space<hbm>>
      %dma_wait3A_54 = tpu.memref_slice %arg3[%multiple_of3A] : memref<320000xi32, #tpu.memory_space<hbm>> -> memref<128xi32, #tpu.memory_space<hbm>>
      tpu.wait_dma2 semaphore(%run_scoped3A : memref<!tpu.dma_semaphore, #tpu.memory_space<semaphore_mem>>) src(%dma_wait3A_54 : memref<128xi32, #tpu.memory_space<hbm>>) dst(%arg7 : memref<128xi32, #tpu.memory_space<vmem>>)
      tpu.yield
    }) : () -> ()
    "tpu.region"() ({
      %run_scoped3A = tpu.sem_alloc : memref<!tpu.dma_semaphore, #tpu.memory_space<semaphore_mem>>
      %dma_start3A_51 = tpu.memref_slice %arg4[%multiple_of3A] : memref<320000xi32, #tpu.memory_space<hbm>> -> memref<128xi32, #tpu.memory_space<hbm>>
      %dma_start3A_52 = tpu.memref_slice %arg4[%multiple_of3A] : memref<320000xi32, #tpu.memory_space<hbm>> -> memref<128xi32, #tpu.memory_space<hbm>>
      tpu.enqueue_dma source(%dma_start3A_52 : memref<128xi32, #tpu.memory_space<hbm>>) target(%arg8 : memref<128xi32, #tpu.memory_space<vmem>>) target_semaphore(%run_scoped3A : memref<!tpu.dma_semaphore, #tpu.memory_space<semaphore_mem>>)
      %dma_wait3A_53 = tpu.memref_slice %arg4[%multiple_of3A] : memref<320000xi32, #tpu.memory_space<hbm>> -> memref<128xi32, #tpu.memory_space<hbm>>
      %dma_wait3A_54 = tpu.memref_slice %arg4[%multiple_of3A] : memref<320000xi32, #tpu.memory_space<hbm>> -> memref<128xi32, #tpu.memory_space<hbm>>
      tpu.wait_dma2 semaphore(%run_scoped3A : memref<!tpu.dma_semaphore, #tpu.memory_space<semaphore_mem>>) src(%dma_wait3A_54 : memref<128xi32, #tpu.memory_space<hbm>>) dst(%arg8 : memref<128xi32, #tpu.memory_space<vmem>>)
      tpu.yield
    }) : () -> ()
    %dma_start3A = arith.constant 0 : i32
    %dma_start3A_11 = arith.constant 0 : i32
    %dma_start3A_12 = tpu.memref_slice %arg2[%dma_start3A, %dma_start3A_11] : memref<10000x128xf32, #tpu.memory_space<hbm>> -> memref<10000x128xf32, #tpu.memory_space<hbm>>
    tpu.enqueue_indirect_dma source(%dma_start3A_12 : memref<10000x128xf32, #tpu.memory_space<hbm>>) target(%arg13 : memref<128x128xf32, #tpu.memory_space<vmem>>) offsets(%arg7 : memref<128xi32, #tpu.memory_space<vmem>>) semaphore(%arg16 : memref<!tpu.dma_semaphore, #tpu.memory_space<semaphore_mem>>)
    %add3A_13 = arith.constant 128 : i32
    %add3A_14 = arith.addi %mul3A_2, %add3A_13 : i32
    %multiple_of3A_15 = tpu.assume_multiple %add3A_14, 8 : i32
    "tpu.region"() ({
      %run_scoped3A = tpu.sem_alloc : memref<!tpu.dma_semaphore, #tpu.memory_space<semaphore_mem>>
      %dma_start3A_51 = tpu.memref_slice %arg3[%multiple_of3A_15] : memref<320000xi32, #tpu.memory_space<hbm>> -> memref<128xi32, #tpu.memory_space<hbm>>
      %dma_start3A_52 = tpu.memref_slice %arg3[%multiple_of3A_15] : memref<320000xi32, #tpu.memory_space<hbm>> -> memref<128xi32, #tpu.memory_space<hbm>>
      tpu.enqueue_dma source(%dma_start3A_52 : memref<128xi32, #tpu.memory_space<hbm>>) target(%arg9 : memref<128xi32, #tpu.memory_space<vmem>>) target_semaphore(%run_scoped3A : memref<!tpu.dma_semaphore, #tpu.memory_space<semaphore_mem>>)
      %dma_wait3A_53 = tpu.memref_slice %arg3[%multiple_of3A_15] : memref<320000xi32, #tpu.memory_space<hbm>> -> memref<128xi32, #tpu.memory_space<hbm>>
      %dma_wait3A_54 = tpu.memref_slice %arg3[%multiple_of3A_15] : memref<320000xi32, #tpu.memory_space<hbm>> -> memref<128xi32, #tpu.memory_space<hbm>>
      tpu.wait_dma2 semaphore(%run_scoped3A : memref<!tpu.dma_semaphore, #tpu.memory_space<semaphore_mem>>) src(%dma_wait3A_54 : memref<128xi32, #tpu.memory_space<hbm>>) dst(%arg9 : memref<128xi32, #tpu.memory_space<vmem>>)
      tpu.yield
    }) : () -> ()
    "tpu.region"() ({
      %run_scoped3A = tpu.sem_alloc : memref<!tpu.dma_semaphore, #tpu.memory_space<semaphore_mem>>
      %dma_start3A_51 = tpu.memref_slice %arg4[%multiple_of3A_15] : memref<320000xi32, #tpu.memory_space<hbm>> -> memref<128xi32, #tpu.memory_space<hbm>>
      %dma_start3A_52 = tpu.memref_slice %arg4[%multiple_of3A_15] : memref<320000xi32, #tpu.memory_space<hbm>> -> memref<128xi32, #tpu.memory_space<hbm>>
      tpu.enqueue_dma source(%dma_start3A_52 : memref<128xi32, #tpu.memory_space<hbm>>) target(%arg10 : memref<128xi32, #tpu.memory_space<vmem>>) target_semaphore(%run_scoped3A : memref<!tpu.dma_semaphore, #tpu.memory_space<semaphore_mem>>)
      %dma_wait3A_53 = tpu.memref_slice %arg4[%multiple_of3A_15] : memref<320000xi32, #tpu.memory_space<hbm>> -> memref<128xi32, #tpu.memory_space<hbm>>
      %dma_wait3A_54 = tpu.memref_slice %arg4[%multiple_of3A_15] : memref<320000xi32, #tpu.memory_space<hbm>> -> memref<128xi32, #tpu.memory_space<hbm>>
      tpu.wait_dma2 semaphore(%run_scoped3A : memref<!tpu.dma_semaphore, #tpu.memory_space<semaphore_mem>>) src(%dma_wait3A_54 : memref<128xi32, #tpu.memory_space<hbm>>) dst(%arg10 : memref<128xi32, #tpu.memory_space<vmem>>)
      tpu.yield
    }) : () -> ()
    %dma_start3A_16 = arith.constant 0 : i32
    %dma_start3A_17 = arith.constant 0 : i32
    %dma_start3A_18 = tpu.memref_slice %arg2[%dma_start3A_16, %dma_start3A_17] : memref<10000x128xf32, #tpu.memory_space<hbm>> -> memref<10000x128xf32, #tpu.memory_space<hbm>>
    tpu.enqueue_indirect_dma source(%dma_start3A_18 : memref<10000x128xf32, #tpu.memory_space<hbm>>) target(%arg14 : memref<128x128xf32, #tpu.memory_space<vmem>>) offsets(%arg9 : memref<128xi32, #tpu.memory_space<vmem>>) semaphore(%arg17 : memref<!tpu.dma_semaphore, #tpu.memory_space<semaphore_mem>>)
    %scan3A = arith.constant 0 : i32
    %scan3A_19 = arith.constant 0 : i32
    %scan3A_20 = arith.constant 39 : i32
    %scan3A_21 = arith.addi %scan3A_19, %scan3A_20 : i32
    %scan3A_22 = arith.constant 1 : i32
    scf.for %scan3A_51 = %scan3A_19 to %scan3A_21 step %scan3A_22  : i32 {
      %dma_wait3A_52 = arith.constant 0 : i32
      %dma_wait3A_53 = arith.constant 0 : i32
      %dma_wait3A_54 = tpu.memref_slice %arg2[%dma_wait3A_52, %dma_wait3A_53] : memref<10000x128xf32, #tpu.memory_space<hbm>> -> memref<128x128xf32, #tpu.memory_space<hbm>>
      %dma_wait3A_55 = arith.constant 0 : i32
      %dma_wait3A_56 = arith.constant 0 : i32
      %dma_wait3A_57 = tpu.memref_slice %arg2[%dma_wait3A_55, %dma_wait3A_56] : memref<10000x128xf32, #tpu.memory_space<hbm>> -> memref<128x128xf32, #tpu.memory_space<hbm>>
      tpu.wait_dma2 semaphore(%arg16 : memref<!tpu.dma_semaphore, #tpu.memory_space<semaphore_mem>>) src(%dma_wait3A_57 : memref<128x128xf32, #tpu.memory_space<hbm>>) dst(%arg13 : memref<128x128xf32, #tpu.memory_space<vmem>>)
      %dma_start3A_58 = arith.constant 0 : i32
      %dma_start3A_59 = arith.constant 0 : i32
      %dma_start3A_60 = tpu.memref_slice %arg15[%dma_start3A_58, %dma_start3A_59] : memref<10000x128xf32, #tpu.memory_space<vmem_shared>> -> memref<10000x128xf32, #tpu.memory_space<vmem_shared>>
      tpu.enqueue_indirect_dma source(%arg13 : memref<128x128xf32, #tpu.memory_space<vmem>>) target(%dma_start3A_60 : memref<10000x128xf32, #tpu.memory_space<vmem_shared>>) offsets(%arg8 : memref<128xi32, #tpu.memory_space<vmem>>) semaphore(%arg18 : memref<!tpu.dma_semaphore, #tpu.memory_space<semaphore_mem>>) {add = true}
      %dma_wait3A_61 = arith.constant 0 : i32
      %dma_wait3A_62 = arith.constant 0 : i32
      %dma_wait3A_63 = tpu.memref_slice %arg2[%dma_wait3A_61, %dma_wait3A_62] : memref<10000x128xf32, #tpu.memory_space<hbm>> -> memref<128x128xf32, #tpu.memory_space<hbm>>
      %dma_wait3A_64 = arith.constant 0 : i32
      %dma_wait3A_65 = arith.constant 0 : i32
      %dma_wait3A_66 = tpu.memref_slice %arg2[%dma_wait3A_64, %dma_wait3A_65] : memref<10000x128xf32, #tpu.memory_space<hbm>> -> memref<128x128xf32, #tpu.memory_space<hbm>>
      tpu.wait_dma2 semaphore(%arg17 : memref<!tpu.dma_semaphore, #tpu.memory_space<semaphore_mem>>) src(%dma_wait3A_66 : memref<128x128xf32, #tpu.memory_space<hbm>>) dst(%arg14 : memref<128x128xf32, #tpu.memory_space<vmem>>)
      %dma_start3A_67 = arith.constant 0 : i32
      %dma_start3A_68 = arith.constant 0 : i32
      %dma_start3A_69 = tpu.memref_slice %arg15[%dma_start3A_67, %dma_start3A_68] : memref<10000x128xf32, #tpu.memory_space<vmem_shared>> -> memref<10000x128xf32, #tpu.memory_space<vmem_shared>>
      tpu.enqueue_indirect_dma source(%arg14 : memref<128x128xf32, #tpu.memory_space<vmem>>) target(%dma_start3A_69 : memref<10000x128xf32, #tpu.memory_space<vmem_shared>>) offsets(%arg10 : memref<128xi32, #tpu.memory_space<vmem>>) semaphore(%arg19 : memref<!tpu.dma_semaphore, #tpu.memory_space<semaphore_mem>>) {add = true}
      %dma_wait3A_70 = arith.constant 0 : i32
      %dma_wait3A_71 = arith.constant 0 : i32
      %dma_wait3A_72 = tpu.memref_slice %arg15[%dma_wait3A_70, %dma_wait3A_71] : memref<10000x128xf32, #tpu.memory_space<vmem_shared>> -> memref<10000x128xf32, #tpu.memory_space<vmem_shared>>
      tpu.wait_indirect_dma semaphore(%arg18 : memref<!tpu.dma_semaphore, #tpu.memory_space<semaphore_mem>>) src(%arg13 : memref<128x128xf32, #tpu.memory_space<vmem>>) dst(%dma_wait3A_72 : memref<10000x128xf32, #tpu.memory_space<vmem_shared>>)
      %mul3A_73 = arith.constant 2 : i32
      %mul3A_74 = arith.muli %mul3A_73, %scan3A_51 : i32
      %add3A_75 = arith.constant 2 : i32
      %add3A_76 = arith.addi %mul3A_74, %add3A_75 : i32
      %lt3A = arith.constant 78 : i32
      %lt3A_77 = arith.cmpi slt, %add3A_76, %lt3A : i32
      %convert_element_type3A_78 = arith.extui %lt3A_77 : i1 to i32
      %cond3A_79 = arith.constant 0 : i32
      %cond3A_80 = arith.cmpi ne, %convert_element_type3A_78, %cond3A_79 : i32
      scf.if %cond3A_80 {
        %mul3A_93 = arith.constant 2 : i32
        %mul3A_94 = arith.muli %mul3A_93, %scan3A_51 : i32
        %add3A_95 = arith.constant 2 : i32
        %add3A_96 = arith.addi %mul3A_94, %add3A_95 : i32
        %mul3A_97 = arith.constant 128 : i32
        %mul3A_98 = arith.muli %add3A_96, %mul3A_97 : i32
        %add3A_99 = arith.addi %mul3A_2, %mul3A_98 : i32
        %multiple_of3A_100 = tpu.assume_multiple %add3A_99, 8 : i32
        "tpu.region"() ({
          %run_scoped3A = tpu.sem_alloc : memref<!tpu.dma_semaphore, #tpu.memory_space<semaphore_mem>>
          %dma_start3A_104 = tpu.memref_slice %arg3[%multiple_of3A_100] : memref<320000xi32, #tpu.memory_space<hbm>> -> memref<128xi32, #tpu.memory_space<hbm>>
          %dma_start3A_105 = tpu.memref_slice %arg3[%multiple_of3A_100] : memref<320000xi32, #tpu.memory_space<hbm>> -> memref<128xi32, #tpu.memory_space<hbm>>
          tpu.enqueue_dma source(%dma_start3A_105 : memref<128xi32, #tpu.memory_space<hbm>>) target(%arg7 : memref<128xi32, #tpu.memory_space<vmem>>) target_semaphore(%run_scoped3A : memref<!tpu.dma_semaphore, #tpu.memory_space<semaphore_mem>>)
          %dma_wait3A_106 = tpu.memref_slice %arg3[%multiple_of3A_100] : memref<320000xi32, #tpu.memory_space<hbm>> -> memref<128xi32, #tpu.memory_space<hbm>>
          %dma_wait3A_107 = tpu.memref_slice %arg3[%multiple_of3A_100] : memref<320000xi32, #tpu.memory_space<hbm>> -> memref<128xi32, #tpu.memory_space<hbm>>
          tpu.wait_dma2 semaphore(%run_scoped3A : memref<!tpu.dma_semaphore, #tpu.memory_space<semaphore_mem>>) src(%dma_wait3A_107 : memref<128xi32, #tpu.memory_space<hbm>>) dst(%arg7 : memref<128xi32, #tpu.memory_space<vmem>>)
          tpu.yield
        }) : () -> ()
        "tpu.region"() ({
          %run_scoped3A = tpu.sem_alloc : memref<!tpu.dma_semaphore, #tpu.memory_space<semaphore_mem>>
          %dma_start3A_104 = tpu.memref_slice %arg4[%multiple_of3A_100] : memref<320000xi32, #tpu.memory_space<hbm>> -> memref<128xi32, #tpu.memory_space<hbm>>
          %dma_start3A_105 = tpu.memref_slice %arg4[%multiple_of3A_100] : memref<320000xi32, #tpu.memory_space<hbm>> -> memref<128xi32, #tpu.memory_space<hbm>>
          tpu.enqueue_dma source(%dma_start3A_105 : memref<128xi32, #tpu.memory_space<hbm>>) target(%arg8 : memref<128xi32, #tpu.memory_space<vmem>>) target_semaphore(%run_scoped3A : memref<!tpu.dma_semaphore, #tpu.memory_space<semaphore_mem>>)
          %dma_wait3A_106 = tpu.memref_slice %arg4[%multiple_of3A_100] : memref<320000xi32, #tpu.memory_space<hbm>> -> memref<128xi32, #tpu.memory_space<hbm>>
          %dma_wait3A_107 = tpu.memref_slice %arg4[%multiple_of3A_100] : memref<320000xi32, #tpu.memory_space<hbm>> -> memref<128xi32, #tpu.memory_space<hbm>>
          tpu.wait_dma2 semaphore(%run_scoped3A : memref<!tpu.dma_semaphore, #tpu.memory_space<semaphore_mem>>) src(%dma_wait3A_107 : memref<128xi32, #tpu.memory_space<hbm>>) dst(%arg8 : memref<128xi32, #tpu.memory_space<vmem>>)
          tpu.yield
        }) : () -> ()
        %dma_start3A_101 = arith.constant 0 : i32
        %dma_start3A_102 = arith.constant 0 : i32
        %dma_start3A_103 = tpu.memref_slice %arg2[%dma_start3A_101, %dma_start3A_102] : memref<10000x128xf32, #tpu.memory_space<hbm>> -> memref<10000x128xf32, #tpu.memory_space<hbm>>
        tpu.enqueue_indirect_dma source(%dma_start3A_103 : memref<10000x128xf32, #tpu.memory_space<hbm>>) target(%arg13 : memref<128x128xf32, #tpu.memory_space<vmem>>) offsets(%arg7 : memref<128xi32, #tpu.memory_space<vmem>>) semaphore(%arg16 : memref<!tpu.dma_semaphore, #tpu.memory_space<semaphore_mem>>)
      } else {
      }
      %dma_wait3A_81 = arith.constant 0 : i32
      %dma_wait3A_82 = arith.constant 0 : i32
      %dma_wait3A_83 = tpu.memref_slice %arg15[%dma_wait3A_81, %dma_wait3A_82] : memref<10000x128xf32, #tpu.memory_space<vmem_shared>> -> memref<10000x128xf32, #tpu.memory_space<vmem_shared>>
      tpu.wait_indirect_dma semaphore(%arg19 : memref<!tpu.dma_semaphore, #tpu.memory_space<semaphore_mem>>) src(%arg14 : memref<128x128xf32, #tpu.memory_space<vmem>>) dst(%dma_wait3A_83 : memref<10000x128xf32, #tpu.memory_space<vmem_shared>>)
      %mul3A_84 = arith.constant 2 : i32
      %mul3A_85 = arith.muli %mul3A_84, %scan3A_51 : i32
      %add3A_86 = arith.constant 3 : i32
      %add3A_87 = arith.addi %mul3A_85, %add3A_86 : i32
      %lt3A_88 = arith.constant 78 : i32
      %lt3A_89 = arith.cmpi slt, %add3A_87, %lt3A_88 : i32
      %convert_element_type3A_90 = arith.extui %lt3A_89 : i1 to i32
      %cond3A_91 = arith.constant 0 : i32
      %cond3A_92 = arith.cmpi ne, %convert_element_type3A_90, %cond3A_91 : i32
      scf.if %cond3A_92 {
        %mul3A_93 = arith.constant 2 : i32
        %mul3A_94 = arith.muli %mul3A_93, %scan3A_51 : i32
        %add3A_95 = arith.constant 3 : i32
        %add3A_96 = arith.addi %mul3A_94, %add3A_95 : i32
        %mul3A_97 = arith.constant 128 : i32
        %mul3A_98 = arith.muli %add3A_96, %mul3A_97 : i32
        %add3A_99 = arith.addi %mul3A_2, %mul3A_98 : i32
        %multiple_of3A_100 = tpu.assume_multiple %add3A_99, 8 : i32
        "tpu.region"() ({
          %run_scoped3A = tpu.sem_alloc : memref<!tpu.dma_semaphore, #tpu.memory_space<semaphore_mem>>
          %dma_start3A_104 = tpu.memref_slice %arg3[%multiple_of3A_100] : memref<320000xi32, #tpu.memory_space<hbm>> -> memref<128xi32, #tpu.memory_space<hbm>>
          %dma_start3A_105 = tpu.memref_slice %arg3[%multiple_of3A_100] : memref<320000xi32, #tpu.memory_space<hbm>> -> memref<128xi32, #tpu.memory_space<hbm>>
          tpu.enqueue_dma source(%dma_start3A_105 : memref<128xi32, #tpu.memory_space<hbm>>) target(%arg9 : memref<128xi32, #tpu.memory_space<vmem>>) target_semaphore(%run_scoped3A : memref<!tpu.dma_semaphore, #tpu.memory_space<semaphore_mem>>)
          %dma_wait3A_106 = tpu.memref_slice %arg3[%multiple_of3A_100] : memref<320000xi32, #tpu.memory_space<hbm>> -> memref<128xi32, #tpu.memory_space<hbm>>
          %dma_wait3A_107 = tpu.memref_slice %arg3[%multiple_of3A_100] : memref<320000xi32, #tpu.memory_space<hbm>> -> memref<128xi32, #tpu.memory_space<hbm>>
          tpu.wait_dma2 semaphore(%run_scoped3A : memref<!tpu.dma_semaphore, #tpu.memory_space<semaphore_mem>>) src(%dma_wait3A_107 : memref<128xi32, #tpu.memory_space<hbm>>) dst(%arg9 : memref<128xi32, #tpu.memory_space<vmem>>)
          tpu.yield
        }) : () -> ()
        "tpu.region"() ({
          %run_scoped3A = tpu.sem_alloc : memref<!tpu.dma_semaphore, #tpu.memory_space<semaphore_mem>>
          %dma_start3A_104 = tpu.memref_slice %arg4[%multiple_of3A_100] : memref<320000xi32, #tpu.memory_space<hbm>> -> memref<128xi32, #tpu.memory_space<hbm>>
          %dma_start3A_105 = tpu.memref_slice %arg4[%multiple_of3A_100] : memref<320000xi32, #tpu.memory_space<hbm>> -> memref<128xi32, #tpu.memory_space<hbm>>
          tpu.enqueue_dma source(%dma_start3A_105 : memref<128xi32, #tpu.memory_space<hbm>>) target(%arg10 : memref<128xi32, #tpu.memory_space<vmem>>) target_semaphore(%run_scoped3A : memref<!tpu.dma_semaphore, #tpu.memory_space<semaphore_mem>>)
          %dma_wait3A_106 = tpu.memref_slice %arg4[%multiple_of3A_100] : memref<320000xi32, #tpu.memory_space<hbm>> -> memref<128xi32, #tpu.memory_space<hbm>>
          %dma_wait3A_107 = tpu.memref_slice %arg4[%multiple_of3A_100] : memref<320000xi32, #tpu.memory_space<hbm>> -> memref<128xi32, #tpu.memory_space<hbm>>
          tpu.wait_dma2 semaphore(%run_scoped3A : memref<!tpu.dma_semaphore, #tpu.memory_space<semaphore_mem>>) src(%dma_wait3A_107 : memref<128xi32, #tpu.memory_space<hbm>>) dst(%arg10 : memref<128xi32, #tpu.memory_space<vmem>>)
          tpu.yield
        }) : () -> ()
        %dma_start3A_101 = arith.constant 0 : i32
        %dma_start3A_102 = arith.constant 0 : i32
        %dma_start3A_103 = tpu.memref_slice %arg2[%dma_start3A_101, %dma_start3A_102] : memref<10000x128xf32, #tpu.memory_space<hbm>> -> memref<10000x128xf32, #tpu.memory_space<hbm>>
        tpu.enqueue_indirect_dma source(%dma_start3A_103 : memref<10000x128xf32, #tpu.memory_space<hbm>>) target(%arg14 : memref<128x128xf32, #tpu.memory_space<vmem>>) offsets(%arg9 : memref<128xi32, #tpu.memory_space<vmem>>) semaphore(%arg17 : memref<!tpu.dma_semaphore, #tpu.memory_space<semaphore_mem>>)
      } else {
      }
    }
    %scan3A_23 = arith.constant 39 : i32
    %add3A_24 = arith.constant 9984 : i32
    %add3A_25 = arith.addi %mul3A_2, %add3A_24 : i32
    %multiple_of3A_26 = tpu.assume_multiple %add3A_25, 8 : i32
    "tpu.region"() ({
      %run_scoped3A = tpu.sem_alloc : memref<!tpu.dma_semaphore, #tpu.memory_space<semaphore_mem>>
      %dma_start3A_51 = tpu.memref_slice %arg3[%multiple_of3A_26] : memref<320000xi32, #tpu.memory_space<hbm>> -> memref<16xi32, #tpu.memory_space<hbm>>
      %dma_start3A_52 = tpu.memref_slice %arg3[%multiple_of3A_26] : memref<320000xi32, #tpu.memory_space<hbm>> -> memref<16xi32, #tpu.memory_space<hbm>>
      tpu.enqueue_dma source(%dma_start3A_52 : memref<16xi32, #tpu.memory_space<hbm>>) target(%arg11 : memref<16xi32, #tpu.memory_space<vmem>>) target_semaphore(%run_scoped3A : memref<!tpu.dma_semaphore, #tpu.memory_space<semaphore_mem>>)
      %dma_wait3A_53 = tpu.memref_slice %arg3[%multiple_of3A_26] : memref<320000xi32, #tpu.memory_space<hbm>> -> memref<16xi32, #tpu.memory_space<hbm>>
      %dma_wait3A_54 = tpu.memref_slice %arg3[%multiple_of3A_26] : memref<320000xi32, #tpu.memory_space<hbm>> -> memref<16xi32, #tpu.memory_space<hbm>>
      tpu.wait_dma2 semaphore(%run_scoped3A : memref<!tpu.dma_semaphore, #tpu.memory_space<semaphore_mem>>) src(%dma_wait3A_54 : memref<16xi32, #tpu.memory_space<hbm>>) dst(%arg11 : memref<16xi32, #tpu.memory_space<vmem>>)
      tpu.yield
    }) : () -> ()
    "tpu.region"() ({
      %run_scoped3A = tpu.sem_alloc : memref<!tpu.dma_semaphore, #tpu.memory_space<semaphore_mem>>
      %dma_start3A_51 = tpu.memref_slice %arg4[%multiple_of3A_26] : memref<320000xi32, #tpu.memory_space<hbm>> -> memref<16xi32, #tpu.memory_space<hbm>>
      %dma_start3A_52 = tpu.memref_slice %arg4[%multiple_of3A_26] : memref<320000xi32, #tpu.memory_space<hbm>> -> memref<16xi32, #tpu.memory_space<hbm>>
      tpu.enqueue_dma source(%dma_start3A_52 : memref<16xi32, #tpu.memory_space<hbm>>) target(%arg12 : memref<16xi32, #tpu.memory_space<vmem>>) target_semaphore(%run_scoped3A : memref<!tpu.dma_semaphore, #tpu.memory_space<semaphore_mem>>)
      %dma_wait3A_53 = tpu.memref_slice %arg4[%multiple_of3A_26] : memref<320000xi32, #tpu.memory_space<hbm>> -> memref<16xi32, #tpu.memory_space<hbm>>
      %dma_wait3A_54 = tpu.memref_slice %arg4[%multiple_of3A_26] : memref<320000xi32, #tpu.memory_space<hbm>> -> memref<16xi32, #tpu.memory_space<hbm>>
      tpu.wait_dma2 semaphore(%run_scoped3A : memref<!tpu.dma_semaphore, #tpu.memory_space<semaphore_mem>>) src(%dma_wait3A_54 : memref<16xi32, #tpu.memory_space<hbm>>) dst(%arg12 : memref<16xi32, #tpu.memory_space<vmem>>)
      tpu.yield
    }) : () -> ()
    %dma_start3A_27 = arith.constant 0 : i32
    %dma_start3A_28 = arith.constant 0 : i32
    %dma_start3A_29 = tpu.memref_slice %arg13[%dma_start3A_27, %dma_start3A_28] : memref<128x128xf32, #tpu.memory_space<vmem>> -> memref<16x128xf32, #tpu.memory_space<vmem>>
    %dma_start3A_30 = arith.constant 0 : i32
    %dma_start3A_31 = arith.constant 0 : i32
    %dma_start3A_32 = tpu.memref_slice %arg2[%dma_start3A_30, %dma_start3A_31] : memref<10000x128xf32, #tpu.memory_space<hbm>> -> memref<10000x128xf32, #tpu.memory_space<hbm>>
    tpu.enqueue_indirect_dma source(%dma_start3A_32 : memref<10000x128xf32, #tpu.memory_space<hbm>>) target(%dma_start3A_29 : memref<16x128xf32, #tpu.memory_space<vmem>>) offsets(%arg11 : memref<16xi32, #tpu.memory_space<vmem>>) semaphore(%arg16 : memref<!tpu.dma_semaphore, #tpu.memory_space<semaphore_mem>>)
    %dma_wait3A = arith.constant 0 : i32
    %dma_wait3A_33 = arith.constant 0 : i32
    %dma_wait3A_34 = tpu.memref_slice %arg13[%dma_wait3A, %dma_wait3A_33] : memref<128x128xf32, #tpu.memory_space<vmem>> -> memref<16x128xf32, #tpu.memory_space<vmem>>
    %dma_wait3A_35 = arith.constant 0 : i32
    %dma_wait3A_36 = arith.constant 0 : i32
    %dma_wait3A_37 = tpu.memref_slice %arg2[%dma_wait3A_35, %dma_wait3A_36] : memref<10000x128xf32, #tpu.memory_space<hbm>> -> memref<10000x128xf32, #tpu.memory_space<hbm>>
    tpu.wait_indirect_dma semaphore(%arg16 : memref<!tpu.dma_semaphore, #tpu.memory_space<semaphore_mem>>) src(%dma_wait3A_37 : memref<10000x128xf32, #tpu.memory_space<hbm>>) dst(%dma_wait3A_34 : memref<16x128xf32, #tpu.memory_space<vmem>>)
    "tpu.region"() ({
      %run_scoped3A = tpu.sem_alloc : memref<!tpu.dma_semaphore, #tpu.memory_space<semaphore_mem>>
      %dma_start3A_51 = arith.constant 0 : i32
      %dma_start3A_52 = arith.constant 0 : i32
      %dma_start3A_53 = tpu.memref_slice %arg13[%dma_start3A_51, %dma_start3A_52] : memref<128x128xf32, #tpu.memory_space<vmem>> -> memref<16x128xf32, #tpu.memory_space<vmem>>
      %dma_start3A_54 = arith.constant 0 : i32
      %dma_start3A_55 = arith.constant 0 : i32
      %dma_start3A_56 = tpu.memref_slice %arg15[%dma_start3A_54, %dma_start3A_55] : memref<10000x128xf32, #tpu.memory_space<vmem_shared>> -> memref<10000x128xf32, #tpu.memory_space<vmem_shared>>
      tpu.enqueue_indirect_dma source(%dma_start3A_53 : memref<16x128xf32, #tpu.memory_space<vmem>>) target(%dma_start3A_56 : memref<10000x128xf32, #tpu.memory_space<vmem_shared>>) offsets(%arg12 : memref<16xi32, #tpu.memory_space<vmem>>) semaphore(%run_scoped3A : memref<!tpu.dma_semaphore, #tpu.memory_space<semaphore_mem>>) {add = true}
      %dma_wait3A_57 = arith.constant 0 : i32
      %dma_wait3A_58 = arith.constant 0 : i32
      %dma_wait3A_59 = tpu.memref_slice %arg13[%dma_wait3A_57, %dma_wait3A_58] : memref<128x128xf32, #tpu.memory_space<vmem>> -> memref<16x128xf32, #tpu.memory_space<vmem>>
      %dma_wait3A_60 = arith.constant 0 : i32
      %dma_wait3A_61 = arith.constant 0 : i32
      %dma_wait3A_62 = tpu.memref_slice %arg15[%dma_wait3A_60, %dma_wait3A_61] : memref<10000x128xf32, #tpu.memory_space<vmem_shared>> -> memref<10000x128xf32, #tpu.memory_space<vmem_shared>>
      tpu.wait_indirect_dma semaphore(%run_scoped3A : memref<!tpu.dma_semaphore, #tpu.memory_space<semaphore_mem>>) src(%dma_wait3A_59 : memref<16x128xf32, #tpu.memory_space<vmem>>) dst(%dma_wait3A_62 : memref<10000x128xf32, #tpu.memory_space<vmem_shared>>)
      tpu.yield
    }) : () -> ()
    %barrier3A_38 = arith.constant 0 : index
    tpu.barrier barrier_id(%barrier3A_38)
    %mul3A_39 = arith.constant 10000 : i32
    %mul3A_40 = arith.muli %arg0, %mul3A_39 : i32
    %mul3A_41 = arith.constant 624 : i32
    %mul3A_42 = arith.muli %arg1, %mul3A_41 : i32
    %add3A_43 = arith.addi %mul3A_40, %mul3A_42 : i32
    %mul3A_44 = arith.constant 624 : i32
    %mul3A_45 = arith.muli %arg1, %mul3A_44 : i32
    "tpu.region"() ({
      %run_scoped3A = tpu.sem_alloc : memref<!tpu.dma_semaphore, #tpu.memory_space<semaphore_mem>>
      %dma_start3A_51 = arith.constant 0 : i32
      %dma_start3A_52 = tpu.memref_slice %arg6[%add3A_43, %dma_start3A_51] : memref<20000x128xf32, #tpu.memory_space<hbm>> -> memref<624x128xf32, #tpu.memory_space<hbm>>
      %dma_start3A_53 = arith.constant 0 : i32
      %dma_start3A_54 = tpu.memref_slice %arg15[%mul3A_45, %dma_start3A_53] : memref<10000x128xf32, #tpu.memory_space<vmem_shared>> -> memref<624x128xf32, #tpu.memory_space<vmem_shared>>
      tpu.enqueue_dma source(%dma_start3A_54 : memref<624x128xf32, #tpu.memory_space<vmem_shared>>) target(%dma_start3A_52 : memref<624x128xf32, #tpu.memory_space<hbm>>) target_semaphore(%run_scoped3A : memref<!tpu.dma_semaphore, #tpu.memory_space<semaphore_mem>>)
      %dma_wait3A_55 = arith.constant 0 : i32
      %dma_wait3A_56 = tpu.memref_slice %arg6[%add3A_43, %dma_wait3A_55] : memref<20000x128xf32, #tpu.memory_space<hbm>> -> memref<624x128xf32, #tpu.memory_space<hbm>>
      %dma_wait3A_57 = arith.constant 0 : i32
      %dma_wait3A_58 = tpu.memref_slice %arg15[%mul3A_45, %dma_wait3A_57] : memref<10000x128xf32, #tpu.memory_space<vmem_shared>> -> memref<624x128xf32, #tpu.memory_space<vmem_shared>>
      tpu.wait_dma2 semaphore(%run_scoped3A : memref<!tpu.dma_semaphore, #tpu.memory_space<semaphore_mem>>) src(%dma_wait3A_58 : memref<624x128xf32, #tpu.memory_space<vmem_shared>>) dst(%dma_wait3A_56 : memref<624x128xf32, #tpu.memory_space<hbm>>)
      tpu.yield
    }) : () -> ()
    %eq3A_46 = arith.constant 15 : i32
    %eq3A_47 = arith.cmpi eq, %arg1, %eq3A_46 : i32
    %convert_element_type3A_48 = arith.extui %eq3A_47 : i1 to i32
    %cond3A_49 = arith.constant 0 : i32
    %cond3A_50 = arith.cmpi ne, %convert_element_type3A_48, %cond3A_49 : i32
    scf.if %cond3A_50 {
      %mul3A_51 = arith.constant 10000 : i32
      %mul3A_52 = arith.muli %arg0, %mul3A_51 : i32
      %add3A_53 = arith.constant 9984 : i32
      %add3A_54 = arith.addi %mul3A_52, %add3A_53 : i32
      "tpu.region"() ({
        %run_scoped3A = tpu.sem_alloc : memref<!tpu.dma_semaphore, #tpu.memory_space<semaphore_mem>>
        %dma_start3A_55 = arith.constant 0 : i32
        %dma_start3A_56 = tpu.memref_slice %arg6[%add3A_54, %dma_start3A_55] : memref<20000x128xf32, #tpu.memory_space<hbm>> -> memref<16x128xf32, #tpu.memory_space<hbm>>
        %dma_start3A_57 = arith.constant 9984 : i32
        %dma_start3A_58 = arith.constant 0 : i32
        %dma_start3A_59 = tpu.memref_slice %arg15[%dma_start3A_57, %dma_start3A_58] : memref<10000x128xf32, #tpu.memory_space<vmem_shared>> -> memref<16x128xf32, #tpu.memory_space<vmem_shared>>
        tpu.enqueue_dma source(%dma_start3A_59 : memref<16x128xf32, #tpu.memory_space<vmem_shared>>) target(%dma_start3A_56 : memref<16x128xf32, #tpu.memory_space<hbm>>) target_semaphore(%run_scoped3A : memref<!tpu.dma_semaphore, #tpu.memory_space<semaphore_mem>>)
        %dma_wait3A_60 = arith.constant 0 : i32
        %dma_wait3A_61 = tpu.memref_slice %arg6[%add3A_54, %dma_wait3A_60] : memref<20000x128xf32, #tpu.memory_space<hbm>> -> memref<16x128xf32, #tpu.memory_space<hbm>>
        %dma_wait3A_62 = arith.constant 9984 : i32
        %dma_wait3A_63 = arith.constant 0 : i32
        %dma_wait3A_64 = tpu.memref_slice %arg15[%dma_wait3A_62, %dma_wait3A_63] : memref<10000x128xf32, #tpu.memory_space<vmem_shared>> -> memref<16x128xf32, #tpu.memory_space<vmem_shared>>
        tpu.wait_dma2 semaphore(%run_scoped3A : memref<!tpu.dma_semaphore, #tpu.memory_space<semaphore_mem>>) src(%dma_wait3A_64 : memref<16x128xf32, #tpu.memory_space<vmem_shared>>) dst(%dma_wait3A_61 : memref<16x128xf32, #tpu.memory_space<hbm>>)
        tpu.yield
      }) : () -> ()
    } else {
    }
    return
  }
}

#map = affine_map<(d0, d1) -> (0, 0)>
#map1 = affine_map<(d0, d1) -> (0)>
module attributes {stable_mosaic.version = 14 : i64} {
  func.func @k(%arg0: i32, %arg1: i32, %arg2: memref<10000x128xf32, #tpu.memory_space<hbm>>, %arg3: memref<320000xi32, #tpu.memory_space<hbm>>, %arg4: memref<320000xi32, #tpu.memory_space<hbm>>, %arg5: memref<10000x128xf32, #tpu.memory_space<hbm>>, %arg6: memref<20000x128xf32, #tpu.memory_space<hbm>>, %arg7: memref<128xi32, #tpu.memory_space<vmem>>, %arg8: memref<128xi32, #tpu.memory_space<vmem>>, %arg9: memref<128xi32, #tpu.memory_space<vmem>>, %arg10: memref<128xi32, #tpu.memory_space<vmem>>, %arg11: memref<16xi32, #tpu.memory_space<vmem>>, %arg12: memref<16xi32, #tpu.memory_space<vmem>>, %arg13: memref<128x128xf32, #tpu.memory_space<vmem>>, %arg14: memref<128x128xf32, #tpu.memory_space<vmem>>, %arg15: memref<10000x128xf32, #tpu.memory_space<vmem_shared>>, %arg16: memref<!tpu.dma_semaphore, #tpu.memory_space<semaphore_mem>>, %arg17: memref<!tpu.dma_semaphore, #tpu.memory_space<semaphore_mem>>, %arg18: memref<!tpu.dma_semaphore, #tpu.memory_space<semaphore_mem>>, %arg19: memref<!tpu.dma_semaphore, #tpu.memory_space<semaphore_mem>>) attributes {dimension_semantics = [#tpu.dimension_semantics<core_parallel>, #tpu.dimension_semantics<subcore_parallel>], iteration_bounds = array<i64: 2, 16>, scalar_prefetch = 0 : i64, scratch_operands = 13 : i64, tpu.core_type = #tpu.core_type<sc_vector_subcore>, window_params = [{transform_indices = #map}, {transform_indices = #map1}, {transform_indices = #map1}, {transform_indices = #map}, {transform_indices = #map}]} {
    %mul3A = arith.constant 16 : i32
    %mul3A_0 = arith.muli %arg0, %mul3A : i32
    %add3A = arith.addi %mul3A_0, %arg1 : i32
    %mul3A_1 = arith.constant 10000 : i32
    %mul3A_2 = arith.muli %add3A, %mul3A_1 : i32
    %mul3A_3 = arith.constant 624 : i32
    %mul3A_4 = arith.muli %arg1, %mul3A_3 : i32
    %mul3A_5 = arith.constant 624 : i32
    %mul3A_6 = arith.muli %arg1, %mul3A_5 : i32
    "tpu.region"() ({
      %run_scoped3A = tpu.sem_alloc : memref<!tpu.dma_semaphore, #tpu.memory_space<semaphore_mem>>
      %dma_start3A_51 = arith.constant 0 : i32
      %dma_start3A_52 = tpu.memref_slice %arg15[%mul3A_6, %dma_start3A_51] : memref<10000x128xf32, #tpu.memory_space<vmem_shared>> -> memref<624x128xf32, #tpu.memory_space<vmem_shared>>
      %dma_start3A_53 = arith.constant 0 : i32
      %dma_start3A_54 = tpu.memref_slice %arg5[%mul3A_4, %dma_start3A_53] : memref<10000x128xf32, #tpu.memory_space<hbm>> -> memref<624x128xf32, #tpu.memory_space<hbm>>
      tpu.enqueue_dma source(%dma_start3A_54 : memref<624x128xf32, #tpu.memory_space<hbm>>) target(%dma_start3A_52 : memref<624x128xf32, #tpu.memory_space<vmem_shared>>) target_semaphore(%run_scoped3A : memref<!tpu.dma_semaphore, #tpu.memory_space<semaphore_mem>>)
      %dma_wait3A_55 = arith.constant 0 : i32
      %dma_wait3A_56 = tpu.memref_slice %arg15[%mul3A_6, %dma_wait3A_55] : memref<10000x128xf32, #tpu.memory_space<vmem_shared>> -> memref<624x128xf32, #tpu.memory_space<vmem_shared>>
      %dma_wait3A_57 = arith.constant 0 : i32
      %dma_wait3A_58 = tpu.memref_slice %arg5[%mul3A_4, %dma_wait3A_57] : memref<10000x128xf32, #tpu.memory_space<hbm>> -> memref<624x128xf32, #tpu.memory_space<hbm>>
      tpu.wait_dma2 semaphore(%run_scoped3A : memref<!tpu.dma_semaphore, #tpu.memory_space<semaphore_mem>>) src(%dma_wait3A_58 : memref<624x128xf32, #tpu.memory_space<hbm>>) dst(%dma_wait3A_56 : memref<624x128xf32, #tpu.memory_space<vmem_shared>>)
      tpu.yield
    }) : () -> ()
    %eq3A = arith.constant 15 : i32
    %eq3A_7 = arith.cmpi eq, %arg1, %eq3A : i32
    %convert_element_type3A = arith.extui %eq3A_7 : i1 to i32
    %cond3A = arith.constant 0 : i32
    %cond3A_8 = arith.cmpi ne, %convert_element_type3A, %cond3A : i32
    scf.if %cond3A_8 {
      "tpu.region"() ({
        %run_scoped3A = tpu.sem_alloc : memref<!tpu.dma_semaphore, #tpu.memory_space<semaphore_mem>>
        %dma_start3A_51 = arith.constant 9984 : i32
        %dma_start3A_52 = arith.constant 0 : i32
        %dma_start3A_53 = tpu.memref_slice %arg15[%dma_start3A_51, %dma_start3A_52] : memref<10000x128xf32, #tpu.memory_space<vmem_shared>> -> memref<16x128xf32, #tpu.memory_space<vmem_shared>>
        %dma_start3A_54 = arith.constant 9984 : i32
        %dma_start3A_55 = arith.constant 0 : i32
        %dma_start3A_56 = tpu.memref_slice %arg5[%dma_start3A_54, %dma_start3A_55] : memref<10000x128xf32, #tpu.memory_space<hbm>> -> memref<16x128xf32, #tpu.memory_space<hbm>>
        tpu.enqueue_dma source(%dma_start3A_56 : memref<16x128xf32, #tpu.memory_space<hbm>>) target(%dma_start3A_53 : memref<16x128xf32, #tpu.memory_space<vmem_shared>>) target_semaphore(%run_scoped3A : memref<!tpu.dma_semaphore, #tpu.memory_space<semaphore_mem>>)
        %dma_wait3A_57 = arith.constant 9984 : i32
        %dma_wait3A_58 = arith.constant 0 : i32
        %dma_wait3A_59 = tpu.memref_slice %arg15[%dma_wait3A_57, %dma_wait3A_58] : memref<10000x128xf32, #tpu.memory_space<vmem_shared>> -> memref<16x128xf32, #tpu.memory_space<vmem_shared>>
        %dma_wait3A_60 = arith.constant 9984 : i32
        %dma_wait3A_61 = arith.constant 0 : i32
        %dma_wait3A_62 = tpu.memref_slice %arg5[%dma_wait3A_60, %dma_wait3A_61] : memref<10000x128xf32, #tpu.memory_space<hbm>> -> memref<16x128xf32, #tpu.memory_space<hbm>>
        tpu.wait_dma2 semaphore(%run_scoped3A : memref<!tpu.dma_semaphore, #tpu.memory_space<semaphore_mem>>) src(%dma_wait3A_62 : memref<16x128xf32, #tpu.memory_space<hbm>>) dst(%dma_wait3A_59 : memref<16x128xf32, #tpu.memory_space<vmem_shared>>)
        tpu.yield
      }) : () -> ()
    } else {
    }
    %barrier3A = arith.constant 0 : index
    tpu.barrier barrier_id(%barrier3A)
    %add3A_9 = arith.constant 0 : i32
    %add3A_10 = arith.addi %mul3A_2, %add3A_9 : i32
    %multiple_of3A = tpu.assume_multiple %add3A_10, 8 : i32
    "tpu.region"() ({
      %run_scoped3A = tpu.sem_alloc : memref<!tpu.dma_semaphore, #tpu.memory_space<semaphore_mem>>
      %dma_start3A_51 = tpu.memref_slice %arg3[%multiple_of3A] : memref<320000xi32, #tpu.memory_space<hbm>> -> memref<128xi32, #tpu.memory_space<hbm>>
      %dma_start3A_52 = tpu.memref_slice %arg3[%multiple_of3A] : memref<320000xi32, #tpu.memory_space<hbm>> -> memref<128xi32, #tpu.memory_space<hbm>>
      tpu.enqueue_dma source(%dma_start3A_52 : memref<128xi32, #tpu.memory_space<hbm>>) target(%arg7 : memref<128xi32, #tpu.memory_space<vmem>>) target_semaphore(%run_scoped3A : memref<!tpu.dma_semaphore, #tpu.memory_space<semaphore_mem>>)
      %dma_wait3A_53 = tpu.memref_slice %arg3[%multiple_of3A] : memref<320000xi32, #tpu.memory_space<hbm>> -> memref<128xi32, #tpu.memory_space<hbm>>
      %dma_wait3A_54 = tpu.memref_slice %arg3[%multiple_of3A] : memref<320000xi32, #tpu.memory_space<hbm>> -> memref<128xi32, #tpu.memory_space<hbm>>
      tpu.wait_dma2 semaphore(%run_scoped3A : memref<!tpu.dma_semaphore, #tpu.memory_space<semaphore_mem>>) src(%dma_wait3A_54 : memref<128xi32, #tpu.memory_space<hbm>>) dst(%arg7 : memref<128xi32, #tpu.memory_space<vmem>>)
      tpu.yield
    }) : () -> ()
    "tpu.region"() ({
      %run_scoped3A = tpu.sem_alloc : memref<!tpu.dma_semaphore, #tpu.memory_space<semaphore_mem>>
      %dma_start3A_51 = tpu.memref_slice %arg4[%multiple_of3A] : memref<320000xi32, #tpu.memory_space<hbm>> -> memref<128xi32, #tpu.memory_space<hbm>>
      %dma_start3A_52 = tpu.memref_slice %arg4[%multiple_of3A] : memref<320000xi32, #tpu.memory_space<hbm>> -> memref<128xi32, #tpu.memory_space<hbm>>
      tpu.enqueue_dma source(%dma_start3A_52 : memref<128xi32, #tpu.memory_space<hbm>>) target(%arg8 : memref<128xi32, #tpu.memory_space<vmem>>) target_semaphore(%run_scoped3A : memref<!tpu.dma_semaphore, #tpu.memory_space<semaphore_mem>>)
      %dma_wait3A_53 = tpu.memref_slice %arg4[%multiple_of3A] : memref<320000xi32, #tpu.memory_space<hbm>> -> memref<128xi32, #tpu.memory_space<hbm>>
      %dma_wait3A_54 = tpu.memref_slice %arg4[%multiple_of3A] : memref<320000xi32, #tpu.memory_space<hbm>> -> memref<128xi32, #tpu.memory_space<hbm>>
      tpu.wait_dma2 semaphore(%run_scoped3A : memref<!tpu.dma_semaphore, #tpu.memory_space<semaphore_mem>>) src(%dma_wait3A_54 : memref<128xi32, #tpu.memory_space<hbm>>) dst(%arg8 : memref<128xi32, #tpu.memory_space<vmem>>)
      tpu.yield
    }) : () -> ()
    %dma_start3A = arith.constant 0 : i32
    %dma_start3A_11 = arith.constant 0 : i32
    %dma_start3A_12 = tpu.memref_slice %arg2[%dma_start3A, %dma_start3A_11] : memref<10000x128xf32, #tpu.memory_space<hbm>> -> memref<10000x128xf32, #tpu.memory_space<hbm>>
    tpu.enqueue_indirect_dma source(%dma_start3A_12 : memref<10000x128xf32, #tpu.memory_space<hbm>>) target(%arg13 : memref<128x128xf32, #tpu.memory_space<vmem>>) offsets(%arg7 : memref<128xi32, #tpu.memory_space<vmem>>) semaphore(%arg16 : memref<!tpu.dma_semaphore, #tpu.memory_space<semaphore_mem>>)
    %add3A_13 = arith.constant 128 : i32
    %add3A_14 = arith.addi %mul3A_2, %add3A_13 : i32
    %multiple_of3A_15 = tpu.assume_multiple %add3A_14, 8 : i32
    "tpu.region"() ({
      %run_scoped3A = tpu.sem_alloc : memref<!tpu.dma_semaphore, #tpu.memory_space<semaphore_mem>>
      %dma_start3A_51 = tpu.memref_slice %arg3[%multiple_of3A_15] : memref<320000xi32, #tpu.memory_space<hbm>> -> memref<128xi32, #tpu.memory_space<hbm>>
      %dma_start3A_52 = tpu.memref_slice %arg3[%multiple_of3A_15] : memref<320000xi32, #tpu.memory_space<hbm>> -> memref<128xi32, #tpu.memory_space<hbm>>
      tpu.enqueue_dma source(%dma_start3A_52 : memref<128xi32, #tpu.memory_space<hbm>>) target(%arg9 : memref<128xi32, #tpu.memory_space<vmem>>) target_semaphore(%run_scoped3A : memref<!tpu.dma_semaphore, #tpu.memory_space<semaphore_mem>>)
      %dma_wait3A_53 = tpu.memref_slice %arg3[%multiple_of3A_15] : memref<320000xi32, #tpu.memory_space<hbm>> -> memref<128xi32, #tpu.memory_space<hbm>>
      %dma_wait3A_54 = tpu.memref_slice %arg3[%multiple_of3A_15] : memref<320000xi32, #tpu.memory_space<hbm>> -> memref<128xi32, #tpu.memory_space<hbm>>
      tpu.wait_dma2 semaphore(%run_scoped3A : memref<!tpu.dma_semaphore, #tpu.memory_space<semaphore_mem>>) src(%dma_wait3A_54 : memref<128xi32, #tpu.memory_space<hbm>>) dst(%arg9 : memref<128xi32, #tpu.memory_space<vmem>>)
      tpu.yield
    }) : () -> ()
    "tpu.region"() ({
      %run_scoped3A = tpu.sem_alloc : memref<!tpu.dma_semaphore, #tpu.memory_space<semaphore_mem>>
      %dma_start3A_51 = tpu.memref_slice %arg4[%multiple_of3A_15] : memref<320000xi32, #tpu.memory_space<hbm>> -> memref<128xi32, #tpu.memory_space<hbm>>
      %dma_start3A_52 = tpu.memref_slice %arg4[%multiple_of3A_15] : memref<320000xi32, #tpu.memory_space<hbm>> -> memref<128xi32, #tpu.memory_space<hbm>>
      tpu.enqueue_dma source(%dma_start3A_52 : memref<128xi32, #tpu.memory_space<hbm>>) target(%arg10 : memref<128xi32, #tpu.memory_space<vmem>>) target_semaphore(%run_scoped3A : memref<!tpu.dma_semaphore, #tpu.memory_space<semaphore_mem>>)
      %dma_wait3A_53 = tpu.memref_slice %arg4[%multiple_of3A_15] : memref<320000xi32, #tpu.memory_space<hbm>> -> memref<128xi32, #tpu.memory_space<hbm>>
      %dma_wait3A_54 = tpu.memref_slice %arg4[%multiple_of3A_15] : memref<320000xi32, #tpu.memory_space<hbm>> -> memref<128xi32, #tpu.memory_space<hbm>>
      tpu.wait_dma2 semaphore(%run_scoped3A : memref<!tpu.dma_semaphore, #tpu.memory_space<semaphore_mem>>) src(%dma_wait3A_54 : memref<128xi32, #tpu.memory_space<hbm>>) dst(%arg10 : memref<128xi32, #tpu.memory_space<vmem>>)
      tpu.yield
    }) : () -> ()
    %dma_start3A_16 = arith.constant 0 : i32
    %dma_start3A_17 = arith.constant 0 : i32
    %dma_start3A_18 = tpu.memref_slice %arg2[%dma_start3A_16, %dma_start3A_17] : memref<10000x128xf32, #tpu.memory_space<hbm>> -> memref<10000x128xf32, #tpu.memory_space<hbm>>
    tpu.enqueue_indirect_dma source(%dma_start3A_18 : memref<10000x128xf32, #tpu.memory_space<hbm>>) target(%arg14 : memref<128x128xf32, #tpu.memory_space<vmem>>) offsets(%arg9 : memref<128xi32, #tpu.memory_space<vmem>>) semaphore(%arg17 : memref<!tpu.dma_semaphore, #tpu.memory_space<semaphore_mem>>)
    %scan3A = arith.constant 0 : i32
    %scan3A_19 = arith.constant 0 : i32
    %scan3A_20 = arith.constant 39 : i32
    %scan3A_21 = arith.addi %scan3A_19, %scan3A_20 : i32
    %scan3A_22 = arith.constant 1 : i32
    scf.for %scan3A_51 = %scan3A_19 to %scan3A_21 step %scan3A_22  : i32 {
      %dma_wait3A_52 = arith.constant 0 : i32
      %dma_wait3A_53 = arith.constant 0 : i32
      %dma_wait3A_54 = tpu.memref_slice %arg2[%dma_wait3A_52, %dma_wait3A_53] : memref<10000x128xf32, #tpu.memory_space<hbm>> -> memref<128x128xf32, #tpu.memory_space<hbm>>
      %dma_wait3A_55 = arith.constant 0 : i32
      %dma_wait3A_56 = arith.constant 0 : i32
      %dma_wait3A_57 = tpu.memref_slice %arg2[%dma_wait3A_55, %dma_wait3A_56] : memref<10000x128xf32, #tpu.memory_space<hbm>> -> memref<128x128xf32, #tpu.memory_space<hbm>>
      tpu.wait_dma2 semaphore(%arg16 : memref<!tpu.dma_semaphore, #tpu.memory_space<semaphore_mem>>) src(%dma_wait3A_57 : memref<128x128xf32, #tpu.memory_space<hbm>>) dst(%arg13 : memref<128x128xf32, #tpu.memory_space<vmem>>)
      %dma_start3A_58 = arith.constant 0 : i32
      %dma_start3A_59 = arith.constant 0 : i32
      %dma_start3A_60 = tpu.memref_slice %arg15[%dma_start3A_58, %dma_start3A_59] : memref<10000x128xf32, #tpu.memory_space<vmem_shared>> -> memref<10000x128xf32, #tpu.memory_space<vmem_shared>>
      tpu.enqueue_indirect_dma source(%arg13 : memref<128x128xf32, #tpu.memory_space<vmem>>) target(%dma_start3A_60 : memref<10000x128xf32, #tpu.memory_space<vmem_shared>>) offsets(%arg8 : memref<128xi32, #tpu.memory_space<vmem>>) semaphore(%arg18 : memref<!tpu.dma_semaphore, #tpu.memory_space<semaphore_mem>>) {add = true}
      %dma_wait3A_61 = arith.constant 0 : i32
      %dma_wait3A_62 = arith.constant 0 : i32
      %dma_wait3A_63 = tpu.memref_slice %arg2[%dma_wait3A_61, %dma_wait3A_62] : memref<10000x128xf32, #tpu.memory_space<hbm>> -> memref<128x128xf32, #tpu.memory_space<hbm>>
      %dma_wait3A_64 = arith.constant 0 : i32
      %dma_wait3A_65 = arith.constant 0 : i32
      %dma_wait3A_66 = tpu.memref_slice %arg2[%dma_wait3A_64, %dma_wait3A_65] : memref<10000x128xf32, #tpu.memory_space<hbm>> -> memref<128x128xf32, #tpu.memory_space<hbm>>
      tpu.wait_dma2 semaphore(%arg17 : memref<!tpu.dma_semaphore, #tpu.memory_space<semaphore_mem>>) src(%dma_wait3A_66 : memref<128x128xf32, #tpu.memory_space<hbm>>) dst(%arg14 : memref<128x128xf32, #tpu.memory_space<vmem>>)
      %dma_start3A_67 = arith.constant 0 : i32
      %dma_start3A_68 = arith.constant 0 : i32
      %dma_start3A_69 = tpu.memref_slice %arg15[%dma_start3A_67, %dma_start3A_68] : memref<10000x128xf32, #tpu.memory_space<vmem_shared>> -> memref<10000x128xf32, #tpu.memory_space<vmem_shared>>
      tpu.enqueue_indirect_dma source(%arg14 : memref<128x128xf32, #tpu.memory_space<vmem>>) target(%dma_start3A_69 : memref<10000x128xf32, #tpu.memory_space<vmem_shared>>) offsets(%arg10 : memref<128xi32, #tpu.memory_space<vmem>>) semaphore(%arg19 : memref<!tpu.dma_semaphore, #tpu.memory_space<semaphore_mem>>) {add = true}
      %dma_wait3A_70 = arith.constant 0 : i32
      %dma_wait3A_71 = arith.constant 0 : i32
      %dma_wait3A_72 = tpu.memref_slice %arg15[%dma_wait3A_70, %dma_wait3A_71] : memref<10000x128xf32, #tpu.memory_space<vmem_shared>> -> memref<10000x128xf32, #tpu.memory_space<vmem_shared>>
      tpu.wait_indirect_dma semaphore(%arg18 : memref<!tpu.dma_semaphore, #tpu.memory_space<semaphore_mem>>) src(%arg13 : memref<128x128xf32, #tpu.memory_space<vmem>>) dst(%dma_wait3A_72 : memref<10000x128xf32, #tpu.memory_space<vmem_shared>>)
      %mul3A_73 = arith.constant 2 : i32
      %mul3A_74 = arith.muli %mul3A_73, %scan3A_51 : i32
      %add3A_75 = arith.constant 2 : i32
      %add3A_76 = arith.addi %mul3A_74, %add3A_75 : i32
      %lt3A = arith.constant 78 : i32
      %lt3A_77 = arith.cmpi slt, %add3A_76, %lt3A : i32
      %convert_element_type3A_78 = arith.extui %lt3A_77 : i1 to i32
      %cond3A_79 = arith.constant 0 : i32
      %cond3A_80 = arith.cmpi ne, %convert_element_type3A_78, %cond3A_79 : i32
      scf.if %cond3A_80 {
        %mul3A_93 = arith.constant 2 : i32
        %mul3A_94 = arith.muli %mul3A_93, %scan3A_51 : i32
        %add3A_95 = arith.constant 2 : i32
        %add3A_96 = arith.addi %mul3A_94, %add3A_95 : i32
        %mul3A_97 = arith.constant 128 : i32
        %mul3A_98 = arith.muli %add3A_96, %mul3A_97 : i32
        %add3A_99 = arith.addi %mul3A_2, %mul3A_98 : i32
        %multiple_of3A_100 = tpu.assume_multiple %add3A_99, 8 : i32
        "tpu.region"() ({
          %run_scoped3A = tpu.sem_alloc : memref<!tpu.dma_semaphore, #tpu.memory_space<semaphore_mem>>
          %dma_start3A_104 = tpu.memref_slice %arg3[%multiple_of3A_100] : memref<320000xi32, #tpu.memory_space<hbm>> -> memref<128xi32, #tpu.memory_space<hbm>>
          %dma_start3A_105 = tpu.memref_slice %arg3[%multiple_of3A_100] : memref<320000xi32, #tpu.memory_space<hbm>> -> memref<128xi32, #tpu.memory_space<hbm>>
          tpu.enqueue_dma source(%dma_start3A_105 : memref<128xi32, #tpu.memory_space<hbm>>) target(%arg7 : memref<128xi32, #tpu.memory_space<vmem>>) target_semaphore(%run_scoped3A : memref<!tpu.dma_semaphore, #tpu.memory_space<semaphore_mem>>)
          %dma_wait3A_106 = tpu.memref_slice %arg3[%multiple_of3A_100] : memref<320000xi32, #tpu.memory_space<hbm>> -> memref<128xi32, #tpu.memory_space<hbm>>
          %dma_wait3A_107 = tpu.memref_slice %arg3[%multiple_of3A_100] : memref<320000xi32, #tpu.memory_space<hbm>> -> memref<128xi32, #tpu.memory_space<hbm>>
          tpu.wait_dma2 semaphore(%run_scoped3A : memref<!tpu.dma_semaphore, #tpu.memory_space<semaphore_mem>>) src(%dma_wait3A_107 : memref<128xi32, #tpu.memory_space<hbm>>) dst(%arg7 : memref<128xi32, #tpu.memory_space<vmem>>)
          tpu.yield
        }) : () -> ()
        "tpu.region"() ({
          %run_scoped3A = tpu.sem_alloc : memref<!tpu.dma_semaphore, #tpu.memory_space<semaphore_mem>>
          %dma_start3A_104 = tpu.memref_slice %arg4[%multiple_of3A_100] : memref<320000xi32, #tpu.memory_space<hbm>> -> memref<128xi32, #tpu.memory_space<hbm>>
          %dma_start3A_105 = tpu.memref_slice %arg4[%multiple_of3A_100] : memref<320000xi32, #tpu.memory_space<hbm>> -> memref<128xi32, #tpu.memory_space<hbm>>
          tpu.enqueue_dma source(%dma_start3A_105 : memref<128xi32, #tpu.memory_space<hbm>>) target(%arg8 : memref<128xi32, #tpu.memory_space<vmem>>) target_semaphore(%run_scoped3A : memref<!tpu.dma_semaphore, #tpu.memory_space<semaphore_mem>>)
          %dma_wait3A_106 = tpu.memref_slice %arg4[%multiple_of3A_100] : memref<320000xi32, #tpu.memory_space<hbm>> -> memref<128xi32, #tpu.memory_space<hbm>>
          %dma_wait3A_107 = tpu.memref_slice %arg4[%multiple_of3A_100] : memref<320000xi32, #tpu.memory_space<hbm>> -> memref<128xi32, #tpu.memory_space<hbm>>
          tpu.wait_dma2 semaphore(%run_scoped3A : memref<!tpu.dma_semaphore, #tpu.memory_space<semaphore_mem>>) src(%dma_wait3A_107 : memref<128xi32, #tpu.memory_space<hbm>>) dst(%arg8 : memref<128xi32, #tpu.memory_space<vmem>>)
          tpu.yield
        }) : () -> ()
        %dma_start3A_101 = arith.constant 0 : i32
        %dma_start3A_102 = arith.constant 0 : i32
        %dma_start3A_103 = tpu.memref_slice %arg2[%dma_start3A_101, %dma_start3A_102] : memref<10000x128xf32, #tpu.memory_space<hbm>> -> memref<10000x128xf32, #tpu.memory_space<hbm>>
        tpu.enqueue_indirect_dma source(%dma_start3A_103 : memref<10000x128xf32, #tpu.memory_space<hbm>>) target(%arg13 : memref<128x128xf32, #tpu.memory_space<vmem>>) offsets(%arg7 : memref<128xi32, #tpu.memory_space<vmem>>) semaphore(%arg16 : memref<!tpu.dma_semaphore, #tpu.memory_space<semaphore_mem>>)
      } else {
      }
      %dma_wait3A_81 = arith.constant 0 : i32
      %dma_wait3A_82 = arith.constant 0 : i32
      %dma_wait3A_83 = tpu.memref_slice %arg15[%dma_wait3A_81, %dma_wait3A_82] : memref<10000x128xf32, #tpu.memory_space<vmem_shared>> -> memref<10000x128xf32, #tpu.memory_space<vmem_shared>>
      tpu.wait_indirect_dma semaphore(%arg19 : memref<!tpu.dma_semaphore, #tpu.memory_space<semaphore_mem>>) src(%arg14 : memref<128x128xf32, #tpu.memory_space<vmem>>) dst(%dma_wait3A_83 : memref<10000x128xf32, #tpu.memory_space<vmem_shared>>)
      %mul3A_84 = arith.constant 2 : i32
      %mul3A_85 = arith.muli %mul3A_84, %scan3A_51 : i32
      %add3A_86 = arith.constant 3 : i32
      %add3A_87 = arith.addi %mul3A_85, %add3A_86 : i32
      %lt3A_88 = arith.constant 78 : i32
      %lt3A_89 = arith.cmpi slt, %add3A_87, %lt3A_88 : i32
      %convert_element_type3A_90 = arith.extui %lt3A_89 : i1 to i32
      %cond3A_91 = arith.constant 0 : i32
      %cond3A_92 = arith.cmpi ne, %convert_element_type3A_90, %cond3A_91 : i32
      scf.if %cond3A_92 {
        %mul3A_93 = arith.constant 2 : i32
        %mul3A_94 = arith.muli %mul3A_93, %scan3A_51 : i32
        %add3A_95 = arith.constant 3 : i32
        %add3A_96 = arith.addi %mul3A_94, %add3A_95 : i32
        %mul3A_97 = arith.constant 128 : i32
        %mul3A_98 = arith.muli %add3A_96, %mul3A_97 : i32
        %add3A_99 = arith.addi %mul3A_2, %mul3A_98 : i32
        %multiple_of3A_100 = tpu.assume_multiple %add3A_99, 8 : i32
        "tpu.region"() ({
          %run_scoped3A = tpu.sem_alloc : memref<!tpu.dma_semaphore, #tpu.memory_space<semaphore_mem>>
          %dma_start3A_104 = tpu.memref_slice %arg3[%multiple_of3A_100] : memref<320000xi32, #tpu.memory_space<hbm>> -> memref<128xi32, #tpu.memory_space<hbm>>
          %dma_start3A_105 = tpu.memref_slice %arg3[%multiple_of3A_100] : memref<320000xi32, #tpu.memory_space<hbm>> -> memref<128xi32, #tpu.memory_space<hbm>>
          tpu.enqueue_dma source(%dma_start3A_105 : memref<128xi32, #tpu.memory_space<hbm>>) target(%arg9 : memref<128xi32, #tpu.memory_space<vmem>>) target_semaphore(%run_scoped3A : memref<!tpu.dma_semaphore, #tpu.memory_space<semaphore_mem>>)
          %dma_wait3A_106 = tpu.memref_slice %arg3[%multiple_of3A_100] : memref<320000xi32, #tpu.memory_space<hbm>> -> memref<128xi32, #tpu.memory_space<hbm>>
          %dma_wait3A_107 = tpu.memref_slice %arg3[%multiple_of3A_100] : memref<320000xi32, #tpu.memory_space<hbm>> -> memref<128xi32, #tpu.memory_space<hbm>>
          tpu.wait_dma2 semaphore(%run_scoped3A : memref<!tpu.dma_semaphore, #tpu.memory_space<semaphore_mem>>) src(%dma_wait3A_107 : memref<128xi32, #tpu.memory_space<hbm>>) dst(%arg9 : memref<128xi32, #tpu.memory_space<vmem>>)
          tpu.yield
        }) : () -> ()
        "tpu.region"() ({
          %run_scoped3A = tpu.sem_alloc : memref<!tpu.dma_semaphore, #tpu.memory_space<semaphore_mem>>
          %dma_start3A_104 = tpu.memref_slice %arg4[%multiple_of3A_100] : memref<320000xi32, #tpu.memory_space<hbm>> -> memref<128xi32, #tpu.memory_space<hbm>>
          %dma_start3A_105 = tpu.memref_slice %arg4[%multiple_of3A_100] : memref<320000xi32, #tpu.memory_space<hbm>> -> memref<128xi32, #tpu.memory_space<hbm>>
          tpu.enqueue_dma source(%dma_start3A_105 : memref<128xi32, #tpu.memory_space<hbm>>) target(%arg10 : memref<128xi32, #tpu.memory_space<vmem>>) target_semaphore(%run_scoped3A : memref<!tpu.dma_semaphore, #tpu.memory_space<semaphore_mem>>)
          %dma_wait3A_106 = tpu.memref_slice %arg4[%multiple_of3A_100] : memref<320000xi32, #tpu.memory_space<hbm>> -> memref<128xi32, #tpu.memory_space<hbm>>
          %dma_wait3A_107 = tpu.memref_slice %arg4[%multiple_of3A_100] : memref<320000xi32, #tpu.memory_space<hbm>> -> memref<128xi32, #tpu.memory_space<hbm>>
          tpu.wait_dma2 semaphore(%run_scoped3A : memref<!tpu.dma_semaphore, #tpu.memory_space<semaphore_mem>>) src(%dma_wait3A_107 : memref<128xi32, #tpu.memory_space<hbm>>) dst(%arg10 : memref<128xi32, #tpu.memory_space<vmem>>)
          tpu.yield
        }) : () -> ()
        %dma_start3A_101 = arith.constant 0 : i32
        %dma_start3A_102 = arith.constant 0 : i32
        %dma_start3A_103 = tpu.memref_slice %arg2[%dma_start3A_101, %dma_start3A_102] : memref<10000x128xf32, #tpu.memory_space<hbm>> -> memref<10000x128xf32, #tpu.memory_space<hbm>>
        tpu.enqueue_indirect_dma source(%dma_start3A_103 : memref<10000x128xf32, #tpu.memory_space<hbm>>) target(%arg14 : memref<128x128xf32, #tpu.memory_space<vmem>>) offsets(%arg9 : memref<128xi32, #tpu.memory_space<vmem>>) semaphore(%arg17 : memref<!tpu.dma_semaphore, #tpu.memory_space<semaphore_mem>>)
      } else {
      }
    }
    %scan3A_23 = arith.constant 39 : i32
    %add3A_24 = arith.constant 9984 : i32
    %add3A_25 = arith.addi %mul3A_2, %add3A_24 : i32
    %multiple_of3A_26 = tpu.assume_multiple %add3A_25, 8 : i32
    "tpu.region"() ({
      %run_scoped3A = tpu.sem_alloc : memref<!tpu.dma_semaphore, #tpu.memory_space<semaphore_mem>>
      %dma_start3A_51 = tpu.memref_slice %arg3[%multiple_of3A_26] : memref<320000xi32, #tpu.memory_space<hbm>> -> memref<16xi32, #tpu.memory_space<hbm>>
      %dma_start3A_52 = tpu.memref_slice %arg3[%multiple_of3A_26] : memref<320000xi32, #tpu.memory_space<hbm>> -> memref<16xi32, #tpu.memory_space<hbm>>
      tpu.enqueue_dma source(%dma_start3A_52 : memref<16xi32, #tpu.memory_space<hbm>>) target(%arg11 : memref<16xi32, #tpu.memory_space<vmem>>) target_semaphore(%run_scoped3A : memref<!tpu.dma_semaphore, #tpu.memory_space<semaphore_mem>>)
      %dma_wait3A_53 = tpu.memref_slice %arg3[%multiple_of3A_26] : memref<320000xi32, #tpu.memory_space<hbm>> -> memref<16xi32, #tpu.memory_space<hbm>>
      %dma_wait3A_54 = tpu.memref_slice %arg3[%multiple_of3A_26] : memref<320000xi32, #tpu.memory_space<hbm>> -> memref<16xi32, #tpu.memory_space<hbm>>
      tpu.wait_dma2 semaphore(%run_scoped3A : memref<!tpu.dma_semaphore, #tpu.memory_space<semaphore_mem>>) src(%dma_wait3A_54 : memref<16xi32, #tpu.memory_space<hbm>>) dst(%arg11 : memref<16xi32, #tpu.memory_space<vmem>>)
      tpu.yield
    }) : () -> ()
    "tpu.region"() ({
      %run_scoped3A = tpu.sem_alloc : memref<!tpu.dma_semaphore, #tpu.memory_space<semaphore_mem>>
      %dma_start3A_51 = tpu.memref_slice %arg4[%multiple_of3A_26] : memref<320000xi32, #tpu.memory_space<hbm>> -> memref<16xi32, #tpu.memory_space<hbm>>
      %dma_start3A_52 = tpu.memref_slice %arg4[%multiple_of3A_26] : memref<320000xi32, #tpu.memory_space<hbm>> -> memref<16xi32, #tpu.memory_space<hbm>>
      tpu.enqueue_dma source(%dma_start3A_52 : memref<16xi32, #tpu.memory_space<hbm>>) target(%arg12 : memref<16xi32, #tpu.memory_space<vmem>>) target_semaphore(%run_scoped3A : memref<!tpu.dma_semaphore, #tpu.memory_space<semaphore_mem>>)
      %dma_wait3A_53 = tpu.memref_slice %arg4[%multiple_of3A_26] : memref<320000xi32, #tpu.memory_space<hbm>> -> memref<16xi32, #tpu.memory_space<hbm>>
      %dma_wait3A_54 = tpu.memref_slice %arg4[%multiple_of3A_26] : memref<320000xi32, #tpu.memory_space<hbm>> -> memref<16xi32, #tpu.memory_space<hbm>>
      tpu.wait_dma2 semaphore(%run_scoped3A : memref<!tpu.dma_semaphore, #tpu.memory_space<semaphore_mem>>) src(%dma_wait3A_54 : memref<16xi32, #tpu.memory_space<hbm>>) dst(%arg12 : memref<16xi32, #tpu.memory_space<vmem>>)
      tpu.yield
    }) : () -> ()
    %dma_start3A_27 = arith.constant 0 : i32
    %dma_start3A_28 = arith.constant 0 : i32
    %dma_start3A_29 = tpu.memref_slice %arg13[%dma_start3A_27, %dma_start3A_28] : memref<128x128xf32, #tpu.memory_space<vmem>> -> memref<16x128xf32, #tpu.memory_space<vmem>>
    %dma_start3A_30 = arith.constant 0 : i32
    %dma_start3A_31 = arith.constant 0 : i32
    %dma_start3A_32 = tpu.memref_slice %arg2[%dma_start3A_30, %dma_start3A_31] : memref<10000x128xf32, #tpu.memory_space<hbm>> -> memref<10000x128xf32, #tpu.memory_space<hbm>>
    tpu.enqueue_indirect_dma source(%dma_start3A_32 : memref<10000x128xf32, #tpu.memory_space<hbm>>) target(%dma_start3A_29 : memref<16x128xf32, #tpu.memory_space<vmem>>) offsets(%arg11 : memref<16xi32, #tpu.memory_space<vmem>>) semaphore(%arg16 : memref<!tpu.dma_semaphore, #tpu.memory_space<semaphore_mem>>)
    %dma_wait3A = arith.constant 0 : i32
    %dma_wait3A_33 = arith.constant 0 : i32
    %dma_wait3A_34 = tpu.memref_slice %arg13[%dma_wait3A, %dma_wait3A_33] : memref<128x128xf32, #tpu.memory_space<vmem>> -> memref<16x128xf32, #tpu.memory_space<vmem>>
    %dma_wait3A_35 = arith.constant 0 : i32
    %dma_wait3A_36 = arith.constant 0 : i32
    %dma_wait3A_37 = tpu.memref_slice %arg2[%dma_wait3A_35, %dma_wait3A_36] : memref<10000x128xf32, #tpu.memory_space<hbm>> -> memref<10000x128xf32, #tpu.memory_space<hbm>>
    tpu.wait_indirect_dma semaphore(%arg16 : memref<!tpu.dma_semaphore, #tpu.memory_space<semaphore_mem>>) src(%dma_wait3A_37 : memref<10000x128xf32, #tpu.memory_space<hbm>>) dst(%dma_wait3A_34 : memref<16x128xf32, #tpu.memory_space<vmem>>)
    "tpu.region"() ({
      %run_scoped3A = tpu.sem_alloc : memref<!tpu.dma_semaphore, #tpu.memory_space<semaphore_mem>>
      %dma_start3A_51 = arith.constant 0 : i32
      %dma_start3A_52 = arith.constant 0 : i32
      %dma_start3A_53 = tpu.memref_slice %arg13[%dma_start3A_51, %dma_start3A_52] : memref<128x128xf32, #tpu.memory_space<vmem>> -> memref<16x128xf32, #tpu.memory_space<vmem>>
      %dma_start3A_54 = arith.constant 0 : i32
      %dma_start3A_55 = arith.constant 0 : i32
      %dma_start3A_56 = tpu.memref_slice %arg15[%dma_start3A_54, %dma_start3A_55] : memref<10000x128xf32, #tpu.memory_space<vmem_shared>> -> memref<10000x128xf32, #tpu.memory_space<vmem_shared>>
      tpu.enqueue_indirect_dma source(%dma_start3A_53 : memref<16x128xf32, #tpu.memory_space<vmem>>) target(%dma_start3A_56 : memref<10000x128xf32, #tpu.memory_space<vmem_shared>>) offsets(%arg12 : memref<16xi32, #tpu.memory_space<vmem>>) semaphore(%run_scoped3A : memref<!tpu.dma_semaphore, #tpu.memory_space<semaphore_mem>>) {add = true}
      %dma_wait3A_57 = arith.constant 0 : i32
      %dma_wait3A_58 = arith.constant 0 : i32
      %dma_wait3A_59 = tpu.memref_slice %arg13[%dma_wait3A_57, %dma_wait3A_58] : memref<128x128xf32, #tpu.memory_space<vmem>> -> memref<16x128xf32, #tpu.memory_space<vmem>>
      %dma_wait3A_60 = arith.constant 0 : i32
      %dma_wait3A_61 = arith.constant 0 : i32
      %dma_wait3A_62 = tpu.memref_slice %arg15[%dma_wait3A_60, %dma_wait3A_61] : memref<10000x128xf32, #tpu.memory_space<vmem_shared>> -> memref<10000x128xf32, #tpu.memory_space<vmem_shared>>
      tpu.wait_indirect_dma semaphore(%run_scoped3A : memref<!tpu.dma_semaphore, #tpu.memory_space<semaphore_mem>>) src(%dma_wait3A_59 : memref<16x128xf32, #tpu.memory_space<vmem>>) dst(%dma_wait3A_62 : memref<10000x128xf32, #tpu.memory_space<vmem_shared>>)
      tpu.yield
    }) : () -> ()
    %barrier3A_38 = arith.constant 0 : index
    tpu.barrier barrier_id(%barrier3A_38)
    %mul3A_39 = arith.constant 10000 : i32
    %mul3A_40 = arith.muli %arg0, %mul3A_39 : i32
    %mul3A_41 = arith.constant 624 : i32
    %mul3A_42 = arith.muli %arg1, %mul3A_41 : i32
    %add3A_43 = arith.addi %mul3A_40, %mul3A_42 : i32
    %mul3A_44 = arith.constant 624 : i32
    %mul3A_45 = arith.muli %arg1, %mul3A_44 : i32
    "tpu.region"() ({
      %run_scoped3A = tpu.sem_alloc : memref<!tpu.dma_semaphore, #tpu.memory_space<semaphore_mem>>
      %dma_start3A_51 = arith.constant 0 : i32
      %dma_start3A_52 = tpu.memref_slice %arg6[%add3A_43, %dma_start3A_51] : memref<20000x128xf32, #tpu.memory_space<hbm>> -> memref<624x128xf32, #tpu.memory_space<hbm>>
      %dma_start3A_53 = arith.constant 0 : i32
      %dma_start3A_54 = tpu.memref_slice %arg15[%mul3A_45, %dma_start3A_53] : memref<10000x128xf32, #tpu.memory_space<vmem_shared>> -> memref<624x128xf32, #tpu.memory_space<vmem_shared>>
      tpu.enqueue_dma source(%dma_start3A_54 : memref<624x128xf32, #tpu.memory_space<vmem_shared>>) target(%dma_start3A_52 : memref<624x128xf32, #tpu.memory_space<hbm>>) target_semaphore(%run_scoped3A : memref<!tpu.dma_semaphore, #tpu.memory_space<semaphore_mem>>)
      %dma_wait3A_55 = arith.constant 0 : i32
      %dma_wait3A_56 = tpu.memref_slice %arg6[%add3A_43, %dma_wait3A_55] : memref<20000x128xf32, #tpu.memory_space<hbm>> -> memref<624x128xf32, #tpu.memory_space<hbm>>
      %dma_wait3A_57 = arith.constant 0 : i32
      %dma_wait3A_58 = tpu.memref_slice %arg15[%mul3A_45, %dma_wait3A_57] : memref<10000x128xf32, #tpu.memory_space<vmem_shared>> -> memref<624x128xf32, #tpu.memory_space<vmem_shared>>
      tpu.wait_dma2 semaphore(%run_scoped3A : memref<!tpu.dma_semaphore, #tpu.memory_space<semaphore_mem>>) src(%dma_wait3A_58 : memref<624x128xf32, #tpu.memory_space<vmem_shared>>) dst(%dma_wait3A_56 : memref<624x128xf32, #tpu.memory_space<hbm>>)
      tpu.yield
    }) : () -> ()
    %eq3A_46 = arith.constant 15 : i32
    %eq3A_47 = arith.cmpi eq, %arg1, %eq3A_46 : i32
    %convert_element_type3A_48 = arith.extui %eq3A_47 : i1 to i32
    %cond3A_49 = arith.constant 0 : i32
    %cond3A_50 = arith.cmpi ne, %convert_element_type3A_48, %cond3A_49 : i32
    scf.if %cond3A_50 {
      %mul3A_51 = arith.constant 10000 : i32
      %mul3A_52 = arith.muli %arg0, %mul3A_51 : i32
      %add3A_53 = arith.constant 9984 : i32
      %add3A_54 = arith.addi %mul3A_52, %add3A_53 : i32
      "tpu.region"() ({
        %run_scoped3A = tpu.sem_alloc : memref<!tpu.dma_semaphore, #tpu.memory_space<semaphore_mem>>
        %dma_start3A_55 = arith.constant 0 : i32
        %dma_start3A_56 = tpu.memref_slice %arg6[%add3A_54, %dma_start3A_55] : memref<20000x128xf32, #tpu.memory_space<hbm>> -> memref<16x128xf32, #tpu.memory_space<hbm>>
        %dma_start3A_57 = arith.constant 9984 : i32
        %dma_start3A_58 = arith.constant 0 : i32
        %dma_start3A_59 = tpu.memref_slice %arg15[%dma_start3A_57, %dma_start3A_58] : memref<10000x128xf32, #tpu.memory_space<vmem_shared>> -> memref<16x128xf32, #tpu.memory_space<vmem_shared>>
        tpu.enqueue_dma source(%dma_start3A_59 : memref<16x128xf32, #tpu.memory_space<vmem_shared>>) target(%dma_start3A_56 : memref<16x128xf32, #tpu.memory_space<hbm>>) target_semaphore(%run_scoped3A : memref<!tpu.dma_semaphore, #tpu.memory_space<semaphore_mem>>)
        %dma_wait3A_60 = arith.constant 0 : i32
        %dma_wait3A_61 = tpu.memref_slice %arg6[%add3A_54, %dma_wait3A_60] : memref<20000x128xf32, #tpu.memory_space<hbm>> -> memref<16x128xf32, #tpu.memory_space<hbm>>
        %dma_wait3A_62 = arith.constant 9984 : i32
        %dma_wait3A_63 = arith.constant 0 : i32
        %dma_wait3A_64 = tpu.memref_slice %arg15[%dma_wait3A_62, %dma_wait3A_63] : memref<10000x128xf32, #tpu.memory_space<vmem_shared>> -> memref<16x128xf32, #tpu.memory_space<vmem_shared>>
        tpu.wait_dma2 semaphore(%run_scoped3A : memref<!tpu.dma_semaphore, #tpu.memory_space<semaphore_mem>>) src(%dma_wait3A_64 : memref<16x128xf32, #tpu.memory_space<vmem_shared>>) dst(%dma_wait3A_61 : memref<16x128xf32, #tpu.memory_space<hbm>>)
        tpu.yield
      }) : () -> ()
    } else {
    }
    return
  }
}

module attributes {stable_mosaic.version = 14 : i64} {
  func.func @body(%arg0: i32, %arg1: memref<2x1000x128xf32, #tpu.memory_space<vmem>>, %arg2: memref<2x1000x128xf32, #tpu.memory_space<vmem>>, %arg3: memref<1000x128xf32, #tpu.memory_space<vmem>>, %arg4: memref<1x128xf32, #tpu.memory_space<vmem>>, %arg5: memref<1x128xf32, #tpu.memory_space<vmem>>, %arg6: memref<1x128xf32, #tpu.memory_space<vmem>>, %arg7: memref<128x128xf32, #tpu.memory_space<vmem>>, %arg8: memref<128x128xf32, #tpu.memory_space<vmem>>, %arg9: memref<1000x128xf32, #tpu.memory_space<vmem>>, %arg10: memref<1000x1xf32, #tpu.memory_space<vmem>>) attributes {dimension_semantics = [#tpu.dimension_semantics<arbitrary>], iteration_bounds = array<i64: 10>, scalar_prefetch = 0 : i64, scratch_operands = 0 : i64, tpu.core_type = #tpu.core_type<tc>, window_params = [{transform_indices = @transform_0, window_bounds = array<i64: 2, 1000, 128>}, {transform_indices = @transform_1, window_bounds = array<i64: 2, 1000, 128>}, {transform_indices = @transform_2, window_bounds = array<i64: 1000, 128>}, {pipeline_mode = #tpu.pipeline_mode<synchronous>, transform_indices = @transform_3, window_bounds = array<i64: 1, 128>}, {pipeline_mode = #tpu.pipeline_mode<synchronous>, transform_indices = @transform_4, window_bounds = array<i64: 1, 128>}, {pipeline_mode = #tpu.pipeline_mode<synchronous>, transform_indices = @transform_5, window_bounds = array<i64: 1, 128>}, {pipeline_mode = #tpu.pipeline_mode<synchronous>, transform_indices = @transform_6, window_bounds = array<i64: 128, 128>}, {pipeline_mode = #tpu.pipeline_mode<synchronous>, transform_indices = @transform_7, window_bounds = array<i64: 128, 128>}, {transform_indices = @transform_8, window_bounds = array<i64: 1000, 128>}, {transform_indices = @transform_9, window_bounds = array<i64: 1000, 1>}]} {
    %get3A = arith.constant 0 : index
    %get3A_0 = arith.constant 0 : index
    %get3A_1 = arith.constant 0 : index
    %get3A_2 = vector.load %arg2[%get3A, %get3A_0, %get3A_1] : memref<2x1000x128xf32, #tpu.memory_space<vmem>>, vector<1x1000x1xf32>
    %get3A_3 = vector.shape_cast %get3A_2 : vector<1x1000x1xf32> to vector<1000x1xf32>
    %get3A_4 = arith.constant 1 : index
    %get3A_5 = arith.constant 0 : index
    %get3A_6 = arith.constant 0 : index
    %get3A_7 = vector.load %arg2[%get3A_4, %get3A_5, %get3A_6] : memref<2x1000x128xf32, #tpu.memory_space<vmem>>, vector<1x1000x1xf32>
    %get3A_8 = vector.shape_cast %get3A_7 : vector<1x1000x1xf32> to vector<1000x1xf32>
    %add3A = arith.addf %get3A_3, %get3A_8 : vector<1000x1xf32>
    %max3A = arith.constant 1.000000e+00 : f32
    %max3A_9 = vector.broadcast %max3A : f32 to vector<1000x1xf32>
    %max3A_10 = arith.maximumf %add3A, %max3A_9 : vector<1000x1xf32>
    %swap3A = arith.constant 0 : index
    %swap3A_11 = arith.constant 0 : index
    %swap3A_12 = vector.load %arg10[%swap3A, %swap3A_11] : memref<1000x1xf32, #tpu.memory_space<vmem>>, vector<1000x1xf32>
    tpu.vector_store %arg10[%swap3A, %swap3A_11], %max3A_10 {strides = array<i32>} : memref<1000x1xf32, #tpu.memory_space<vmem>>, vector<1000x1xf32>,
    %get3A_13 = arith.constant 0 : index
    %get3A_14 = arith.constant 0 : index
    %get3A_15 = arith.constant 0 : index
    %get3A_16 = vector.load %arg1[%get3A_13, %get3A_14, %get3A_15] : memref<2x1000x128xf32, #tpu.memory_space<vmem>>, vector<1x1000x128xf32>
    %get3A_17 = vector.shape_cast %get3A_16 : vector<1x1000x128xf32> to vector<1000x128xf32>
    %get3A_18 = arith.constant 1 : index
    %get3A_19 = arith.constant 0 : index
    %get3A_20 = arith.constant 0 : index
    %get3A_21 = vector.load %arg1[%get3A_18, %get3A_19, %get3A_20] : memref<2x1000x128xf32, #tpu.memory_space<vmem>>, vector<1x1000x128xf32>
    %get3A_22 = vector.shape_cast %get3A_21 : vector<1x1000x128xf32> to vector<1000x128xf32>
    %add3A_23 = arith.addf %get3A_17, %get3A_22 : vector<1000x128xf32>
    %div3A = vector.broadcast %max3A_10 : vector<1000x1xf32> to vector<1000x128xf32>
    %div3A_24 = arith.divf %add3A_23, %div3A : vector<1000x128xf32>
    %get3A_25 = arith.constant 0 : index
    %get3A_26 = arith.constant 0 : index
    %get3A_27 = vector.load %arg7[%get3A_25, %get3A_26] : memref<128x128xf32, #tpu.memory_space<vmem>>, vector<128x128xf32>
    %dot_general3A = arith.constant dense<0.000000e+00> : vector<1000x128xf32>
    %dot_general3A_28 = tpu.matmul %div3A_24, %get3A_27, %dot_general3A {dimension_numbers = #tpu.dot_dimension_numbers<[1], [0], [0], [1], [0, 0, 1, 1], [], []>, transpose_lhs_hint = false} : vector<1000x128xf32>, vector<128x128xf32>, vector<1000x128xf32> -> vector<1000x128xf32>
    %get3A_29 = arith.constant 0 : index
    %get3A_30 = arith.constant 0 : index
    %get3A_31 = vector.load %arg3[%get3A_29, %get3A_30] : memref<1000x128xf32, #tpu.memory_space<vmem>>, vector<1000x128xf32>
    %get3A_32 = arith.constant 0 : index
    %get3A_33 = arith.constant 0 : index
    %get3A_34 = vector.load %arg8[%get3A_32, %get3A_33] : memref<128x128xf32, #tpu.memory_space<vmem>>, vector<128x128xf32>
    %dot_general3A_35 = arith.constant dense<0.000000e+00> : vector<1000x128xf32>
    %dot_general3A_36 = tpu.matmul %get3A_31, %get3A_34, %dot_general3A_35 {dimension_numbers = #tpu.dot_dimension_numbers<[1], [0], [0], [1], [0, 0, 1, 1], [], []>, transpose_lhs_hint = false} : vector<1000x128xf32>, vector<128x128xf32>, vector<1000x128xf32> -> vector<1000x128xf32>
    %add3A_37 = arith.addf %dot_general3A_28, %dot_general3A_36 : vector<1000x128xf32>
    %get3A_38 = arith.constant 0 : index
    %get3A_39 = arith.constant 0 : index
    %get3A_40 = vector.load %arg4[%get3A_38, %get3A_39] : memref<1x128xf32, #tpu.memory_space<vmem>>, vector<1x128xf32>
    %add3A_41 = vector.broadcast %get3A_40 : vector<1x128xf32> to vector<1000x128xf32>
    %add3A_42 = arith.addf %add3A_37, %add3A_41 : vector<1000x128xf32>
    %get3A_43 = arith.constant 0 : index
    %get3A_44 = arith.constant 0 : index
    %get3A_45 = vector.load %arg5[%get3A_43, %get3A_44] : memref<1x128xf32, #tpu.memory_space<vmem>>, vector<1x128xf32>
    %get3A_46 = arith.constant 0 : index
    %get3A_47 = arith.constant 0 : index
    %get3A_48 = vector.load %arg6[%get3A_46, %get3A_47] : memref<1x128xf32, #tpu.memory_space<vmem>>, vector<1x128xf32>
    %reduce_sum3A = arith.constant dense<0.000000e+00> : vector<1000xf32>
    %reduce_sum3A_49 = vector.multi_reduction <add>, %add3A_42, %reduce_sum3A [1] : vector<1000x128xf32> to vector<1000xf32>
    %broadcast_in_dim3A = vector.shape_cast %reduce_sum3A_49 : vector<1000xf32> to vector<1000x1xf32>
    %div3A_50 = arith.constant 1.280000e+02 : f32
    %div3A_51 = vector.broadcast %div3A_50 : f32 to vector<1000x1xf32>
    %div3A_52 = arith.divf %broadcast_in_dim3A, %div3A_51 : vector<1000x1xf32>
    %sub3A = vector.broadcast %div3A_52 : vector<1000x1xf32> to vector<1000x128xf32>
    %sub3A_53 = arith.subf %add3A_42, %sub3A : vector<1000x128xf32>
    %integer_pow3A = arith.mulf %sub3A_53, %sub3A_53 : vector<1000x128xf32>
    %reduce_sum3A_54 = arith.constant dense<0.000000e+00> : vector<1000xf32>
    %reduce_sum3A_55 = vector.multi_reduction <add>, %integer_pow3A, %reduce_sum3A_54 [1] : vector<1000x128xf32> to vector<1000xf32>
    %broadcast_in_dim3A_56 = vector.shape_cast %reduce_sum3A_55 : vector<1000xf32> to vector<1000x1xf32>
    %div3A_57 = arith.constant 1.280000e+02 : f32
    %div3A_58 = vector.broadcast %div3A_57 : f32 to vector<1000x1xf32>
    %div3A_59 = arith.divf %broadcast_in_dim3A_56, %div3A_58 : vector<1000x1xf32>
    %sub3A_60 = vector.broadcast %div3A_52 : vector<1000x1xf32> to vector<1000x128xf32>
    %sub3A_61 = arith.subf %add3A_42, %sub3A_60 : vector<1000x128xf32>
    %add3A_62 = arith.constant 9.99999974E-6 : f32
    %add3A_63 = vector.broadcast %add3A_62 : f32 to vector<1000x1xf32>
    %add3A_64 = arith.addf %div3A_59, %add3A_63 : vector<1000x1xf32>
    %sqrt3A = math.sqrt %add3A_64 : vector<1000x1xf32>
    %div3A_65 = vector.broadcast %sqrt3A : vector<1000x1xf32> to vector<1000x128xf32>
    %div3A_66 = arith.divf %sub3A_61, %div3A_65 : vector<1000x128xf32>
    %mul3A = vector.broadcast %get3A_45 : vector<1x128xf32> to vector<1000x128xf32>
    %mul3A_67 = arith.mulf %div3A_66, %mul3A : vector<1000x128xf32>
    %add3A_68 = vector.broadcast %get3A_48 : vector<1x128xf32> to vector<1000x128xf32>
    %add3A_69 = arith.addf %mul3A_67, %add3A_68 : vector<1000x128xf32>
    %max3A_70 = arith.constant 0.000000e+00 : f32
    %max3A_71 = vector.broadcast %max3A_70 : f32 to vector<1000x128xf32>
    %max3A_72 = arith.maximumf %add3A_69, %max3A_71 : vector<1000x128xf32>
    %swap3A_73 = arith.constant 0 : index
    %swap3A_74 = arith.constant 0 : index
    %swap3A_75 = vector.load %arg9[%swap3A_73, %swap3A_74] : memref<1000x128xf32, #tpu.memory_space<vmem>>, vector<1000x128xf32>
    tpu.vector_store %arg9[%swap3A_73, %swap3A_74], %max3A_72 {strides = array<i32>} : memref<1000x128xf32, #tpu.memory_space<vmem>>, vector<1000x128xf32>,
    return
  }
  func.func @transform_0(%arg0: i32) -> (i32, i32, i32) {
    %c0_i32 = arith.constant 0 : i32
    %c0_i32_0 = arith.constant 0 : i32
    %c0_i32_1 = arith.constant 0 : i32
    return %c0_i32, %arg0, %c0_i32_0 : i32, i32, i32
  }
  func.func @transform_1(%arg0: i32) -> (i32, i32, i32) {
    %c0_i32 = arith.constant 0 : i32
    %c0_i32_0 = arith.constant 0 : i32
    %c0_i32_1 = arith.constant 0 : i32
    return %c0_i32, %arg0, %c0_i32_0 : i32, i32, i32
  }
  func.func @transform_2(%arg0: i32) -> (i32, i32) {
    %c0_i32 = arith.constant 0 : i32
    %c0_i32_0 = arith.constant 0 : i32
    return %arg0, %c0_i32 : i32, i32
  }
  func.func @transform_3(%arg0: i32) -> (i32, i32) {
    %c0_i32 = arith.constant 0 : i32
    %c0_i32_0 = arith.constant 0 : i32
    %c0_i32_1 = arith.constant 0 : i32
    return %c0_i32, %c0_i32_0 : i32, i32
  }
  func.func @transform_4(%arg0: i32) -> (i32, i32) {
    %c0_i32 = arith.constant 0 : i32
    %c0_i32_0 = arith.constant 0 : i32
    %c0_i32_1 = arith.constant 0 : i32
    return %c0_i32, %c0_i32_0 : i32, i32
  }
  func.func @transform_5(%arg0: i32) -> (i32, i32) {
    %c0_i32 = arith.constant 0 : i32
    %c0_i32_0 = arith.constant 0 : i32
    %c0_i32_1 = arith.constant 0 : i32
    return %c0_i32, %c0_i32_0 : i32, i32
  }
  func.func @transform_6(%arg0: i32) -> (i32, i32) {
    %c0_i32 = arith.constant 0 : i32
    %c0_i32_0 = arith.constant 0 : i32
    %c0_i32_1 = arith.constant 0 : i32
    return %c0_i32, %c0_i32_0 : i32, i32
  }
  func.func @transform_7(%arg0: i32) -> (i32, i32) {
    %c0_i32 = arith.constant 0 : i32
    %c0_i32_0 = arith.constant 0 : i32
    %c0_i32_1 = arith.constant 0 : i32
    return %c0_i32, %c0_i32_0 : i32, i32
  }
  func.func @transform_8(%arg0: i32) -> (i32, i32) {
    %c0_i32 = arith.constant 0 : i32
    %c0_i32_0 = arith.constant 0 : i32
    return %arg0, %c0_i32 : i32, i32
  }
  func.func @transform_9(%arg0: i32) -> (i32, i32) {
    %c0_i32 = arith.constant 0 : i32
    %c0_i32_0 = arith.constant 0 : i32
    return %arg0, %c0_i32 : i32, i32
  }
}

module attributes {stable_mosaic.version = 14 : i64} {
  func.func @body(%arg0: i32, %arg1: memref<2x1000x128xf32, #tpu.memory_space<vmem>>, %arg2: memref<1000x1xf32, #tpu.memory_space<vmem>>, %arg3: memref<1000x128xf32, #tpu.memory_space<vmem>>, %arg4: memref<1x128xf32, #tpu.memory_space<vmem>>, %arg5: memref<1x128xf32, #tpu.memory_space<vmem>>, %arg6: memref<1x128xf32, #tpu.memory_space<vmem>>, %arg7: memref<128x128xf32, #tpu.memory_space<vmem>>, %arg8: memref<128x128xf32, #tpu.memory_space<vmem>>, %arg9: memref<1000x128xf32, #tpu.memory_space<vmem>>) attributes {dimension_semantics = [#tpu.dimension_semantics<arbitrary>], iteration_bounds = array<i64: 10>, scalar_prefetch = 0 : i64, scratch_operands = 0 : i64, tpu.core_type = #tpu.core_type<tc>, window_params = [{transform_indices = @transform_0, window_bounds = array<i64: 2, 1000, 128>}, {transform_indices = @transform_1, window_bounds = array<i64: 1000, 1>}, {transform_indices = @transform_2, window_bounds = array<i64: 1000, 128>}, {pipeline_mode = #tpu.pipeline_mode<synchronous>, transform_indices = @transform_3, window_bounds = array<i64: 1, 128>}, {pipeline_mode = #tpu.pipeline_mode<synchronous>, transform_indices = @transform_4, window_bounds = array<i64: 1, 128>}, {pipeline_mode = #tpu.pipeline_mode<synchronous>, transform_indices = @transform_5, window_bounds = array<i64: 1, 128>}, {pipeline_mode = #tpu.pipeline_mode<synchronous>, transform_indices = @transform_6, window_bounds = array<i64: 128, 128>}, {pipeline_mode = #tpu.pipeline_mode<synchronous>, transform_indices = @transform_7, window_bounds = array<i64: 128, 128>}, {transform_indices = @transform_8, window_bounds = array<i64: 1000, 128>}]} {
    %get3A = arith.constant 0 : index
    %get3A_0 = arith.constant 0 : index
    %get3A_1 = arith.constant 0 : index
    %get3A_2 = vector.load %arg1[%get3A, %get3A_0, %get3A_1] : memref<2x1000x128xf32, #tpu.memory_space<vmem>>, vector<1x1000x128xf32>
    %get3A_3 = vector.shape_cast %get3A_2 : vector<1x1000x128xf32> to vector<1000x128xf32>
    %get3A_4 = arith.constant 1 : index
    %get3A_5 = arith.constant 0 : index
    %get3A_6 = arith.constant 0 : index
    %get3A_7 = vector.load %arg1[%get3A_4, %get3A_5, %get3A_6] : memref<2x1000x128xf32, #tpu.memory_space<vmem>>, vector<1x1000x128xf32>
    %get3A_8 = vector.shape_cast %get3A_7 : vector<1x1000x128xf32> to vector<1000x128xf32>
    %add3A = arith.addf %get3A_3, %get3A_8 : vector<1000x128xf32>
    %get3A_9 = arith.constant 0 : index
    %get3A_10 = arith.constant 0 : index
    %get3A_11 = vector.load %arg2[%get3A_9, %get3A_10] : memref<1000x1xf32, #tpu.memory_space<vmem>>, vector<1000x1xf32>
    %div3A = vector.broadcast %get3A_11 : vector<1000x1xf32> to vector<1000x128xf32>
    %div3A_12 = arith.divf %add3A, %div3A : vector<1000x128xf32>
    %get3A_13 = arith.constant 0 : index
    %get3A_14 = arith.constant 0 : index
    %get3A_15 = vector.load %arg7[%get3A_13, %get3A_14] : memref<128x128xf32, #tpu.memory_space<vmem>>, vector<128x128xf32>
    %dot_general3A = arith.constant dense<0.000000e+00> : vector<1000x128xf32>
    %dot_general3A_16 = tpu.matmul %div3A_12, %get3A_15, %dot_general3A {dimension_numbers = #tpu.dot_dimension_numbers<[1], [0], [0], [1], [0, 0, 1, 1], [], []>, transpose_lhs_hint = false} : vector<1000x128xf32>, vector<128x128xf32>, vector<1000x128xf32> -> vector<1000x128xf32>
    %get3A_17 = arith.constant 0 : index
    %get3A_18 = arith.constant 0 : index
    %get3A_19 = vector.load %arg3[%get3A_17, %get3A_18] : memref<1000x128xf32, #tpu.memory_space<vmem>>, vector<1000x128xf32>
    %get3A_20 = arith.constant 0 : index
    %get3A_21 = arith.constant 0 : index
    %get3A_22 = vector.load %arg8[%get3A_20, %get3A_21] : memref<128x128xf32, #tpu.memory_space<vmem>>, vector<128x128xf32>
    %dot_general3A_23 = arith.constant dense<0.000000e+00> : vector<1000x128xf32>
    %dot_general3A_24 = tpu.matmul %get3A_19, %get3A_22, %dot_general3A_23 {dimension_numbers = #tpu.dot_dimension_numbers<[1], [0], [0], [1], [0, 0, 1, 1], [], []>, transpose_lhs_hint = false} : vector<1000x128xf32>, vector<128x128xf32>, vector<1000x128xf32> -> vector<1000x128xf32>
    %add3A_25 = arith.addf %dot_general3A_16, %dot_general3A_24 : vector<1000x128xf32>
    %get3A_26 = arith.constant 0 : index
    %get3A_27 = arith.constant 0 : index
    %get3A_28 = vector.load %arg4[%get3A_26, %get3A_27] : memref<1x128xf32, #tpu.memory_space<vmem>>, vector<1x128xf32>
    %add3A_29 = vector.broadcast %get3A_28 : vector<1x128xf32> to vector<1000x128xf32>
    %add3A_30 = arith.addf %add3A_25, %add3A_29 : vector<1000x128xf32>
    %get3A_31 = arith.constant 0 : index
    %get3A_32 = arith.constant 0 : index
    %get3A_33 = vector.load %arg5[%get3A_31, %get3A_32] : memref<1x128xf32, #tpu.memory_space<vmem>>, vector<1x128xf32>
    %get3A_34 = arith.constant 0 : index
    %get3A_35 = arith.constant 0 : index
    %get3A_36 = vector.load %arg6[%get3A_34, %get3A_35] : memref<1x128xf32, #tpu.memory_space<vmem>>, vector<1x128xf32>
    %reduce_sum3A = arith.constant dense<0.000000e+00> : vector<1000xf32>
    %reduce_sum3A_37 = vector.multi_reduction <add>, %add3A_30, %reduce_sum3A [1] : vector<1000x128xf32> to vector<1000xf32>
    %broadcast_in_dim3A = vector.shape_cast %reduce_sum3A_37 : vector<1000xf32> to vector<1000x1xf32>
    %div3A_38 = arith.constant 1.280000e+02 : f32
    %div3A_39 = vector.broadcast %div3A_38 : f32 to vector<1000x1xf32>
    %div3A_40 = arith.divf %broadcast_in_dim3A, %div3A_39 : vector<1000x1xf32>
    %sub3A = vector.broadcast %div3A_40 : vector<1000x1xf32> to vector<1000x128xf32>
    %sub3A_41 = arith.subf %add3A_30, %sub3A : vector<1000x128xf32>
    %integer_pow3A = arith.mulf %sub3A_41, %sub3A_41 : vector<1000x128xf32>
    %reduce_sum3A_42 = arith.constant dense<0.000000e+00> : vector<1000xf32>
    %reduce_sum3A_43 = vector.multi_reduction <add>, %integer_pow3A, %reduce_sum3A_42 [1] : vector<1000x128xf32> to vector<1000xf32>
    %broadcast_in_dim3A_44 = vector.shape_cast %reduce_sum3A_43 : vector<1000xf32> to vector<1000x1xf32>
    %div3A_45 = arith.constant 1.280000e+02 : f32
    %div3A_46 = vector.broadcast %div3A_45 : f32 to vector<1000x1xf32>
    %div3A_47 = arith.divf %broadcast_in_dim3A_44, %div3A_46 : vector<1000x1xf32>
    %sub3A_48 = vector.broadcast %div3A_40 : vector<1000x1xf32> to vector<1000x128xf32>
    %sub3A_49 = arith.subf %add3A_30, %sub3A_48 : vector<1000x128xf32>
    %add3A_50 = arith.constant 9.99999974E-6 : f32
    %add3A_51 = vector.broadcast %add3A_50 : f32 to vector<1000x1xf32>
    %add3A_52 = arith.addf %div3A_47, %add3A_51 : vector<1000x1xf32>
    %sqrt3A = math.sqrt %add3A_52 : vector<1000x1xf32>
    %div3A_53 = vector.broadcast %sqrt3A : vector<1000x1xf32> to vector<1000x128xf32>
    %div3A_54 = arith.divf %sub3A_49, %div3A_53 : vector<1000x128xf32>
    %mul3A = vector.broadcast %get3A_33 : vector<1x128xf32> to vector<1000x128xf32>
    %mul3A_55 = arith.mulf %div3A_54, %mul3A : vector<1000x128xf32>
    %add3A_56 = vector.broadcast %get3A_36 : vector<1x128xf32> to vector<1000x128xf32>
    %add3A_57 = arith.addf %mul3A_55, %add3A_56 : vector<1000x128xf32>
    %max3A = arith.constant 0.000000e+00 : f32
    %max3A_58 = vector.broadcast %max3A : f32 to vector<1000x128xf32>
    %max3A_59 = arith.maximumf %add3A_57, %max3A_58 : vector<1000x128xf32>
    %swap3A = arith.constant 0 : index
    %swap3A_60 = arith.constant 0 : index
    %swap3A_61 = vector.load %arg9[%swap3A, %swap3A_60] : memref<1000x128xf32, #tpu.memory_space<vmem>>, vector<1000x128xf32>
    tpu.vector_store %arg9[%swap3A, %swap3A_60], %max3A_59 {strides = array<i32>} : memref<1000x128xf32, #tpu.memory_space<vmem>>, vector<1000x128xf32>,
    return
  }
  func.func @transform_0(%arg0: i32) -> (i32, i32, i32) {
    %c0_i32 = arith.constant 0 : i32
    %c0_i32_0 = arith.constant 0 : i32
    %c0_i32_1 = arith.constant 0 : i32
    return %c0_i32, %arg0, %c0_i32_0 : i32, i32, i32
  }
  func.func @transform_1(%arg0: i32) -> (i32, i32) {
    %c0_i32 = arith.constant 0 : i32
    %c0_i32_0 = arith.constant 0 : i32
    return %arg0, %c0_i32 : i32, i32
  }
  func.func @transform_2(%arg0: i32) -> (i32, i32) {
    %c0_i32 = arith.constant 0 : i32
    %c0_i32_0 = arith.constant 0 : i32
    return %arg0, %c0_i32 : i32, i32
  }
  func.func @transform_3(%arg0: i32) -> (i32, i32) {
    %c0_i32 = arith.constant 0 : i32
    %c0_i32_0 = arith.constant 0 : i32
    %c0_i32_1 = arith.constant 0 : i32
    return %c0_i32, %c0_i32_0 : i32, i32
  }
  func.func @transform_4(%arg0: i32) -> (i32, i32) {
    %c0_i32 = arith.constant 0 : i32
    %c0_i32_0 = arith.constant 0 : i32
    %c0_i32_1 = arith.constant 0 : i32
    return %c0_i32, %c0_i32_0 : i32, i32
  }
  func.func @transform_5(%arg0: i32) -> (i32, i32) {
    %c0_i32 = arith.constant 0 : i32
    %c0_i32_0 = arith.constant 0 : i32
    %c0_i32_1 = arith.constant 0 : i32
    return %c0_i32, %c0_i32_0 : i32, i32
  }
  func.func @transform_6(%arg0: i32) -> (i32, i32) {
    %c0_i32 = arith.constant 0 : i32
    %c0_i32_0 = arith.constant 0 : i32
    %c0_i32_1 = arith.constant 0 : i32
    return %c0_i32, %c0_i32_0 : i32, i32
  }
  func.func @transform_7(%arg0: i32) -> (i32, i32) {
    %c0_i32 = arith.constant 0 : i32
    %c0_i32_0 = arith.constant 0 : i32
    %c0_i32_1 = arith.constant 0 : i32
    return %c0_i32, %c0_i32_0 : i32, i32
  }
  func.func @transform_8(%arg0: i32) -> (i32, i32) {
    %c0_i32 = arith.constant 0 : i32
    %c0_i32_0 = arith.constant 0 : i32
    return %arg0, %c0_i32 : i32, i32
  }
}

module attributes {stable_mosaic.version = 14 : i64} {
  func.func @body(%arg0: i32, %arg1: memref<2x1000x128xf32, #tpu.memory_space<vmem>>, %arg2: memref<1000x1xf32, #tpu.memory_space<vmem>>, %arg3: memref<1000x128xf32, #tpu.memory_space<vmem>>, %arg4: memref<1x64xf32, #tpu.memory_space<vmem>>, %arg5: memref<1x64xf32, #tpu.memory_space<vmem>>, %arg6: memref<1x64xf32, #tpu.memory_space<vmem>>, %arg7: memref<128x64xf32, #tpu.memory_space<vmem>>, %arg8: memref<128x64xf32, #tpu.memory_space<vmem>>, %arg9: memref<64x128xf32, #tpu.memory_space<vmem>>, %arg10: memref<64x128xf32, #tpu.memory_space<vmem>>, %arg11: memref<1x128xf32, #tpu.memory_space<vmem>>, %arg12: memref<128x128xf32, #tpu.memory_space<vmem>>, %arg13: memref<1x128xf32, #tpu.memory_space<vmem>>, %arg14: memref<1x128xf32, #tpu.memory_space<vmem>>, %arg15: memref<1x64xf32, #tpu.memory_space<vmem>>, %arg16: memref<1x64xf32, #tpu.memory_space<vmem>>) attributes {dimension_semantics = [#tpu.dimension_semantics<arbitrary>], iteration_bounds = array<i64: 10>, scalar_prefetch = 0 : i64, scratch_operands = 2 : i64, tpu.core_type = #tpu.core_type<tc>, window_params = [{transform_indices = @transform_0, window_bounds = array<i64: 2, 1000, 128>}, {transform_indices = @transform_1, window_bounds = array<i64: 1000, 1>}, {transform_indices = @transform_2, window_bounds = array<i64: 1000, 128>}, {pipeline_mode = #tpu.pipeline_mode<synchronous>, transform_indices = @transform_3, window_bounds = array<i64: 1, 64>}, {pipeline_mode = #tpu.pipeline_mode<synchronous>, transform_indices = @transform_4, window_bounds = array<i64: 1, 64>}, {pipeline_mode = #tpu.pipeline_mode<synchronous>, transform_indices = @transform_5, window_bounds = array<i64: 1, 64>}, {pipeline_mode = #tpu.pipeline_mode<synchronous>, transform_indices = @transform_6, window_bounds = array<i64: 128, 64>}, {pipeline_mode = #tpu.pipeline_mode<synchronous>, transform_indices = @transform_7, window_bounds = array<i64: 128, 64>}, {pipeline_mode = #tpu.pipeline_mode<synchronous>, transform_indices = @transform_8, window_bounds = array<i64: 64, 128>}, {pipeline_mode = #tpu.pipeline_mode<synchronous>, transform_indices = @transform_9, window_bounds = array<i64: 64, 128>}, {pipeline_mode = #tpu.pipeline_mode<synchronous>, transform_indices = @transform_10, window_bounds = array<i64: 1, 128>}, {pipeline_mode = #tpu.pipeline_mode<synchronous>, transform_indices = @transform_11, window_bounds = array<i64: 128, 128>}, {pipeline_mode = #tpu.pipeline_mode<synchronous>, transform_indices = @transform_12, window_bounds = array<i64: 1, 128>}, {pipeline_mode = #tpu.pipeline_mode<synchronous>, transform_indices = @transform_13, window_bounds = array<i64: 1, 128>}]} {
    %get3A = arith.constant 0 : index
    %get3A_0 = arith.constant 0 : index
    %get3A_1 = arith.constant 0 : index
    %get3A_2 = vector.load %arg1[%get3A, %get3A_0, %get3A_1] : memref<2x1000x128xf32, #tpu.memory_space<vmem>>, vector<1x1000x128xf32>
    %get3A_3 = vector.shape_cast %get3A_2 : vector<1x1000x128xf32> to vector<1000x128xf32>
    %get3A_4 = arith.constant 1 : index
    %get3A_5 = arith.constant 0 : index
    %get3A_6 = arith.constant 0 : index
    %get3A_7 = vector.load %arg1[%get3A_4, %get3A_5, %get3A_6] : memref<2x1000x128xf32, #tpu.memory_space<vmem>>, vector<1x1000x128xf32>
    %get3A_8 = vector.shape_cast %get3A_7 : vector<1x1000x128xf32> to vector<1000x128xf32>
    %add3A = arith.addf %get3A_3, %get3A_8 : vector<1000x128xf32>
    %get3A_9 = arith.constant 0 : index
    %get3A_10 = arith.constant 0 : index
    %get3A_11 = vector.load %arg2[%get3A_9, %get3A_10] : memref<1000x1xf32, #tpu.memory_space<vmem>>, vector<1000x1xf32>
    %div3A = vector.broadcast %get3A_11 : vector<1000x1xf32> to vector<1000x128xf32>
    %div3A_12 = arith.divf %add3A, %div3A : vector<1000x128xf32>
    %get3A_13 = arith.constant 0 : index
    %get3A_14 = arith.constant 0 : index
    %get3A_15 = vector.load %arg7[%get3A_13, %get3A_14] : memref<128x64xf32, #tpu.memory_space<vmem>>, vector<128x64xf32>
    %dot_general3A = arith.constant dense<0.000000e+00> : vector<1000x64xf32>
    %dot_general3A_16 = tpu.matmul %div3A_12, %get3A_15, %dot_general3A {dimension_numbers = #tpu.dot_dimension_numbers<[1], [0], [0], [1], [0, 0, 1, 1], [], []>, transpose_lhs_hint = false} : vector<1000x128xf32>, vector<128x64xf32>, vector<1000x64xf32> -> vector<1000x64xf32>
    %get3A_17 = arith.constant 0 : index
    %get3A_18 = arith.constant 0 : index
    %get3A_19 = vector.load %arg3[%get3A_17, %get3A_18] : memref<1000x128xf32, #tpu.memory_space<vmem>>, vector<1000x128xf32>
    %get3A_20 = arith.constant 0 : index
    %get3A_21 = arith.constant 0 : index
    %get3A_22 = vector.load %arg8[%get3A_20, %get3A_21] : memref<128x64xf32, #tpu.memory_space<vmem>>, vector<128x64xf32>
    %dot_general3A_23 = arith.constant dense<0.000000e+00> : vector<1000x64xf32>
    %dot_general3A_24 = tpu.matmul %get3A_19, %get3A_22, %dot_general3A_23 {dimension_numbers = #tpu.dot_dimension_numbers<[1], [0], [0], [1], [0, 0, 1, 1], [], []>, transpose_lhs_hint = false} : vector<1000x128xf32>, vector<128x64xf32>, vector<1000x64xf32> -> vector<1000x64xf32>
    %add3A_25 = arith.addf %dot_general3A_16, %dot_general3A_24 : vector<1000x64xf32>
    %get3A_26 = arith.constant 0 : index
    %get3A_27 = arith.constant 0 : index
    %get3A_28 = vector.load %arg4[%get3A_26, %get3A_27] : memref<1x64xf32, #tpu.memory_space<vmem>>, vector<1x64xf32>
    %add3A_29 = vector.broadcast %get3A_28 : vector<1x64xf32> to vector<1000x64xf32>
    %add3A_30 = arith.addf %add3A_25, %add3A_29 : vector<1000x64xf32>
    %get3A_31 = arith.constant 0 : index
    %get3A_32 = arith.constant 0 : index
    %get3A_33 = vector.load %arg5[%get3A_31, %get3A_32] : memref<1x64xf32, #tpu.memory_space<vmem>>, vector<1x64xf32>
    %get3A_34 = arith.constant 0 : index
    %get3A_35 = arith.constant 0 : index
    %get3A_36 = vector.load %arg6[%get3A_34, %get3A_35] : memref<1x64xf32, #tpu.memory_space<vmem>>, vector<1x64xf32>
    %reduce_sum3A = arith.constant dense<0.000000e+00> : vector<1000xf32>
    %reduce_sum3A_37 = vector.multi_reduction <add>, %add3A_30, %reduce_sum3A [1] : vector<1000x64xf32> to vector<1000xf32>
    %broadcast_in_dim3A = vector.shape_cast %reduce_sum3A_37 : vector<1000xf32> to vector<1000x1xf32>
    %div3A_38 = arith.constant 6.400000e+01 : f32
    %div3A_39 = vector.broadcast %div3A_38 : f32 to vector<1000x1xf32>
    %div3A_40 = arith.divf %broadcast_in_dim3A, %div3A_39 : vector<1000x1xf32>
    %sub3A = vector.broadcast %div3A_40 : vector<1000x1xf32> to vector<1000x64xf32>
    %sub3A_41 = arith.subf %add3A_30, %sub3A : vector<1000x64xf32>
    %integer_pow3A = arith.mulf %sub3A_41, %sub3A_41 : vector<1000x64xf32>
    %reduce_sum3A_42 = arith.constant dense<0.000000e+00> : vector<1000xf32>
    %reduce_sum3A_43 = vector.multi_reduction <add>, %integer_pow3A, %reduce_sum3A_42 [1] : vector<1000x64xf32> to vector<1000xf32>
    %broadcast_in_dim3A_44 = vector.shape_cast %reduce_sum3A_43 : vector<1000xf32> to vector<1000x1xf32>
    %div3A_45 = arith.constant 6.400000e+01 : f32
    %div3A_46 = vector.broadcast %div3A_45 : f32 to vector<1000x1xf32>
    %div3A_47 = arith.divf %broadcast_in_dim3A_44, %div3A_46 : vector<1000x1xf32>
    %sub3A_48 = vector.broadcast %div3A_40 : vector<1000x1xf32> to vector<1000x64xf32>
    %sub3A_49 = arith.subf %add3A_30, %sub3A_48 : vector<1000x64xf32>
    %add3A_50 = arith.constant 9.99999974E-6 : f32
    %add3A_51 = vector.broadcast %add3A_50 : f32 to vector<1000x1xf32>
    %add3A_52 = arith.addf %div3A_47, %add3A_51 : vector<1000x1xf32>
    %sqrt3A = math.sqrt %add3A_52 : vector<1000x1xf32>
    %div3A_53 = vector.broadcast %sqrt3A : vector<1000x1xf32> to vector<1000x64xf32>
    %div3A_54 = arith.divf %sub3A_49, %div3A_53 : vector<1000x64xf32>
    %mul3A = vector.broadcast %get3A_33 : vector<1x64xf32> to vector<1000x64xf32>
    %mul3A_55 = arith.mulf %div3A_54, %mul3A : vector<1000x64xf32>
    %add3A_56 = vector.broadcast %get3A_36 : vector<1x64xf32> to vector<1000x64xf32>
    %add3A_57 = arith.addf %mul3A_55, %add3A_56 : vector<1000x64xf32>
    %max3A = arith.constant 0.000000e+00 : f32
    %max3A_58 = vector.broadcast %max3A : f32 to vector<1000x64xf32>
    %max3A_59 = arith.maximumf %add3A_57, %max3A_58 : vector<1000x64xf32>
    %reduce_sum3A_60 = arith.constant dense<0.000000e+00> : vector<64xf32>
    %reduce_sum3A_61 = vector.multi_reduction <add>, %max3A_59, %reduce_sum3A_60 [0] : vector<1000x64xf32> to vector<64xf32>
    %broadcast_in_dim3A_62 = vector.shape_cast %reduce_sum3A_61 : vector<64xf32> to vector<1x64xf32>
    %reduce_max3A = arith.constant dense<0xFF800000> : vector<64xf32>
    %reduce_max3A_63 = vector.multi_reduction <maximumf>, %max3A_59, %reduce_max3A [0] : vector<1000x64xf32> to vector<64xf32>
    %broadcast_in_dim3A_64 = vector.shape_cast %reduce_max3A_63 : vector<64xf32> to vector<1x64xf32>
    %eq3A = arith.constant 0 : i32
    %eq3A_65 = arith.cmpi eq, %arg0, %eq3A : i32
    %convert_element_type3A = arith.extui %eq3A_65 : i1 to i32
    %cond3A = arith.constant 0 : i32
    %cond3A_66 = arith.cmpi ne, %convert_element_type3A, %cond3A : i32
    scf.if %cond3A_66 {
      %swap3A = arith.constant 0 : index
      %swap3A_76 = arith.constant 0 : index
      %swap3A_77 = vector.load %arg15[%swap3A, %swap3A_76] : memref<1x64xf32, #tpu.memory_space<vmem>>, vector<1x64xf32>
      tpu.vector_store %arg15[%swap3A, %swap3A_76], %broadcast_in_dim3A_62 {strides = array<i32>} : memref<1x64xf32, #tpu.memory_space<vmem>>, vector<1x64xf32>,
      %swap3A_78 = arith.constant 0 : index
      %swap3A_79 = arith.constant 0 : index
      %swap3A_80 = vector.load %arg16[%swap3A_78, %swap3A_79] : memref<1x64xf32, #tpu.memory_space<vmem>>, vector<1x64xf32>
      tpu.vector_store %arg16[%swap3A_78, %swap3A_79], %broadcast_in_dim3A_64 {strides = array<i32>} : memref<1x64xf32, #tpu.memory_space<vmem>>, vector<1x64xf32>,
    } else {
    }
    %gt3A = arith.constant 0 : i32
    %gt3A_67 = arith.cmpi sgt, %arg0, %gt3A : i32
    %convert_element_type3A_68 = arith.extui %gt3A_67 : i1 to i32
    %cond3A_69 = arith.constant 0 : i32
    %cond3A_70 = arith.cmpi ne, %convert_element_type3A_68, %cond3A_69 : i32
    scf.if %cond3A_70 {
      %get3A_76 = arith.constant 0 : index
      %get3A_77 = arith.constant 0 : index
      %get3A_78 = vector.load %arg15[%get3A_76, %get3A_77] : memref<1x64xf32, #tpu.memory_space<vmem>>, vector<1x64xf32>
      %add3A_79 = arith.addf %get3A_78, %broadcast_in_dim3A_62 : vector<1x64xf32>
      %swap3A = arith.constant 0 : index
      %swap3A_80 = arith.constant 0 : index
      %swap3A_81 = vector.load %arg15[%swap3A, %swap3A_80] : memref<1x64xf32, #tpu.memory_space<vmem>>, vector<1x64xf32>
      tpu.vector_store %arg15[%swap3A, %swap3A_80], %add3A_79 {strides = array<i32>} : memref<1x64xf32, #tpu.memory_space<vmem>>, vector<1x64xf32>,
      %get3A_82 = arith.constant 0 : index
      %get3A_83 = arith.constant 0 : index
      %get3A_84 = vector.load %arg16[%get3A_82, %get3A_83] : memref<1x64xf32, #tpu.memory_space<vmem>>, vector<1x64xf32>
      %max3A_85 = arith.maximumf %get3A_84, %broadcast_in_dim3A_64 : vector<1x64xf32>
      %swap3A_86 = arith.constant 0 : index
      %swap3A_87 = arith.constant 0 : index
      %swap3A_88 = vector.load %arg16[%swap3A_86, %swap3A_87] : memref<1x64xf32, #tpu.memory_space<vmem>>, vector<1x64xf32>
      tpu.vector_store %arg16[%swap3A_86, %swap3A_87], %max3A_85 {strides = array<i32>} : memref<1x64xf32, #tpu.memory_space<vmem>>, vector<1x64xf32>,
    } else {
    }
    %eq3A_71 = arith.constant 9 : i32
    %eq3A_72 = arith.cmpi eq, %arg0, %eq3A_71 : i32
    %convert_element_type3A_73 = arith.extui %eq3A_72 : i1 to i32
    %cond3A_74 = arith.constant 0 : i32
    %cond3A_75 = arith.cmpi ne, %convert_element_type3A_73, %cond3A_74 : i32
    scf.if %cond3A_75 {
      %get3A_76 = arith.constant 0 : index
      %get3A_77 = arith.constant 0 : index
      %get3A_78 = vector.load %arg15[%get3A_76, %get3A_77] : memref<1x64xf32, #tpu.memory_space<vmem>>, vector<1x64xf32>
      %mul3A_79 = arith.constant 9.99999974E-5 : f32
      %mul3A_80 = vector.broadcast %mul3A_79 : f32 to vector<1x64xf32>
      %mul3A_81 = arith.mulf %get3A_78, %mul3A_80 : vector<1x64xf32>
      %get3A_82 = arith.constant 0 : index
      %get3A_83 = arith.constant 0 : index
      %get3A_84 = vector.load %arg16[%get3A_82, %get3A_83] : memref<1x64xf32, #tpu.memory_space<vmem>>, vector<1x64xf32>
      %get3A_85 = arith.constant 0 : index
      %get3A_86 = arith.constant 0 : index
      %get3A_87 = vector.load %arg9[%get3A_85, %get3A_86] : memref<64x128xf32, #tpu.memory_space<vmem>>, vector<64x128xf32>
      %dot_general3A_88 = arith.constant dense<0.000000e+00> : vector<1x128xf32>
      %dot_general3A_89 = tpu.matmul %mul3A_81, %get3A_87, %dot_general3A_88 {dimension_numbers = #tpu.dot_dimension_numbers<[1], [0], [0], [1], [0, 0, 1, 1], [], []>, transpose_lhs_hint = false} : vector<1x64xf32>, vector<64x128xf32>, vector<1x128xf32> -> vector<1x128xf32>
      %get3A_90 = arith.constant 0 : index
      %get3A_91 = arith.constant 0 : index
      %get3A_92 = vector.load %arg10[%get3A_90, %get3A_91] : memref<64x128xf32, #tpu.memory_space<vmem>>, vector<64x128xf32>
      %dot_general3A_93 = arith.constant dense<0.000000e+00> : vector<1x128xf32>
      %dot_general3A_94 = tpu.matmul %get3A_84, %get3A_92, %dot_general3A_93 {dimension_numbers = #tpu.dot_dimension_numbers<[1], [0], [0], [1], [0, 0, 1, 1], [], []>, transpose_lhs_hint = false} : vector<1x64xf32>, vector<64x128xf32>, vector<1x128xf32> -> vector<1x128xf32>
      %add3A_95 = arith.addf %dot_general3A_89, %dot_general3A_94 : vector<1x128xf32>
      %get3A_96 = arith.constant 0 : index
      %get3A_97 = arith.constant 0 : index
      %get3A_98 = vector.load %arg11[%get3A_96, %get3A_97] : memref<1x128xf32, #tpu.memory_space<vmem>>, vector<1x128xf32>
      %add3A_99 = arith.addf %add3A_95, %get3A_98 : vector<1x128xf32>
      %max3A_100 = arith.constant 0.000000e+00 : f32
      %max3A_101 = vector.broadcast %max3A_100 : f32 to vector<1x128xf32>
      %max3A_102 = arith.maximumf %add3A_99, %max3A_101 : vector<1x128xf32>
      %get3A_103 = arith.constant 0 : index
      %get3A_104 = arith.constant 0 : index
      %get3A_105 = vector.load %arg12[%get3A_103, %get3A_104] : memref<128x128xf32, #tpu.memory_space<vmem>>, vector<128x128xf32>
      %dot_general3A_106 = arith.constant dense<0.000000e+00> : vector<1x128xf32>
      %dot_general3A_107 = tpu.matmul %max3A_102, %get3A_105, %dot_general3A_106 {dimension_numbers = #tpu.dot_dimension_numbers<[1], [0], [0], [1], [0, 0, 1, 1], [], []>, transpose_lhs_hint = false} : vector<1x128xf32>, vector<128x128xf32>, vector<1x128xf32> -> vector<1x128xf32>
      %get3A_108 = arith.constant 0 : index
      %get3A_109 = arith.constant 0 : index
      %get3A_110 = vector.load %arg13[%get3A_108, %get3A_109] : memref<1x128xf32, #tpu.memory_space<vmem>>, vector<1x128xf32>
      %add3A_111 = arith.addf %dot_general3A_107, %get3A_110 : vector<1x128xf32>
      %swap3A = arith.constant 0 : index
      %swap3A_112 = arith.constant 0 : index
      %swap3A_113 = vector.load %arg14[%swap3A, %swap3A_112] : memref<1x128xf32, #tpu.memory_space<vmem>>, vector<1x128xf32>
      tpu.vector_store %arg14[%swap3A, %swap3A_112], %add3A_111 {strides = array<i32>} : memref<1x128xf32, #tpu.memory_space<vmem>>, vector<1x128xf32>,
    } else {
    }
    return
  }
  func.func @transform_0(%arg0: i32) -> (i32, i32, i32) {
    %c0_i32 = arith.constant 0 : i32
    %c0_i32_0 = arith.constant 0 : i32
    %c0_i32_1 = arith.constant 0 : i32
    return %c0_i32, %arg0, %c0_i32_0 : i32, i32, i32
  }
  func.func @transform_1(%arg0: i32) -> (i32, i32) {
    %c0_i32 = arith.constant 0 : i32
    %c0_i32_0 = arith.constant 0 : i32
    return %arg0, %c0_i32 : i32, i32
  }
  func.func @transform_2(%arg0: i32) -> (i32, i32) {
    %c0_i32 = arith.constant 0 : i32
    %c0_i32_0 = arith.constant 0 : i32
    return %arg0, %c0_i32 : i32, i32
  }
  func.func @transform_3(%arg0: i32) -> (i32, i32) {
    %c0_i32 = arith.constant 0 : i32
    %c0_i32_0 = arith.constant 0 : i32
    %c0_i32_1 = arith.constant 0 : i32
    return %c0_i32, %c0_i32_0 : i32, i32
  }
  func.func @transform_4(%arg0: i32) -> (i32, i32) {
    %c0_i32 = arith.constant 0 : i32
    %c0_i32_0 = arith.constant 0 : i32
    %c0_i32_1 = arith.constant 0 : i32
    return %c0_i32, %c0_i32_0 : i32, i32
  }
  func.func @transform_5(%arg0: i32) -> (i32, i32) {
    %c0_i32 = arith.constant 0 : i32
    %c0_i32_0 = arith.constant 0 : i32
    %c0_i32_1 = arith.constant 0 : i32
    return %c0_i32, %c0_i32_0 : i32, i32
  }
  func.func @transform_6(%arg0: i32) -> (i32, i32) {
    %c0_i32 = arith.constant 0 : i32
    %c0_i32_0 = arith.constant 0 : i32
    %c0_i32_1 = arith.constant 0 : i32
    return %c0_i32, %c0_i32_0 : i32, i32
  }
  func.func @transform_7(%arg0: i32) -> (i32, i32) {
    %c0_i32 = arith.constant 0 : i32
    %c0_i32_0 = arith.constant 0 : i32
    %c0_i32_1 = arith.constant 0 : i32
    return %c0_i32, %c0_i32_0 : i32, i32
  }
  func.func @transform_8(%arg0: i32) -> (i32, i32) {
    %c0_i32 = arith.constant 0 : i32
    %c0_i32_0 = arith.constant 0 : i32
    %c0_i32_1 = arith.constant 0 : i32
    return %c0_i32, %c0_i32_0 : i32, i32
  }
  func.func @transform_9(%arg0: i32) -> (i32, i32) {
    %c0_i32 = arith.constant 0 : i32
    %c0_i32_0 = arith.constant 0 : i32
    %c0_i32_1 = arith.constant 0 : i32
    return %c0_i32, %c0_i32_0 : i32, i32
  }
  func.func @transform_10(%arg0: i32) -> (i32, i32) {
    %c0_i32 = arith.constant 0 : i32
    %c0_i32_0 = arith.constant 0 : i32
    %c0_i32_1 = arith.constant 0 : i32
    return %c0_i32, %c0_i32_0 : i32, i32
  }
  func.func @transform_11(%arg0: i32) -> (i32, i32) {
    %c0_i32 = arith.constant 0 : i32
    %c0_i32_0 = arith.constant 0 : i32
    %c0_i32_1 = arith.constant 0 : i32
    return %c0_i32, %c0_i32_0 : i32, i32
  }
  func.func @transform_12(%arg0: i32) -> (i32, i32) {
    %c0_i32 = arith.constant 0 : i32
    %c0_i32_0 = arith.constant 0 : i32
    %c0_i32_1 = arith.constant 0 : i32
    return %c0_i32, %c0_i32_0 : i32, i32
  }
  func.func @transform_13(%arg0: i32) -> (i32, i32) {
    %c0_i32 = arith.constant 0 : i32
    %c0_i32_0 = arith.constant 0 : i32
    %c0_i32_1 = arith.constant 0 : i32
    return %c0_i32, %c0_i32_0 : i32, i32
  }
}

</mosaic_0001>

<sc_bundles>
// kernel: kernel.12.cloned.1.call-start
scs
__scs_entry_jumppad:
0x0: {  	(pc) =	sbr.rel $0x88, $3  }
0x1: {  	(tag) =	ssettag $0x0;
	lr =	simm.s32 $0x1  }
0x2: {  	[smem:$0x3F8C] =	sst lr;
	_ =	strace $0xD0000000  }
0x3: {  	_ = 	snop  }
0x4: {  	_ = 	snop  }
0x5: {  	_ = 	snop  }
0x6: {  	_ = 	snop  }
0x7: {  	_ = 	snop  }
__scs_overlays_trampoline_lowered:
0x8: {  	[smem:$0x3F9B] =	sst s0  }
0x9: {  	[smem:$0x3F9C] =	sst s1  }
0xa: {  	[smem:$0x3F9D] =	sst s2  }
0xb: {  	[smem:$0x3F9E] =	sst s3  }
0xc: {  	[smem:$0x3F9F] =	sst s4  }
0xd: {  	[smem:$0x3FA0] =	sst s5  }
0xe: {  	[smem:$0x3FA1] =	sst s6  }
0xf: {  	[smem:$0x3FA2] =	sst s7  }
0x10: {  	[smem:$0x3FA3] =	sst s8  }
0x11: {  	[smem:$0x3FA4] =	sst s9;
	s0 =	simm.s32 @!p0 $0x0  }
0x12: {  	s1 =	sld [smem:$0x3F8A];
	s0 =	simm.s32 @p0 $0x1  }
0x13: {  	[smem:$0x3FA5] =	sst s0;
	s0 =	simm.s32 @!p1 $0x0  }
0x14: {  	s2 =	sld [smem:$0x3F89];
	s0 =	simm.s32 @p1 $0x1  }
0x15: {  	[smem:$0x3FA6] =	sst s0;
	s0 =	simm.s32 @!p2 $0x0  }
0x16: {  	s3 =	sld [smem:$0x3FDB];
	s0 =	simm.s32 @p2 $0x1  }
0x17: {  	s4 =	simm.s32 $0x1BF5;
	[smem:$0x3FA8] =	sst s0  }
0x18: {  	s0 =	sld [smem:$0x3F8B];
	_ =	swait.ge [sflag:s4], $0x0  }
0x19: {  	s7 =	sld [smem:$0x3F8C]  }
0x1a: {  	s8 =	sadd.s32 $0xFFFFE003, lr  }
0x1b: {  	s9 =	sadd.s32 $0xFFFFFEF7, lr;
	s5 =	simm.s32 $0xFFFFFFFF;
	p2 =	slt.u32 s8, $0xFFFFF086  }
0x1c: {  	p1 =	slt.u32 s9, $0xF7A;
	s5 =	simm.s32 @!p2 $0x0  }
0x1d: {  	s5 =	simm.s32 @p1 $0x1;
	p0 =	seq.s32 s7, s2  }
0x1e: {  	s7 =	smul.u32 @!p0 $0xF7A, s2;
	p2 =	seq.s32 @!p0 s5, $0x0  }
0x1f: {  	s9 =	smul.u32 $0xF7A, s1;
	s8 =	simm.s32 @!p0 $0x1BF5;
	p2 =	por !p2, p0  }
0x20: {  	[sflag:s8] =	ssyncset.s32 @!p0 $0xFFFFF086;
	s6 =	sadd.s32 @!p0 s3, s7;
	s7 =	simm.s32 @!p0 $0x108  }
0x21: {  	s3 =	sadd.s32 s3, s9;
	s6 =	sadd.s32 @!p0 $0x88, s6;
	s7 =	simm.s32 @p2 $0x1082  }
0x22: {  	[simem:s7], [sflag:s8] =	dma.local @!p0 [hbm:s6], $0xF7A  }
0x23: {  	s9 =	sor.u32 $0xD0000000, s2;
	s6 =	simm.s32 $0x108;
	_ =	swait.ge @!p0 [sflag:s8], $0x0  }
0x24: {  	s3 =	sadd.s32 $0x88, s3;
	s6 =	simm.s32 @!p1 $0x1082;
	[sflag:s4] =	ssyncset.s32 $0xFFFFF086  }
0x25: {  	[simem:s6], [sflag:s4] =	dma.local [hbm:s3], $0xF7A  }
0x26: {  	[smem:$0x3F8C] =	sst s1;
	(tag) =	ssettag s2;
	_ =	strace s9  }
0x27: {  	s1 =	sld [smem:$0x3F9C]  }
0x28: {  	s2 =	sld [smem:$0x3F9D]  }
0x29: {  	s4 =	sld [smem:$0x3F9F]  }
0x2a: {  	p0 =	seq.s32 s5, $0x0;
	s5 =	sld [smem:$0x3FA0]  }
0x2b: {  	s6 =	sld [smem:$0x3FA1]  }
0x2c: {  	s7 =	sld [smem:$0x3FA2]  }
0x2d: {  	s3 =	simm.s32 $0x108;
	s8 =	sld [smem:$0x3FA3]  }
0x2e: {  	s3 =	simm.s32 @!p0 $0x1082;
	s9 =	sld [smem:$0x3FA4]  }
0x2f: {  	lr =	sadd.s32 s0, s3;
	s0 =	sld [smem:$0x3F9B]  }
0x30: {  	s3 =	sld [smem:$0x3F9E]  }
0x31: {  	[smem:$0x3FA7] =	sst s10  }
0x32: {  	s10 =	sld [smem:$0x3FA5];
	_ =	sdelay $0x3  }
0x33: {  	p0 =	seq.s32 s10, $0x1;
	s10 =	sld [smem:$0x3FA7];
	_ =	sdelay $0x3  }
0x34: {  	[smem:$0x3FA7] =	sst s10  }
0x35: {  	s10 =	sld [smem:$0x3FA6];
	_ =	sdelay $0x3  }
0x36: {  	p1 =	seq.s32 s10, $0x1;
	s10 =	sld [smem:$0x3FA7];
	_ =	sdelay $0x3  }
0x37: {  	[smem:$0x3FA7] =	sst s10  }
0x38: {  	s10 =	sld [smem:$0x3FA8]  }
0x39: {  	_ = 	snop;
	(pc) =	sbr.ind lr, $3  }
0x3a: {  	_ = 	snop  }
0x3b: {  	_ = 	snop  }
0x3c: {  	p2 =	seq.s32 s10, $0x1;
	s10 =	sld [smem:$0x3FA7]  }
0x3d: {  	_ =	shalt  }
0x3e: {  	_ =	shalt  }
0x3f: {  	_ =	shalt  }
0x40: {  	_ =	shalt  }
0x41: {  	_ =	shalt  }
0x42: {  	_ =	shalt  }
0x43: {  	_ =	shalt  }
0x44: {  	_ =	shalt  }
0x45: {  	_ =	shalt  }
0x46: {  	_ =	shalt  }
0x47: {  	_ =	shalt  }
0x48: {  	_ =	shalt  }
0x49: {  	_ =	shalt  }
0x4a: {  	_ =	shalt  }
0x4b: {  	_ =	shalt  }
0x4c: {  	_ =	shalt  }
0x4d: {  	_ =	shalt  }
0x4e: {  	_ =	shalt  }
0x4f: {  	_ =	shalt  }
0x50: {  	_ =	shalt  }
0x51: {  	_ =	shalt  }
0x52: {  	_ =	shalt  }
0x53: {  	_ =	shalt  }
0x54: {  	_ =	shalt  }
0x55: {  	_ =	shalt  }
0x56: {  	_ =	shalt  }
0x57: {  	_ =	shalt  }
0x58: {  	_ =	shalt  }
0x59: {  	_ =	shalt  }
0x5a: {  	_ =	shalt  }
0x5b: {  	_ =	shalt  }
0x5c: {  	_ =	shalt  }
0x5d: {  	_ =	shalt  }
0x5e: {  	_ =	shalt  }
0x5f: {  	_ =	shalt  }
0x60: {  	_ =	shalt  }
0x61: {  	_ =	shalt  }
0x62: {  	_ =	shalt  }
0x63: {  	_ =	shalt  }
0x64: {  	_ =	shalt  }
0x65: {  	_ =	shalt  }
0x66: {  	_ =	shalt  }
0x67: {  	_ =	shalt  }
0x68: {  	_ =	shalt  }
0x69: {  	_ =	shalt  }
0x6a: {  	_ =	shalt  }
0x6b: {  	_ =	shalt  }
0x6c: {  	_ =	shalt  }
0x6d: {  	_ =	shalt  }
0x6e: {  	_ =	shalt  }
0x6f: {  	_ =	shalt  }
0x70: {  	_ =	shalt  }
0x71: {  	_ =	shalt  }
0x72: {  	_ =	shalt  }
0x73: {  	_ =	shalt  }
0x74: {  	_ =	shalt  }
0x75: {  	_ =	shalt  }
0x76: {  	_ =	shalt  }
0x77: {  	_ =	shalt  }
0x78: {  	_ =	shalt  }
0x79: {  	_ =	shalt  }
0x7a: {  	_ =	shalt  }
0x7b: {  	_ =	shalt  }
0x7c: {  	_ =	shalt  }
0x7d: {  	_ =	shalt  }
0x7e: {  	_ =	shalt  }
0x7f: {  	_ =	shalt  }
0x80: {  	_ =	shalt  }
0x81: {  	_ =	shalt  }
0x82: {  	_ =	shalt  }
0x83: {  	_ =	shalt  }
0x84: {  	_ =	shalt  }
0x85: {  	_ =	shalt  }
0x86: {  	_ =	shalt  }
0x87: {  	_ =	shalt  }
.Lfunc_end0:
.L_simem_size_0:
called_computation.1_lowered:
.L_overlay_start_0:
0x88: {  	s2 =	sld [smem:$0x3FD9]  }
0x89: {  	s3 =	sld [smem:$0x3FFE];
	_ =	sdelay $0x1  }
0x8a: {  	s1 =	srdreg.scid  }
0x8b: {  	s0 =	sand.u32 $0x1, s1  }
0x8c: {  	s17 =	sshll.u32 s0, $0xA;
	s2 =	sadd.s32 s3, s2  }
0x8d: {  	s2 =	sadd.s32 s2, s17  }
0x8e: {  	[smem:$0x3FB3] =	sst s2  }
0x8f: {  	_ = 	snop  }
0x90: {  	s2 =	sld [smem:$0x3FC9];
	(tm) =	ssettm $0x1  }
0x91: {  	s18 =	sld [smem:$0x3FFB];
	_ =	sdelay $0x3  }
0x92: {  	_ =	strace s18  }
0x93: {  	s3 =	sld [smem:$0x3FFC];
	_ =	sdelay $0x3  }
0x94: {  	_ =	strace s3  }
0x95: {  	s3 =	sld [smem:$0x3FFD];
	_ =	sdelay $0x3  }
0x96: {  	_ =	strace s3  }
0x97: {  	_ =	strace $0x8FFFFFFF  }
0x98: {  	s19 =	sld [smem:$0x3FDB];
	_ =	sdelay $0x1  }
0x99: {  	s4 =	simm.s32 $_scs_section_size  }
0x9a: {  	s5 =	simm.s32 $_size__tile_overlayer_lowered;
	s6 =	simm.s32 $_tile_overlayer_lowered  }
0x9b: {  	s22 =	simm.s32 $0x1BFF;
	s21 =	sshll.u32 s6, $0x1;
	s3 =	sadd.s32 s4, s19  }
0x9c: {  	s7 =	simm.s32 $0x0;
	s20 =	sshll.u32 s5, $0x1;
	s5 =	sadd.s32 s21, s3  }
0x9d: {  	[timem:s7], [sflag:s22] =	dma.local [hbm:s5], s20  }
0x9e: {  	_ =	swait.ge [sflag:s22], s20  }
0x9f: {  	s4 =	ssub.s32 $0x0, s20;
	[sflag:s22] =	ssyncset.done $0x0  }
0xa0: {  	[sflag:s22] =	ssyncadd.s32 s4;
	_ =	sdelay $0x1  }
0xa1: {  	s23 =	simm.s32 $0x1B8B  }
0xa2: {  	_ =	swait.ge [sflag:s23], $0x1  }
0xa3: {  	[sflag:s23] =	ssyncset.done $0x0  }
0xa4: {  	s25 =	simm.s32 $0x1B8E;
	s24 =	sld [smem:$0x3FFE];
	[sflag:s23] =	ssyncadd.s32 $0xFFFFFFFF  }
0xa5: {  	s26 =	simm.s32 $execute0_lowered;
	[smem:$0x3FD2] =	sst s25  }
0xa6: {  	s5 =	sshll.u32 s26, $0x1;
	_ =	strace $0x80000046;
	[dreg:$0x1] =	wrdreg $0xFFFFFFFF  }
0xa7: {  	s28 =	simm.s32 $_size_execute0_lowered;
	s3 =	sadd.s32 s3, s5;
	[dreg:$0x0] =	wrdreg $0x0  }
0xa8: {  	s5 =	sshll.u32 s28, $0x1;
	[dreg:$0x2] =	wrdreg s3  }
0xa9: {  	[dreg:$0x3] =	wrdreg s5  }
0xaa: {  	[dreg:$0x4] =	wrdreg $0xC0  }
0xab: {  	_ =	task [dreg:s7], $0x5FFFF  }
0xac: {  	[dreg:$0x1] =	wrdreg $0xFFFFFFFF  }
0xad: {  	[dreg:$0x0] =	wrdreg $0x60  }
0xae: {  	[dreg:$0x2] =	wrdreg s2  }
0xaf: {  	[dreg:$0x3] =	wrdreg s24  }
0xb0: {  	[dreg:$0x4] =	wrdreg $0x83000  }
0xb1: {  	[dreg:$0x5] =	wrdreg $0xA  }
0xb2: {  	_ =	task.clear_ibuf [dreg:s7], $0x6FFFF;
	_ =	strace $0x90000046  }
0xb3: {  	s29 =	simm.s32 $0xA;
	_ =	strace $0x80000048  }
0xb4: {  	_ =	swait.ge [sflag:s29], $0x1  }
0xb5: {  	[sflag:s29] =	ssyncadd.s32 $0xFFFFFFFF  }
0xb6: {  	_ =	strace $0x90000048  }
0xb7: {  	_ =	sfence  }
0xb8: {  	s30 =	sld [smem:$0x0];
	_ =	sdelay $0x2  }
0xb9: {  	s31 =	sshll.u32 s1, $0xD;
	s1 =	sshrl.u32 s1, $0x2  }
0xba: {  	s3 =	sand.u32 $0x4000, s31;
	s1 =	sadd.s32 s1, s30  }
0xbb: {  	s0 =	sor.u32 s3, s0;
	s1 =	sshll.u32 s1, $0x11  }
0xbc: {  	s0 =	sor.u32 s1, s0  }
0xbd: {  	s0 =	sadd.s32 $0x8F2B, s0  }
0xbe: {  	[sflag:s0] =	ssyncadd.remote.s32 $0x1  }
0xbf: {  	_ =	sfence.sel $0xFFFF  }
0xc0: {  	[dreg:$0x0] =	wrdreg $0xFFFFFFFF;
	(pc) =	sbr.abs _section_cstart, $3  }
0xc1: {  	[dreg:$0x1] =	wrdreg $0xFFFFFFFF  }
0xc2: {  	_ =	task.clear_ibuf [dreg:s7], $0x2FFFF;
	_ =	strace $0x9FFFFFFF  }
0xc3: {  	(tm) =	ssettm $0x7FFFFFFF  }
tec
execute0_lowered:
.L_overlay_start_1:
0x0: {  	(tag) =	ssettag $0x1  }
0x1: {  	s1 =	rddreg [dreg:$0x0]  }
0x2: {  	s0 =	rddreg [dreg:$0x1]  }
0x3: {  	s3 =	rddreg [dreg:$0x2];
	s4 =	simm.s32 $0x0  }
0x4: {  	s14 =	stileid.u32;
	s7 =	srdreg.scid;
	s28 =	simm.s32 $0x100  }
0x5: {  	s29 =	simm.s32 $0x180;
	s30 =	simm.s32 $0x4300;
	s31 =	simm.s32 $0x1  }
0x6: {  	[smem:$0x7FF] =	sst s4;
	s2 =	smul.u32 $0x2700, s14;
	s5 =	sadd.s32 $0xDC00, s0  }
0x7: {  	s6 =	sadd.s32 $0x3E00, s0;
	s7 =	sand.u32 $0x1, s7;
	s11 =	smul.u32 $0x4E000, s14  }
0x8: {  	s12 =	sadd.s32 $0x3EC00, s0;
	s15 =	sshll.u32 s14, $0x6;
	s16 =	sadd.s32 $0x138000, s3  }
0x9: {  	s22 =	smul.u32 $0x2710, s14;
	p0 =	sne.s32 s14, $0xF;
	_ =	strace $0x80000047  }
0xa: {  	s9 =	ssub.s32 $0x2, s7;
	s10 =	sshll.u32 s7, $0x4;
	s19 =	smul.u32 $0x27100, s7  }
0xb: {  	[dreg:$0x6] =	wrdreg s16;
	s7 =	smul.u32 $0x138800, s7;
	s8 =	sadd.s32 s2, s0  }
0xc: {  	s13 =	sshrl.u32 s9, $0x1;
	s10 =	sor.u32 s14, s10;
	s11 =	sshrl.u32 s11, $0x2  }
0xd: {  	s0 =	sadd.s32 $0x3EA00, s0;
	s13 =	ssub.s32 s9, s13;
	s10 =	smul.u32 $0x2710, s10  }
0xe: {  	s9 =	sadd.s32 s11, s3;
	s8 =	sadd.s32 $0x17A00, s8;
	[dreg:$0x7] =	wrdreg s0  }
0xf: {  	s2 =	sadd.s32 s2, s19;
	s7 =	sshrl.u32 s7, $0x3;
	[dreg:$0x4] =	wrdreg s9  }
0x10: {  	s0 =	sadd.s32 s22, s19;
	s11 =	simm.s32 $0x10;
	[dreg:$0x5] =	wrdreg s8  }
0x11: {  	s9 =	sor.u32 $0x1C05, s15;
	s2 =	sadd.s32 s12, s2;
	s24 =	sadd.s32 s12, s7  }
0x12: {  	s25 =	sadd.s32 $0x180, s0;
	s7 =	simm.s32 $0x4;
	s12 =	simm.s32 $0x0  }
0x13: {  	s17 =	sshrl.u32 s10, $0x3;
	[dreg:$0xe] =	wrdreg s2;
	s2 =	sadd.s32 $0x27000, s24  }
0x14: {  	s26 =	sshrl.u32 s25, $0x3;
	s18 =	sadd.s32 s5, s17;
	[dreg:$0xf] =	wrdreg s2  }
0x15: {  	s10 =	sadd.s32 s6, s17;
	s20 =	sadd.s32 $0x10, s17;
	[dreg:$0x8] =	wrdreg s18  }
0x16: {  	s24 =	simm.s32 $0x5;
	[dreg:$0x9] =	wrdreg s10;
	s21 =	sadd.s32 s5, s20  }
0x17: {  	s8 =	sadd.s32 $0x4E0, s17;
	s10 =	sadd.s32 s6, s20;
	[dreg:$0xa] =	wrdreg s21  }
0x18: {  	s25 =	simm.s32 $0x80;
	s23 =	sadd.s32 s5, s8;
	[dreg:$0xb] =	wrdreg s10  }
0x19: {  	s22 =	sadd.s32 s26, s5;
	s8 =	sadd.s32 s6, s8;
	[dreg:$0xc] =	wrdreg s23  }
0x1a: {  	s2 =	simm.s32 $0x3;
	s20 =	smax.u32 s13, $0x1;
	[dreg:$0xd] =	wrdreg s8  }
0x1b: {  	s21 =	sadd.s32 s26, s6;
	s23 =	sadd.s32 $0x100, s0;
	s26 =	simm.s32 $0x300  }
0x1c: {  	s0 =	simm.s32 $0x2;
	s8 =	simm.s32 $0x200;
	s10 =	simm.s32 $0x280  }
.LBB2_1:
0x1d: {  	s13 =	rddreg [dreg:$0x4]  }
0x1e: {  	s14 =	rddreg [dreg:$0x5];
	s13 =	sshrl.u32 s13, $0x3  }
0x1f: {  	[spmem:s13], [sflag:s9] =	dma.local [hbm:s14], $0x2700  }
0x20: {  	_ =	swait.ge [sflag:s24], $0x2700  }
0x21: {  	[sflag:s24] =	ssyncset.done $0x0;
	s14 =	rddreg [dreg:$0x6]  }
0x22: {  	s15 =	rddreg [dreg:$0x7];
	[sflag:s24] =	ssyncadd.s32 $0xFFFFD900;
	s14 =	sshrl.u32 @!p0 s14, $0x3  }
0x23: {  	[spmem:s14], [sflag:s9] =	dma.local @!p0 [hbm:s15], $0x100  }
0x24: {  	s15 =	simm.s32 @!p0 $0x5  }
0x25: {  	_ =	swait.ge @!p0 [sflag:s15], $0x100  }
0x26: {  	[sflag:s15] =	ssyncset.done @!p0 $0x0  }
0x27: {  	[sflag:s15] =	ssyncadd.s32 @!p0 $0xFFFFFF00  }
0x28: {  	[bflag:$0x0] =	sbarrier.arrive $0xFFFF  }
0x29: {  	s17 =	rddreg [dreg:$0x8]  }
0x2a: {  	[tilespmem:s4], [sflag:$0x5] =	stream.linear.gather [hbm4b:s17+s4], $0x80, $0x38;
	[tilespmem:$0x1BB80] =	vst v63  }
0x2b: {  	_ =	swait.ge [sflag:s24], $0x80  }
0x2c: {  	[sflag:s24] =	ssyncset.done $0x0  }
0x2d: {  	s18 =	rddreg [dreg:$0x9];
	[sflag:s24] =	ssyncadd.s32 $0xFFFFFF80  }
0x2e: {  	[tilespmem:s25], [sflag:$0x5] =	stream.linear.gather [hbm4b:s18+s4], $0x80, $0x38;
	[tilespmem:$0x1BB80] =	vst v63  }
0x2f: {  	_ =	swait.ge [sflag:s24], $0x80  }
0x30: {  	[sflag:s24] =	ssyncset.done $0x0  }
0x31: {  	[sflag:s24] =	ssyncadd.s32 $0xFFFFFF80  }
0x32: {  	[tilespmem:s26], [sflag:$0x1] =	stream.indirect.gather [hbm4b:s1+s25], $0x80, s4, s25, $0xb8;
	[tilespmem:$0x1BB80] =	vst v63  }
0x33: {  	s19 =	rddreg [dreg:$0xa]  }
0x34: {  	[tilespmem:s28], [sflag:$0x5] =	stream.linear.gather [hbm4b:s19+s4], $0x80, $0x38;
	[tilespmem:$0x1BB80] =	vst v63  }
0x35: {  	_ =	swait.ge [sflag:s24], $0x80  }
0x36: {  	[sflag:s24] =	ssyncset.done $0x0  }
0x37: {  	s16 =	rddreg [dreg:$0xb];
	[sflag:s24] =	ssyncadd.s32 $0xFFFFFF80  }
0x38: {  	[tilespmem:s29], [sflag:$0x5] =	stream.linear.gather [hbm4b:s16+s4], $0x80, $0x38;
	[tilespmem:$0x1BB80] =	vst v63  }
0x39: {  	_ =	swait.ge [sflag:s24], $0x80  }
0x3a: {  	[sflag:s24] =	ssyncset.done $0x0  }
0x3b: {  	[sflag:s24] =	ssyncadd.s32 $0xFFFFFF80  }
0x3c: {  	[tilespmem:s30], [sflag:$0x2] =	stream.indirect.gather [hbm4b:s1+s25], $0x80, s28, s25, $0xb8;
	[tilespmem:$0x1BB80] =	vst v63  }
0x3d: {  	_ =	swait.ge [sflag:s31], $0x4000  }
0x3e: {  	[sflag:s31] =	ssyncset.done $0x0  }
0x3f: {  	[sflag:s31] =	ssyncadd.s32 $0xFFFFC000  }
0x40: {  	[spmem:s3] =	stream.indirect.scatter.add.f32 [tilespmem:s26], [sflag:$0x3], $0x80, s25, s25, $0xb8;
	[tilespmem:$0x1BB80] =	vst v63  }
0x41: {  	_ =	swait.ge [sflag:s0], $0x4000  }
0x42: {  	[sflag:s0] =	ssyncset.done $0x0  }
0x43: {  	[sflag:s0] =	ssyncadd.s32 $0xFFFFC000  }
0x44: {  	[spmem:s3] =	stream.indirect.scatter.add.f32 [tilespmem:s30], [sflag:$0x4], $0x80, s29, s25, $0xb8;
	[tilespmem:$0x1BB80] =	vst v63  }
0x45: {  	_ =	swait.ge [sflag:s2], $0x4000  }
0x46: {  	s17 =	sshrl.u32 s23, $0x3;
	[sflag:s2] =	ssyncset.done $0x0  }
0x47: {  	s16 =	sadd.s32 s5, s17;
	[sflag:s2] =	ssyncadd.s32 $0xFFFFC000  }
0x48: {  	[tilespmem:s4], [sflag:$0x5] =	stream.linear.gather [hbm4b:s16+s4], $0x80, $0x38;
	[tilespmem:$0x1BB80] =	vst v63  }
0x49: {  	_ =	swait.ge [sflag:s24], $0x80  }
0x4a: {  	[sflag:s24] =	ssyncset.done $0x0  }
0x4b: {  	s15 =	sadd.s32 s6, s17;
	[sflag:s24] =	ssyncadd.s32 $0xFFFFFF80  }
0x4c: {  	[tilespmem:s25], [sflag:$0x5] =	stream.linear.gather [hbm4b:s15+s4], $0x80, $0x38;
	[tilespmem:$0x1BB80] =	vst v63  }
0x4d: {  	_ =	swait.ge [sflag:s24], $0x80  }
0x4e: {  	[sflag:s24] =	ssyncset.done $0x0  }
0x4f: {  	[sflag:s24] =	ssyncadd.s32 $0xFFFFFF80  }
0x50: {  	[tilespmem:s26], [sflag:$0x1] =	stream.indirect.gather [hbm4b:s1+s25], $0x80, s4, s25, $0xb8;
	[tilespmem:$0x1BB80] =	vst v63  }
0x51: {  	_ =	swait.ge [sflag:s7], $0x4000  }
0x52: {  	[sflag:s7] =	ssyncset.done $0x0  }
0x53: {  	s18 =	sadd.s32 $0x0, s22;
	[sflag:s7] =	ssyncadd.s32 $0xFFFFC000  }
0x54: {  	[tilespmem:s28], [sflag:$0x5] =	stream.linear.gather [hbm4b:s18+s4], $0x80, $0x38;
	[tilespmem:$0x1BB80] =	vst v63  }
0x55: {  	_ =	swait.ge [sflag:s24], $0x80  }
0x56: {  	[sflag:s24] =	ssyncset.done $0x0  }
0x57: {  	s19 =	sadd.s32 $0x0, s21;
	[sflag:s24] =	ssyncadd.s32 $0xFFFFFF80  }
0x58: {  	[tilespmem:s29], [sflag:$0x5] =	stream.linear.gather [hbm4b:s19+s4], $0x80, $0x38;
	[tilespmem:$0x1BB80] =	vst v63  }
0x59: {  	_ =	swait.ge [sflag:s24], $0x80  }
0x5a: {  	[sflag:s24] =	ssyncset.done $0x0  }
0x5b: {  	s16 =	sadd.s32 $0x100, s23;
	s15 =	simm.s32 $0x20;
	[sflag:s24] =	ssyncadd.s32 $0xFFFFFF80  }
.LBB2_2:
0x5c: {  	[tilespmem:s30], [sflag:$0x2] =	stream.indirect.gather [hbm4b:s1+s25], $0x80, s28, s25, $0xb8;
	[tilespmem:$0x1BB80] =	vst v63  }
0x5d: {  	s17 =	smov.u32 s15  }
0x5e: {  	p1 =	sne.s32 s15, $0x4A0;
	s15 =	sadd.s32 $0x20, s15;
	_ =	swait.ge [sflag:s31], $0x4000  }
0x5f: {  	[sflag:s31] =	ssyncset.done $0x0  }
0x60: {  	[sflag:s31] =	ssyncadd.s32 $0xFFFFC000  }
0x61: {  	[spmem:s3] =	stream.indirect.scatter.add.f32 [tilespmem:s26], [sflag:$0x3], $0x80, s25, s25, $0xb8;
	[tilespmem:$0x1BB80] =	vst v63  }
0x62: {  	_ =	swait.ge [sflag:s0], $0x4000  }
0x63: {  	[sflag:s0] =	ssyncset.done $0x0  }
0x64: {  	[sflag:s0] =	ssyncadd.s32 $0xFFFFC000  }
0x65: {  	[spmem:s3] =	stream.indirect.scatter.add.f32 [tilespmem:s30], [sflag:$0x4], $0x80, s29, s25, $0xb8;
	[tilespmem:$0x1BB80] =	vst v63  }
0x66: {  	_ =	swait.ge [sflag:s2], $0x4000  }
0x67: {  	s18 =	sshrl.u32 s16, $0x3;
	[sflag:s2] =	ssyncset.done $0x0  }
0x68: {  	s19 =	sadd.s32 s5, s18;
	[sflag:s2] =	ssyncadd.s32 $0xFFFFC000  }
0x69: {  	[tilespmem:s4], [sflag:$0x5] =	stream.linear.gather [hbm4b:s19+s4], $0x80, $0x38;
	[tilespmem:$0x1BB80] =	vst v63  }
0x6a: {  	_ =	swait.ge [sflag:s24], $0x80  }
0x6b: {  	[sflag:s24] =	ssyncset.done $0x0  }
0x6c: {  	s18 =	sadd.s32 s6, s18;
	[sflag:s24] =	ssyncadd.s32 $0xFFFFFF80  }
0x6d: {  	[tilespmem:s25], [sflag:$0x5] =	stream.linear.gather [hbm4b:s18+s4], $0x80, $0x38;
	[tilespmem:$0x1BB80] =	vst v63  }
0x6e: {  	_ =	swait.ge [sflag:s24], $0x80  }
0x6f: {  	[sflag:s24] =	ssyncset.done $0x0  }
0x70: {  	[sflag:s24] =	ssyncadd.s32 $0xFFFFFF80  }
0x71: {  	[tilespmem:s26], [sflag:$0x1] =	stream.indirect.gather [hbm4b:s1+s25], $0x80, s4, s25, $0xb8;
	[tilespmem:$0x1BB80] =	vst v63  }
0x72: {  	_ =	swait.ge [sflag:s7], $0x4000  }
0x73: {  	[sflag:s7] =	ssyncset.done $0x0  }
0x74: {  	s18 =	sadd.s32 s17, s22;
	[sflag:s7] =	ssyncadd.s32 $0xFFFFC000  }
0x75: {  	[tilespmem:s28], [sflag:$0x5] =	stream.linear.gather [hbm4b:s18+s4], $0x80, $0x38;
	[tilespmem:$0x1BB80] =	vst v63  }
0x76: {  	_ =	swait.ge [sflag:s24], $0x80  }
0x77: {  	[sflag:s24] =	ssyncset.done $0x0  }
.Ltmp0:
0x78: {  	s17 =	sadd.s32 s17, s21;
	[sflag:s24] =	ssyncadd.s32 $0xFFFFFF80;
	(pc) =	sbr.rel @p1 .LBB2_2-.Ltmp0, $4  }
0x79: {  	[tilespmem:s29], [sflag:$0x5] =	stream.linear.gather [hbm4b:s17+s4], $0x80, $0x38;
	[tilespmem:$0x1BB80] =	vst v63  }
0x7a: {  	_ =	swait.ge [sflag:s24], $0x80  }
0x7b: {  	[sflag:s24] =	ssyncset.done $0x0  }
0x7c: {  	s16 =	sadd.s32 $0x100, s16;
	[sflag:s24] =	ssyncadd.s32 $0xFFFFFF80  }
0x7d: {  	[tilespmem:s30], [sflag:$0x2] =	stream.indirect.gather [hbm4b:s1+s25], $0x80, s28, s25, $0xb8;
	[tilespmem:$0x1BB80] =	vst v63  }
0x7e: {  	_ =	swait.ge [sflag:s31], $0x4000  }
0x7f: {  	[sflag:s31] =	ssyncset.done $0x0  }
0x80: {  	[sflag:s31] =	ssyncadd.s32 $0xFFFFC000  }
0x81: {  	[spmem:s3] =	stream.indirect.scatter.add.f32 [tilespmem:s26], [sflag:$0x3], $0x80, s25, s25, $0xb8;
	[tilespmem:$0x1BB80] =	vst v63  }
0x82: {  	_ =	swait.ge [sflag:s0], $0x4000  }
0x83: {  	[sflag:s0] =	ssyncset.done $0x0  }
0x84: {  	[sflag:s0] =	ssyncadd.s32 $0xFFFFC000  }
0x85: {  	[spmem:s3] =	stream.indirect.scatter.add.f32 [tilespmem:s30], [sflag:$0x4], $0x80, s29, s25, $0xb8;
	[tilespmem:$0x1BB80] =	vst v63  }
0x86: {  	_ =	swait.ge [sflag:s2], $0x4000  }
0x87: {  	[sflag:s2] =	ssyncset.done $0x0  }
0x88: {  	[sflag:s2] =	ssyncadd.s32 $0xFFFFC000  }
0x89: {  	_ =	swait.ge [sflag:s7], $0x4000  }
0x8a: {  	[sflag:s7] =	ssyncset.done $0x0  }
0x8b: {  	s15 =	rddreg [dreg:$0xc];
	[sflag:s7] =	ssyncadd.s32 $0xFFFFC000  }
0x8c: {  	[tilespmem:s8], [sflag:$0x5] =	stream.linear.gather [hbm4b:s15+s4], $0x10, $0x38;
	[tilespmem:$0x1BB80] =	vst v63  }
0x8d: {  	_ =	swait.ge [sflag:s24], $0x10  }
0x8e: {  	[sflag:s24] =	ssyncset.done $0x0  }
0x8f: {  	s18 =	rddreg [dreg:$0xd];
	[sflag:s24] =	ssyncadd.s32 $0xFFFFFFF0  }
0x90: {  	[tilespmem:s10], [sflag:$0x5] =	stream.linear.gather [hbm4b:s18+s4], $0x10, $0x38;
	[tilespmem:$0x1BB80] =	vst v63  }
0x91: {  	_ =	swait.ge [sflag:s24], $0x10  }
0x92: {  	[sflag:s24] =	ssyncset.done $0x0  }
0x93: {  	[sflag:s24] =	ssyncadd.s32 $0xFFFFFFF0  }
0x94: {  	[tilespmem:s26], [sflag:$0x1] =	stream.indirect.gather [hbm4b:s1+s11], $0x80, s8, s11, $0xb8;
	[tilespmem:$0x1BB80] =	vst v63  }
0x95: {  	_ =	swait.ge [sflag:s31], $0x800  }
0x96: {  	[sflag:s31] =	ssyncset.done $0x0  }
0x97: {  	[sflag:s31] =	ssyncadd.s32 $0xFFFFF800  }
0x98: {  	[spmem:s3] =	stream.indirect.scatter.add.f32 [tilespmem:s26], [sflag:$0x5], $0x80, s10, s11, $0xb8;
	[tilespmem:$0x1BB80] =	vst v63  }
0x99: {  	_ =	swait.ge [sflag:s24], $0x800  }
0x9a: {  	[sflag:s24] =	ssyncset.done $0x0  }
0x9b: {  	[sflag:s24] =	ssyncadd.s32 $0xFFFFF800  }
0x9c: {  	[bflag:$0x0] =	sbarrier.arrive $0xFFFF  }
0x9d: {  	s19 =	rddreg [dreg:$0xe]  }
0x9e: {  	[hbm:s19], [sflag:s9] =	dma.local [spmem:s13], $0x2700  }
0x9f: {  	_ =	swait.ge [sflag:s24], $0x2700  }
0xa0: {  	s12 =	sadd.s32 $0x1, s12;
	[sflag:s24] =	ssyncset.done $0x0  }
0xa1: {  	p1 =	sne.s32 s12, s20;
	s13 =	rddreg [dreg:$0xf];
	[sflag:s24] =	ssyncadd.s32 $0xFFFFD900  }
0xa2: {  	[hbm:s13], [sflag:s9] =	dma.local @!p0 [spmem:s14], $0x100  }
.Ltmp1:
0xa3: {  	_ = 	snop;
	(pc) =	sbr.rel @p1 .LBB2_1-.Ltmp1, $4  }
0xa4: {  	s13 =	simm.s32 @!p0 $0x5  }
0xa5: {  	_ =	swait.ge @!p0 [sflag:s13], $0x100  }
0xa6: {  	[sflag:s13] =	ssyncset.done @!p0 $0x0  }
0xa7: {  	[sflag:s13] =	ssyncadd.s32 @!p0 $0xFFFFFF00  }
0xa8: {  	_ =	sfence.sel $0x180000  }
0xa9: {  	[bflag:$0x0] =	sbarrier.arrive $0xFFFF  }
0xaa: {  	_ =	strace $0x90000047  }
0xab: {  	s0 =	stileid.u32;
	[bflag:$0x2] =	sbarrier.arrive $0xFFFF  }
0xac: {  	p0 =	sne.s32 s0, $0x0;
	s0 =	rddreg [dreg:$0x3]  }
0xad: {  	s0 =	sadd.s32 @!p0 $0x100000, s0  }
0xae: {  	[sflag:s0] =	ssyncadd.tile.s32 @!p0 $0x1;
	_ =	shalt  }
.Lfunc_end2:
_tile_overlayer_lowered:
.L_overlay_start_2:
0xaf: {  	(tag) =	ssettag $0x2  }
0xb0: {  	s0 =	rddreg [dreg:$0x0];
	s2 =	stileid.u32  }
0xb1: {  	s1 =	rddreg [dreg:$0x1];
	p0 =	sne.s32 s2, $0x0  }
0xb2: {  	s3 =	rddreg [dreg:$0x2];
	[bflag:$0x3] =	sbarrier.arrive $0xFFFF;
	s2 =	simm.s32 @!p0 $0x1C05  }
0xb3: {  	[timem:s3], [sflag:s2] =	dma.local @!p0 [hbm:s0], s1  }
0xb4: {  	s0 =	simm.s32 @!p0 $0x5  }
0xb5: {  	_ =	swait.ge @!p0 [sflag:s0], s1  }
0xb6: {  	s1 =	ssub.s32 @!p0 $0x0, s1;
	[sflag:s0] =	ssyncset.done @!p0 $0x0  }
0xb7: {  	[sflag:s0] =	ssyncadd.s32 @!p0 s1  }
0xb8: {  	[bflag:$0x3] =	sbarrier.arrive $0xFFFF  }
0xb9: {  	_ =	shalt  }

// kernel: kernel.15.cloned.1.call-start
scs
__scs_entry_jumppad:
0x0: {  	(pc) =	sbr.rel $0x88, $3  }
0x1: {  	(tag) =	ssettag $0x0;
	lr =	simm.s32 $0x1  }
0x2: {  	[smem:$0x3F8C] =	sst lr;
	_ =	strace $0xD0000000  }
0x3: {  	_ = 	snop  }
0x4: {  	_ = 	snop  }
0x5: {  	_ = 	snop  }
0x6: {  	_ = 	snop  }
0x7: {  	_ = 	snop  }
__scs_overlays_trampoline_lowered:
0x8: {  	[smem:$0x3F9B] =	sst s0  }
0x9: {  	[smem:$0x3F9C] =	sst s1  }
0xa: {  	[smem:$0x3F9D] =	sst s2  }
0xb: {  	[smem:$0x3F9E] =	sst s3  }
0xc: {  	[smem:$0x3F9F] =	sst s4  }
0xd: {  	[smem:$0x3FA0] =	sst s5  }
0xe: {  	[smem:$0x3FA1] =	sst s6  }
0xf: {  	[smem:$0x3FA2] =	sst s7  }
0x10: {  	[smem:$0x3FA3] =	sst s8  }
0x11: {  	[smem:$0x3FA4] =	sst s9;
	s0 =	simm.s32 @!p0 $0x0  }
0x12: {  	s1 =	sld [smem:$0x3F8A];
	s0 =	simm.s32 @p0 $0x1  }
0x13: {  	[smem:$0x3FA5] =	sst s0;
	s0 =	simm.s32 @!p1 $0x0  }
0x14: {  	s2 =	sld [smem:$0x3F89];
	s0 =	simm.s32 @p1 $0x1  }
0x15: {  	[smem:$0x3FA6] =	sst s0;
	s0 =	simm.s32 @!p2 $0x0  }
0x16: {  	s3 =	sld [smem:$0x3FDB];
	s0 =	simm.s32 @p2 $0x1  }
0x17: {  	s4 =	simm.s32 $0x1BF5;
	[smem:$0x3FA8] =	sst s0  }
0x18: {  	s0 =	sld [smem:$0x3F8B];
	_ =	swait.ge [sflag:s4], $0x0  }
0x19: {  	s7 =	sld [smem:$0x3F8C]  }
0x1a: {  	s8 =	sadd.s32 $0xFFFFE003, lr  }
0x1b: {  	s9 =	sadd.s32 $0xFFFFFEF7, lr;
	s5 =	simm.s32 $0xFFFFFFFF;
	p2 =	slt.u32 s8, $0xFFFFF086  }
0x1c: {  	p1 =	slt.u32 s9, $0xF7A;
	s5 =	simm.s32 @!p2 $0x0  }
0x1d: {  	s5 =	simm.s32 @p1 $0x1;
	p0 =	seq.s32 s7, s2  }
0x1e: {  	s7 =	smul.u32 @!p0 $0xF7A, s2;
	p2 =	seq.s32 @!p0 s5, $0x0  }
0x1f: {  	s9 =	smul.u32 $0xF7A, s1;
	s8 =	simm.s32 @!p0 $0x1BF5;
	p2 =	por !p2, p0  }
0x20: {  	[sflag:s8] =	ssyncset.s32 @!p0 $0xFFFFF086;
	s6 =	sadd.s32 @!p0 s3, s7;
	s7 =	simm.s32 @!p0 $0x108  }
0x21: {  	s3 =	sadd.s32 s3, s9;
	s6 =	sadd.s32 @!p0 $0x88, s6;
	s7 =	simm.s32 @p2 $0x1082  }
0x22: {  	[simem:s7], [sflag:s8] =	dma.local @!p0 [hbm:s6], $0xF7A  }
0x23: {  	s9 =	sor.u32 $0xD0000000, s2;
	s6 =	simm.s32 $0x108;
	_ =	swait.ge @!p0 [sflag:s8], $0x0  }
0x24: {  	s3 =	sadd.s32 $0x88, s3;
	s6 =	simm.s32 @!p1 $0x1082;
	[sflag:s4] =	ssyncset.s32 $0xFFFFF086  }
0x25: {  	[simem:s6], [sflag:s4] =	dma.local [hbm:s3], $0xF7A  }
0x26: {  	[smem:$0x3F8C] =	sst s1;
	(tag) =	ssettag s2;
	_ =	strace s9  }
0x27: {  	s1 =	sld [smem:$0x3F9C]  }
0x28: {  	s2 =	sld [smem:$0x3F9D]  }
0x29: {  	s4 =	sld [smem:$0x3F9F]  }
0x2a: {  	p0 =	seq.s32 s5, $0x0;
	s5 =	sld [smem:$0x3FA0]  }
0x2b: {  	s6 =	sld [smem:$0x3FA1]  }
0x2c: {  	s7 =	sld [smem:$0x3FA2]  }
0x2d: {  	s3 =	simm.s32 $0x108;
	s8 =	sld [smem:$0x3FA3]  }
0x2e: {  	s3 =	simm.s32 @!p0 $0x1082;
	s9 =	sld [smem:$0x3FA4]  }
0x2f: {  	lr =	sadd.s32 s0, s3;
	s0 =	sld [smem:$0x3F9B]  }
0x30: {  	s3 =	sld [smem:$0x3F9E]  }
0x31: {  	[smem:$0x3FA7] =	sst s10  }
0x32: {  	s10 =	sld [smem:$0x3FA5];
	_ =	sdelay $0x3  }
0x33: {  	p0 =	seq.s32 s10, $0x1;
	s10 =	sld [smem:$0x3FA7];
	_ =	sdelay $0x3  }
0x34: {  	[smem:$0x3FA7] =	sst s10  }
0x35: {  	s10 =	sld [smem:$0x3FA6];
	_ =	sdelay $0x3  }
0x36: {  	p1 =	seq.s32 s10, $0x1;
	s10 =	sld [smem:$0x3FA7];
	_ =	sdelay $0x3  }
0x37: {  	[smem:$0x3FA7] =	sst s10  }
0x38: {  	s10 =	sld [smem:$0x3FA8]  }
0x39: {  	_ = 	snop;
	(pc) =	sbr.ind lr, $3  }
0x3a: {  	_ = 	snop  }
0x3b: {  	_ = 	snop  }
0x3c: {  	p2 =	seq.s32 s10, $0x1;
	s10 =	sld [smem:$0x3FA7]  }
0x3d: {  	_ =	shalt  }
0x3e: {  	_ =	shalt  }
0x3f: {  	_ =	shalt  }
0x40: {  	_ =	shalt  }
0x41: {  	_ =	shalt  }
0x42: {  	_ =	shalt  }
0x43: {  	_ =	shalt  }
0x44: {  	_ =	shalt  }
0x45: {  	_ =	shalt  }
0x46: {  	_ =	shalt  }
0x47: {  	_ =	shalt  }
0x48: {  	_ =	shalt  }
0x49: {  	_ =	shalt  }
0x4a: {  	_ =	shalt  }
0x4b: {  	_ =	shalt  }
0x4c: {  	_ =	shalt  }
0x4d: {  	_ =	shalt  }
0x4e: {  	_ =	shalt  }
0x4f: {  	_ =	shalt  }
0x50: {  	_ =	shalt  }
0x51: {  	_ =	shalt  }
0x52: {  	_ =	shalt  }
0x53: {  	_ =	shalt  }
0x54: {  	_ =	shalt  }
0x55: {  	_ =	shalt  }
0x56: {  	_ =	shalt  }
0x57: {  	_ =	shalt  }
0x58: {  	_ =	shalt  }
0x59: {  	_ =	shalt  }
0x5a: {  	_ =	shalt  }
0x5b: {  	_ =	shalt  }
0x5c: {  	_ =	shalt  }
0x5d: {  	_ =	shalt  }
0x5e: {  	_ =	shalt  }
0x5f: {  	_ =	shalt  }
0x60: {  	_ =	shalt  }
0x61: {  	_ =	shalt  }
0x62: {  	_ =	shalt  }
0x63: {  	_ =	shalt  }
0x64: {  	_ =	shalt  }
0x65: {  	_ =	shalt  }
0x66: {  	_ =	shalt  }
0x67: {  	_ =	shalt  }
0x68: {  	_ =	shalt  }
0x69: {  	_ =	shalt  }
0x6a: {  	_ =	shalt  }
0x6b: {  	_ =	shalt  }
0x6c: {  	_ =	shalt  }
0x6d: {  	_ =	shalt  }
0x6e: {  	_ =	shalt  }
0x6f: {  	_ =	shalt  }
0x70: {  	_ =	shalt  }
0x71: {  	_ =	shalt  }
0x72: {  	_ =	shalt  }
0x73: {  	_ =	shalt  }
0x74: {  	_ =	shalt  }
0x75: {  	_ =	shalt  }
0x76: {  	_ =	shalt  }
0x77: {  	_ =	shalt  }
0x78: {  	_ =	shalt  }
0x79: {  	_ =	shalt  }
0x7a: {  	_ =	shalt  }
0x7b: {  	_ =	shalt  }
0x7c: {  	_ =	shalt  }
0x7d: {  	_ =	shalt  }
0x7e: {  	_ =	shalt  }
0x7f: {  	_ =	shalt  }
0x80: {  	_ =	shalt  }
0x81: {  	_ =	shalt  }
0x82: {  	_ =	shalt  }
0x83: {  	_ =	shalt  }
0x84: {  	_ =	shalt  }
0x85: {  	_ =	shalt  }
0x86: {  	_ =	shalt  }
0x87: {  	_ =	shalt  }
.Lfunc_end0:
.L_simem_size_0:
called_computation.2_lowered:
.L_overlay_start_0:
0x88: {  	s2 =	sld [smem:$0x3FD9]  }
0x89: {  	s3 =	sld [smem:$0x3FFE];
	_ =	sdelay $0x1  }
0x8a: {  	s1 =	srdreg.scid  }
0x8b: {  	s0 =	sand.u32 $0x1, s1  }
0x8c: {  	s16 =	sshll.u32 s0, $0xA;
	s2 =	sadd.s32 s3, s2  }
0x8d: {  	s2 =	sadd.s32 s2, s16  }
0x8e: {  	[smem:$0x3FB3] =	sst s2  }
0x8f: {  	_ = 	snop  }
0x90: {  	(tm) =	ssettm $0x1  }
0x91: {  	s17 =	sld [smem:$0x3FFB];
	_ =	sdelay $0x3  }
0x92: {  	_ =	strace s17  }
0x93: {  	s2 =	sld [smem:$0x3FFC];
	_ =	sdelay $0x3  }
0x94: {  	_ =	strace s2  }
0x95: {  	s2 =	sld [smem:$0x3FFD];
	_ =	sdelay $0x3  }
0x96: {  	_ =	strace s2  }
0x97: {  	_ =	strace $0x8FFFFFFF  }
0x98: {  	s18 =	sld [smem:$0x3FDB];
	_ =	sdelay $0x1  }
0x99: {  	s19 =	simm.s32 $_scs_section_size  }
0x9a: {  	s4 =	simm.s32 $_size__tile_overlayer_lowered;
	s5 =	simm.s32 $_tile_overlayer_lowered  }
0x9b: {  	s22 =	simm.s32 $0x1BFF;
	s21 =	sshll.u32 s5, $0x1;
	s2 =	sadd.s32 s19, s18  }
0x9c: {  	s6 =	simm.s32 $0x0;
	s20 =	sshll.u32 s4, $0x1;
	s4 =	sadd.s32 s21, s2  }
0x9d: {  	[timem:s6], [sflag:s22] =	dma.local [hbm:s4], s20  }
0x9e: {  	_ =	swait.ge [sflag:s22], s20  }
0x9f: {  	s3 =	ssub.s32 $0x0, s20;
	[sflag:s22] =	ssyncset.done $0x0  }
0xa0: {  	[sflag:s22] =	ssyncadd.s32 s3;
	_ =	sdelay $0x1  }
0xa1: {  	s23 =	simm.s32 $0x1B8B  }
0xa2: {  	_ =	swait.ge [sflag:s23], $0x1  }
0xa3: {  	[sflag:s23] =	ssyncset.done $0x0  }
0xa4: {  	s25 =	simm.s32 $0x1B8E;
	s24 =	sld [smem:$0x3FFE];
	[sflag:s23] =	ssyncadd.s32 $0xFFFFFFFF  }
0xa5: {  	s26 =	simm.s32 $execute0_lowered;
	[smem:$0x3FD2] =	sst s25  }
0xa6: {  	s4 =	sshll.u32 s26, $0x1;
	_ =	strace $0x8000004C;
	[dreg:$0x1] =	wrdreg $0xFFFFFFFF  }
0xa7: {  	s28 =	simm.s32 $_size_execute0_lowered;
	s2 =	sadd.s32 s2, s4;
	[dreg:$0x0] =	wrdreg $0x0  }
0xa8: {  	s4 =	sshll.u32 s28, $0x1;
	[dreg:$0x2] =	wrdreg s2  }
0xa9: {  	[dreg:$0x3] =	wrdreg s4  }
0xaa: {  	[dreg:$0x4] =	wrdreg $0xC0  }
0xab: {  	_ =	task [dreg:s6], $0x5FFFF  }
0xac: {  	[dreg:$0x1] =	wrdreg $0xFFFFFFFF  }
0xad: {  	[dreg:$0x0] =	wrdreg $0x60  }
0xae: {  	[dreg:$0x2] =	wrdreg s24  }
0xaf: {  	[dreg:$0x3] =	wrdreg $0x83000  }
0xb0: {  	[dreg:$0x4] =	wrdreg $0x9  }
0xb1: {  	_ =	task.clear_ibuf [dreg:s6], $0x5FFFF;
	_ =	strace $0x9000004C  }
0xb2: {  	s29 =	simm.s32 $0x9;
	_ =	strace $0x8000004E  }
0xb3: {  	_ =	swait.ge [sflag:s29], $0x1  }
0xb4: {  	[sflag:s29] =	ssyncadd.s32 $0xFFFFFFFF  }
0xb5: {  	_ =	strace $0x9000004E  }
0xb6: {  	_ =	sfence  }
0xb7: {  	s30 =	sld [smem:$0x0];
	_ =	sdelay $0x2  }
0xb8: {  	s31 =	sshll.u32 s1, $0xD;
	s1 =	sshrl.u32 s1, $0x2  }
0xb9: {  	s3 =	sand.u32 $0x4000, s31;
	s1 =	sadd.s32 s1, s30  }
0xba: {  	s0 =	sor.u32 s3, s0;
	s1 =	sshll.u32 s1, $0x11  }
0xbb: {  	s0 =	sor.u32 s1, s0  }
0xbc: {  	s0 =	sadd.s32 $0x8F2B, s0  }
0xbd: {  	[sflag:s0] =	ssyncadd.remote.s32 $0x1  }
0xbe: {  	_ =	sfence.sel $0xFFFF  }
0xbf: {  	[dreg:$0x0] =	wrdreg $0xFFFFFFFF;
	(pc) =	sbr.abs _section_cstart, $3  }
0xc0: {  	[dreg:$0x1] =	wrdreg $0xFFFFFFFF  }
0xc1: {  	_ =	task.clear_ibuf [dreg:s6], $0x2FFFF;
	_ =	strace $0x9FFFFFFF  }
0xc2: {  	(tm) =	ssettm $0x7FFFFFFF  }
0xc3: {  	_ =	shalt  }
tec
execute0_lowered:
.L_overlay_start_1:
0x0: {  	(tag) =	ssettag $0x1  }
0x1: {  	s0 =	rddreg [dreg:$0x0]  }
0x2: {  	s2 =	rddreg [dreg:$0x1];
	s3 =	simm.s32 $0x0;
	s14 =	stileid.u32  }
0x3: {  	s7 =	srdreg.scid;
	s28 =	simm.s32 $0x100;
	s29 =	simm.s32 $0x180  }
0x4: {  	s30 =	simm.s32 $0x4300;
	s31 =	simm.s32 $0x1;
	[smem:$0x7FF] =	sst s3  }
0x5: {  	s1 =	smul.u32 $0x2700, s14;
	s4 =	sadd.s32 $0x3EC00, s0;
	s5 =	sadd.s32 $0xDC00, s0  }
0x6: {  	s6 =	sadd.s32 $0x3E00, s0;
	s7 =	sand.u32 $0x1, s7;
	s11 =	smul.u32 $0x4E000, s14  }
0x7: {  	s12 =	sadd.s32 $0x65E00, s0;
	s15 =	sshll.u32 s14, $0x6;
	s16 =	sadd.s32 $0x138000, s2  }
0x8: {  	s22 =	smul.u32 $0x2710, s14;
	p0 =	sne.s32 s14, $0xF;
	_ =	strace $0x8000004D  }
0x9: {  	s9 =	ssub.s32 $0x2, s7;
	s10 =	sshll.u32 s7, $0x4;
	s19 =	smul.u32 $0x27100, s7  }
0xa: {  	[dreg:$0x5] =	wrdreg s16;
	s7 =	smul.u32 $0x138800, s7;
	s8 =	sadd.s32 s1, s0  }
0xb: {  	s13 =	sshrl.u32 s9, $0x1;
	s10 =	sor.u32 s14, s10;
	s11 =	sshrl.u32 s11, $0x2  }
0xc: {  	s0 =	sadd.s32 $0x3EA00, s0;
	s13 =	ssub.s32 s9, s13;
	s10 =	smul.u32 $0x2710, s10  }
0xd: {  	s9 =	sadd.s32 s11, s2;
	s8 =	sadd.s32 $0x17A00, s8;
	[dreg:$0x6] =	wrdreg s0  }
0xe: {  	s1 =	sadd.s32 s1, s19;
	s7 =	sshrl.u32 s7, $0x3;
	[dreg:$0x3] =	wrdreg s9  }
0xf: {  	s0 =	sadd.s32 s22, s19;
	s11 =	simm.s32 $0x10;
	[dreg:$0x4] =	wrdreg s8  }
0x10: {  	s9 =	sor.u32 $0x1C05, s15;
	s1 =	sadd.s32 s12, s1;
	s24 =	sadd.s32 s12, s7  }
0x11: {  	s25 =	sadd.s32 $0x180, s0;
	s7 =	simm.s32 $0x4;
	s12 =	simm.s32 $0x0  }
0x12: {  	s17 =	sshrl.u32 s10, $0x3;
	[dreg:$0xd] =	wrdreg s1;
	s1 =	sadd.s32 $0x27000, s24  }
0x13: {  	s26 =	sshrl.u32 s25, $0x3;
	s18 =	sadd.s32 s5, s17;
	[dreg:$0xe] =	wrdreg s1  }
0x14: {  	s10 =	sadd.s32 s6, s17;
	s20 =	sadd.s32 $0x10, s17;
	[dreg:$0x7] =	wrdreg s18  }
0x15: {  	s24 =	simm.s32 $0x5;
	[dreg:$0x8] =	wrdreg s10;
	s21 =	sadd.s32 s5, s20  }
0x16: {  	s8 =	sadd.s32 $0x4E0, s17;
	s10 =	sadd.s32 s6, s20;
	[dreg:$0x9] =	wrdreg s21  }
0x17: {  	s25 =	simm.s32 $0x80;
	s23 =	sadd.s32 s5, s8;
	[dreg:$0xa] =	wrdreg s10  }
0x18: {  	s22 =	sadd.s32 s26, s5;
	s8 =	sadd.s32 s6, s8;
	[dreg:$0xb] =	wrdreg s23  }
0x19: {  	s1 =	simm.s32 $0x3;
	s20 =	smax.u32 s13, $0x1;
	[dreg:$0xc] =	wrdreg s8  }
0x1a: {  	s21 =	sadd.s32 s26, s6;
	s23 =	sadd.s32 $0x100, s0;
	s26 =	simm.s32 $0x300  }
0x1b: {  	s0 =	simm.s32 $0x2;
	s8 =	simm.s32 $0x200;
	s10 =	simm.s32 $0x280  }
.LBB2_1:
0x1c: {  	s13 =	rddreg [dreg:$0x3]  }
0x1d: {  	s14 =	rddreg [dreg:$0x4];
	s13 =	sshrl.u32 s13, $0x3  }
0x1e: {  	[spmem:s13], [sflag:s9] =	dma.local [hbm:s14], $0x2700  }
0x1f: {  	_ =	swait.ge [sflag:s24], $0x2700  }
0x20: {  	[sflag:s24] =	ssyncset.done $0x0;
	s14 =	rddreg [dreg:$0x5]  }
0x21: {  	s15 =	rddreg [dreg:$0x6];
	[sflag:s24] =	ssyncadd.s32 $0xFFFFD900;
	s14 =	sshrl.u32 @!p0 s14, $0x3  }
0x22: {  	[spmem:s14], [sflag:s9] =	dma.local @!p0 [hbm:s15], $0x100  }
0x23: {  	s15 =	simm.s32 @!p0 $0x5  }
0x24: {  	_ =	swait.ge @!p0 [sflag:s15], $0x100  }
0x25: {  	[sflag:s15] =	ssyncset.done @!p0 $0x0  }
0x26: {  	[sflag:s15] =	ssyncadd.s32 @!p0 $0xFFFFFF00  }
0x27: {  	[bflag:$0x0] =	sbarrier.arrive $0xFFFF  }
0x28: {  	s17 =	rddreg [dreg:$0x7]  }
0x29: {  	[tilespmem:s3], [sflag:$0x5] =	stream.linear.gather [hbm4b:s17+s3], $0x80, $0x38;
	[tilespmem:$0x1BB80] =	vst v63  }
0x2a: {  	_ =	swait.ge [sflag:s24], $0x80  }
0x2b: {  	[sflag:s24] =	ssyncset.done $0x0  }
0x2c: {  	s18 =	rddreg [dreg:$0x8];
	[sflag:s24] =	ssyncadd.s32 $0xFFFFFF80  }
0x2d: {  	[tilespmem:s25], [sflag:$0x5] =	stream.linear.gather [hbm4b:s18+s3], $0x80, $0x38;
	[tilespmem:$0x1BB80] =	vst v63  }
0x2e: {  	_ =	swait.ge [sflag:s24], $0x80  }
0x2f: {  	[sflag:s24] =	ssyncset.done $0x0  }
0x30: {  	[sflag:s24] =	ssyncadd.s32 $0xFFFFFF80  }
0x31: {  	[tilespmem:s26], [sflag:$0x1] =	stream.indirect.gather [hbm4b:s4+s25], $0x80, s3, s25, $0xb8;
	[tilespmem:$0x1BB80] =	vst v63  }
0x32: {  	s19 =	rddreg [dreg:$0x9]  }
0x33: {  	[tilespmem:s28], [sflag:$0x5] =	stream.linear.gather [hbm4b:s19+s3], $0x80, $0x38;
	[tilespmem:$0x1BB80] =	vst v63  }
0x34: {  	_ =	swait.ge [sflag:s24], $0x80  }
0x35: {  	[sflag:s24] =	ssyncset.done $0x0  }
0x36: {  	s16 =	rddreg [dreg:$0xa];
	[sflag:s24] =	ssyncadd.s32 $0xFFFFFF80  }
0x37: {  	[tilespmem:s29], [sflag:$0x5] =	stream.linear.gather [hbm4b:s16+s3], $0x80, $0x38;
	[tilespmem:$0x1BB80] =	vst v63  }
0x38: {  	_ =	swait.ge [sflag:s24], $0x80  }
0x39: {  	[sflag:s24] =	ssyncset.done $0x0  }
0x3a: {  	[sflag:s24] =	ssyncadd.s32 $0xFFFFFF80  }
0x3b: {  	[tilespmem:s30], [sflag:$0x2] =	stream.indirect.gather [hbm4b:s4+s25], $0x80, s28, s25, $0xb8;
	[tilespmem:$0x1BB80] =	vst v63  }
0x3c: {  	_ =	swait.ge [sflag:s31], $0x4000  }
0x3d: {  	[sflag:s31] =	ssyncset.done $0x0  }
0x3e: {  	[sflag:s31] =	ssyncadd.s32 $0xFFFFC000  }
0x3f: {  	[spmem:s2] =	stream.indirect.scatter.add.f32 [tilespmem:s26], [sflag:$0x3], $0x80, s25, s25, $0xb8;
	[tilespmem:$0x1BB80] =	vst v63  }
0x40: {  	_ =	swait.ge [sflag:s0], $0x4000  }
0x41: {  	[sflag:s0] =	ssyncset.done $0x0  }
0x42: {  	[sflag:s0] =	ssyncadd.s32 $0xFFFFC000  }
0x43: {  	[spmem:s2] =	stream.indirect.scatter.add.f32 [tilespmem:s30], [sflag:$0x4], $0x80, s29, s25, $0xb8;
	[tilespmem:$0x1BB80] =	vst v63  }
0x44: {  	_ =	swait.ge [sflag:s1], $0x4000  }
0x45: {  	s17 =	sshrl.u32 s23, $0x3;
	[sflag:s1] =	ssyncset.done $0x0  }
0x46: {  	s16 =	sadd.s32 s5, s17;
	[sflag:s1] =	ssyncadd.s32 $0xFFFFC000  }
0x47: {  	[tilespmem:s3], [sflag:$0x5] =	stream.linear.gather [hbm4b:s16+s3], $0x80, $0x38;
	[tilespmem:$0x1BB80] =	vst v63  }
0x48: {  	_ =	swait.ge [sflag:s24], $0x80  }
0x49: {  	[sflag:s24] =	ssyncset.done $0x0  }
0x4a: {  	s15 =	sadd.s32 s6, s17;
	[sflag:s24] =	ssyncadd.s32 $0xFFFFFF80  }
0x4b: {  	[tilespmem:s25], [sflag:$0x5] =	stream.linear.gather [hbm4b:s15+s3], $0x80, $0x38;
	[tilespmem:$0x1BB80] =	vst v63  }
0x4c: {  	_ =	swait.ge [sflag:s24], $0x80  }
0x4d: {  	[sflag:s24] =	ssyncset.done $0x0  }
0x4e: {  	[sflag:s24] =	ssyncadd.s32 $0xFFFFFF80  }
0x4f: {  	[tilespmem:s26], [sflag:$0x1] =	stream.indirect.gather [hbm4b:s4+s25], $0x80, s3, s25, $0xb8;
	[tilespmem:$0x1BB80] =	vst v63  }
0x50: {  	_ =	swait.ge [sflag:s7], $0x4000  }
0x51: {  	[sflag:s7] =	ssyncset.done $0x0  }
0x52: {  	s18 =	sadd.s32 $0x0, s22;
	[sflag:s7] =	ssyncadd.s32 $0xFFFFC000  }
0x53: {  	[tilespmem:s28], [sflag:$0x5] =	stream.linear.gather [hbm4b:s18+s3], $0x80, $0x38;
	[tilespmem:$0x1BB80] =	vst v63  }
0x54: {  	_ =	swait.ge [sflag:s24], $0x80  }
0x55: {  	[sflag:s24] =	ssyncset.done $0x0  }
0x56: {  	s19 =	sadd.s32 $0x0, s21;
	[sflag:s24] =	ssyncadd.s32 $0xFFFFFF80  }
0x57: {  	[tilespmem:s29], [sflag:$0x5] =	stream.linear.gather [hbm4b:s19+s3], $0x80, $0x38;
	[tilespmem:$0x1BB80] =	vst v63  }
0x58: {  	_ =	swait.ge [sflag:s24], $0x80  }
0x59: {  	[sflag:s24] =	ssyncset.done $0x0  }
0x5a: {  	s16 =	sadd.s32 $0x100, s23;
	s15 =	simm.s32 $0x20;
	[sflag:s24] =	ssyncadd.s32 $0xFFFFFF80  }
.LBB2_2:
0x5b: {  	[tilespmem:s30], [sflag:$0x2] =	stream.indirect.gather [hbm4b:s4+s25], $0x80, s28, s25, $0xb8;
	[tilespmem:$0x1BB80] =	vst v63  }
0x5c: {  	s17 =	smov.u32 s15  }
0x5d: {  	p1 =	sne.s32 s15, $0x4A0;
	s15 =	sadd.s32 $0x20, s15;
	_ =	swait.ge [sflag:s31], $0x4000  }
0x5e: {  	[sflag:s31] =	ssyncset.done $0x0  }
0x5f: {  	[sflag:s31] =	ssyncadd.s32 $0xFFFFC000  }
0x60: {  	[spmem:s2] =	stream.indirect.scatter.add.f32 [tilespmem:s26], [sflag:$0x3], $0x80, s25, s25, $0xb8;
	[tilespmem:$0x1BB80] =	vst v63  }
0x61: {  	_ =	swait.ge [sflag:s0], $0x4000  }
0x62: {  	[sflag:s0] =	ssyncset.done $0x0  }
0x63: {  	[sflag:s0] =	ssyncadd.s32 $0xFFFFC000  }
0x64: {  	[spmem:s2] =	stream.indirect.scatter.add.f32 [tilespmem:s30], [sflag:$0x4], $0x80, s29, s25, $0xb8;
	[tilespmem:$0x1BB80] =	vst v63  }
0x65: {  	_ =	swait.ge [sflag:s1], $0x4000  }
0x66: {  	s18 =	sshrl.u32 s16, $0x3;
	[sflag:s1] =	ssyncset.done $0x0  }
0x67: {  	s19 =	sadd.s32 s5, s18;
	[sflag:s1] =	ssyncadd.s32 $0xFFFFC000  }
0x68: {  	[tilespmem:s3], [sflag:$0x5] =	stream.linear.gather [hbm4b:s19+s3], $0x80, $0x38;
	[tilespmem:$0x1BB80] =	vst v63  }
0x69: {  	_ =	swait.ge [sflag:s24], $0x80  }
0x6a: {  	[sflag:s24] =	ssyncset.done $0x0  }
0x6b: {  	s18 =	sadd.s32 s6, s18;
	[sflag:s24] =	ssyncadd.s32 $0xFFFFFF80  }
0x6c: {  	[tilespmem:s25], [sflag:$0x5] =	stream.linear.gather [hbm4b:s18+s3], $0x80, $0x38;
	[tilespmem:$0x1BB80] =	vst v63  }
0x6d: {  	_ =	swait.ge [sflag:s24], $0x80  }
0x6e: {  	[sflag:s24] =	ssyncset.done $0x0  }
0x6f: {  	[sflag:s24] =	ssyncadd.s32 $0xFFFFFF80  }
0x70: {  	[tilespmem:s26], [sflag:$0x1] =	stream.indirect.gather [hbm4b:s4+s25], $0x80, s3, s25, $0xb8;
	[tilespmem:$0x1BB80] =	vst v63  }
0x71: {  	_ =	swait.ge [sflag:s7], $0x4000  }
0x72: {  	[sflag:s7] =	ssyncset.done $0x0  }
0x73: {  	s18 =	sadd.s32 s17, s22;
	[sflag:s7] =	ssyncadd.s32 $0xFFFFC000  }
0x74: {  	[tilespmem:s28], [sflag:$0x5] =	stream.linear.gather [hbm4b:s18+s3], $0x80, $0x38;
	[tilespmem:$0x1BB80] =	vst v63  }
0x75: {  	_ =	swait.ge [sflag:s24], $0x80  }
0x76: {  	[sflag:s24] =	ssyncset.done $0x0  }
.Ltmp0:
0x77: {  	s17 =	sadd.s32 s17, s21;
	[sflag:s24] =	ssyncadd.s32 $0xFFFFFF80;
	(pc) =	sbr.rel @p1 .LBB2_2-.Ltmp0, $4  }
0x78: {  	[tilespmem:s29], [sflag:$0x5] =	stream.linear.gather [hbm4b:s17+s3], $0x80, $0x38;
	[tilespmem:$0x1BB80] =	vst v63  }
0x79: {  	_ =	swait.ge [sflag:s24], $0x80  }
0x7a: {  	[sflag:s24] =	ssyncset.done $0x0  }
0x7b: {  	s16 =	sadd.s32 $0x100, s16;
	[sflag:s24] =	ssyncadd.s32 $0xFFFFFF80  }
0x7c: {  	[tilespmem:s30], [sflag:$0x2] =	stream.indirect.gather [hbm4b:s4+s25], $0x80, s28, s25, $0xb8;
	[tilespmem:$0x1BB80] =	vst v63  }
0x7d: {  	_ =	swait.ge [sflag:s31], $0x4000  }
0x7e: {  	[sflag:s31] =	ssyncset.done $0x0  }
0x7f: {  	[sflag:s31] =	ssyncadd.s32 $0xFFFFC000  }
0x80: {  	[spmem:s2] =	stream.indirect.scatter.add.f32 [tilespmem:s26], [sflag:$0x3], $0x80, s25, s25, $0xb8;
	[tilespmem:$0x1BB80] =	vst v63  }
0x81: {  	_ =	swait.ge [sflag:s0], $0x4000  }
0x82: {  	[sflag:s0] =	ssyncset.done $0x0  }
0x83: {  	[sflag:s0] =	ssyncadd.s32 $0xFFFFC000  }
0x84: {  	[spmem:s2] =	stream.indirect.scatter.add.f32 [tilespmem:s30], [sflag:$0x4], $0x80, s29, s25, $0xb8;
	[tilespmem:$0x1BB80] =	vst v63  }
0x85: {  	_ =	swait.ge [sflag:s1], $0x4000  }
0x86: {  	[sflag:s1] =	ssyncset.done $0x0  }
0x87: {  	[sflag:s1] =	ssyncadd.s32 $0xFFFFC000  }
0x88: {  	_ =	swait.ge [sflag:s7], $0x4000  }
0x89: {  	[sflag:s7] =	ssyncset.done $0x0  }
0x8a: {  	s15 =	rddreg [dreg:$0xb];
	[sflag:s7] =	ssyncadd.s32 $0xFFFFC000  }
0x8b: {  	[tilespmem:s8], [sflag:$0x5] =	stream.linear.gather [hbm4b:s15+s3], $0x10, $0x38;
	[tilespmem:$0x1BB80] =	vst v63  }
0x8c: {  	_ =	swait.ge [sflag:s24], $0x10  }
0x8d: {  	[sflag:s24] =	ssyncset.done $0x0  }
0x8e: {  	s18 =	rddreg [dreg:$0xc];
	[sflag:s24] =	ssyncadd.s32 $0xFFFFFFF0  }
0x8f: {  	[tilespmem:s10], [sflag:$0x5] =	stream.linear.gather [hbm4b:s18+s3], $0x10, $0x38;
	[tilespmem:$0x1BB80] =	vst v63  }
0x90: {  	_ =	swait.ge [sflag:s24], $0x10  }
0x91: {  	[sflag:s24] =	ssyncset.done $0x0  }
0x92: {  	[sflag:s24] =	ssyncadd.s32 $0xFFFFFFF0  }
0x93: {  	[tilespmem:s26], [sflag:$0x1] =	stream.indirect.gather [hbm4b:s4+s11], $0x80, s8, s11, $0xb8;
	[tilespmem:$0x1BB80] =	vst v63  }
0x94: {  	_ =	swait.ge [sflag:s31], $0x800  }
0x95: {  	[sflag:s31] =	ssyncset.done $0x0  }
0x96: {  	[sflag:s31] =	ssyncadd.s32 $0xFFFFF800  }
0x97: {  	[spmem:s2] =	stream.indirect.scatter.add.f32 [tilespmem:s26], [sflag:$0x5], $0x80, s10, s11, $0xb8;
	[tilespmem:$0x1BB80] =	vst v63  }
0x98: {  	_ =	swait.ge [sflag:s24], $0x800  }
0x99: {  	[sflag:s24] =	ssyncset.done $0x0  }
0x9a: {  	[sflag:s24] =	ssyncadd.s32 $0xFFFFF800  }
0x9b: {  	[bflag:$0x0] =	sbarrier.arrive $0xFFFF  }
0x9c: {  	s19 =	rddreg [dreg:$0xd]  }
0x9d: {  	[hbm:s19], [sflag:s9] =	dma.local [spmem:s13], $0x2700  }
0x9e: {  	_ =	swait.ge [sflag:s24], $0x2700  }
0x9f: {  	s12 =	sadd.s32 $0x1, s12;
	[sflag:s24] =	ssyncset.done $0x0  }
0xa0: {  	p1 =	sne.s32 s12, s20;
	s13 =	rddreg [dreg:$0xe];
	[sflag:s24] =	ssyncadd.s32 $0xFFFFD900  }
0xa1: {  	[hbm:s13], [sflag:s9] =	dma.local @!p0 [spmem:s14], $0x100  }
.Ltmp1:
0xa2: {  	_ = 	snop;
	(pc) =	sbr.rel @p1 .LBB2_1-.Ltmp1, $4  }
0xa3: {  	s13 =	simm.s32 @!p0 $0x5  }
0xa4: {  	_ =	swait.ge @!p0 [sflag:s13], $0x100  }
0xa5: {  	[sflag:s13] =	ssyncset.done @!p0 $0x0  }
0xa6: {  	[sflag:s13] =	ssyncadd.s32 @!p0 $0xFFFFFF00  }
0xa7: {  	_ =	sfence.sel $0x180000  }
0xa8: {  	[bflag:$0x0] =	sbarrier.arrive $0xFFFF  }
0xa9: {  	_ =	strace $0x9000004D  }
0xaa: {  	s0 =	stileid.u32;
	[bflag:$0x2] =	sbarrier.arrive $0xFFFF  }
0xab: {  	p0 =	sne.s32 s0, $0x0;
	s0 =	rddreg [dreg:$0x2]  }
0xac: {  	s0 =	sadd.s32 @!p0 $0x100000, s0  }
0xad: {  	[sflag:s0] =	ssyncadd.tile.s32 @!p0 $0x1;
	_ =	shalt  }
.Lfunc_end2:
_tile_overlayer_lowered:
.L_overlay_start_2:
0xae: {  	(tag) =	ssettag $0x2  }
0xaf: {  	s0 =	rddreg [dreg:$0x0];
	s2 =	stileid.u32  }
0xb0: {  	s1 =	rddreg [dreg:$0x1];
	p0 =	sne.s32 s2, $0x0  }
0xb1: {  	s3 =	rddreg [dreg:$0x2];
	[bflag:$0x3] =	sbarrier.arrive $0xFFFF;
	s2 =	simm.s32 @!p0 $0x1C05  }
0xb2: {  	[timem:s3], [sflag:s2] =	dma.local @!p0 [hbm:s0], s1  }
0xb3: {  	s0 =	simm.s32 @!p0 $0x5  }
0xb4: {  	_ =	swait.ge @!p0 [sflag:s0], s1  }
0xb5: {  	s1 =	ssub.s32 @!p0 $0x0, s1;
	[sflag:s0] =	ssyncset.done @!p0 $0x0  }
0xb6: {  	[sflag:s0] =	ssyncadd.s32 @!p0 s1  }
0xb7: {  	[bflag:$0x3] =	sbarrier.arrive $0xFFFF  }
0xb8: {  	_ =	shalt  }

// kernel: kernel.18.cloned.1.call-start
scs
__scs_entry_jumppad:
0x0: {  	(pc) =	sbr.rel $0x88, $3  }
0x1: {  	(tag) =	ssettag $0x0;
	lr =	simm.s32 $0x1  }
0x2: {  	[smem:$0x3F8C] =	sst lr;
	_ =	strace $0xD0000000  }
0x3: {  	_ = 	snop  }
0x4: {  	_ = 	snop  }
0x5: {  	_ = 	snop  }
0x6: {  	_ = 	snop  }
0x7: {  	_ = 	snop  }
__scs_overlays_trampoline_lowered:
0x8: {  	[smem:$0x3F9B] =	sst s0  }
0x9: {  	[smem:$0x3F9C] =	sst s1  }
0xa: {  	[smem:$0x3F9D] =	sst s2  }
0xb: {  	[smem:$0x3F9E] =	sst s3  }
0xc: {  	[smem:$0x3F9F] =	sst s4  }
0xd: {  	[smem:$0x3FA0] =	sst s5  }
0xe: {  	[smem:$0x3FA1] =	sst s6  }
0xf: {  	[smem:$0x3FA2] =	sst s7  }
0x10: {  	[smem:$0x3FA3] =	sst s8  }
0x11: {  	[smem:$0x3FA4] =	sst s9;
	s0 =	simm.s32 @!p0 $0x0  }
0x12: {  	s1 =	sld [smem:$0x3F8A];
	s0 =	simm.s32 @p0 $0x1  }
0x13: {  	[smem:$0x3FA5] =	sst s0;
	s0 =	simm.s32 @!p1 $0x0  }
0x14: {  	s2 =	sld [smem:$0x3F89];
	s0 =	simm.s32 @p1 $0x1  }
0x15: {  	[smem:$0x3FA6] =	sst s0;
	s0 =	simm.s32 @!p2 $0x0  }
0x16: {  	s3 =	sld [smem:$0x3FDB];
	s0 =	simm.s32 @p2 $0x1  }
0x17: {  	s4 =	simm.s32 $0x1BF5;
	[smem:$0x3FA8] =	sst s0  }
0x18: {  	s0 =	sld [smem:$0x3F8B];
	_ =	swait.ge [sflag:s4], $0x0  }
0x19: {  	s7 =	sld [smem:$0x3F8C]  }
0x1a: {  	s8 =	sadd.s32 $0xFFFFE003, lr  }
0x1b: {  	s9 =	sadd.s32 $0xFFFFFEF7, lr;
	s5 =	simm.s32 $0xFFFFFFFF;
	p2 =	slt.u32 s8, $0xFFFFF086  }
0x1c: {  	p1 =	slt.u32 s9, $0xF7A;
	s5 =	simm.s32 @!p2 $0x0  }
0x1d: {  	s5 =	simm.s32 @p1 $0x1;
	p0 =	seq.s32 s7, s2  }
0x1e: {  	s7 =	smul.u32 @!p0 $0xF7A, s2;
	p2 =	seq.s32 @!p0 s5, $0x0  }
0x1f: {  	s9 =	smul.u32 $0xF7A, s1;
	s8 =	simm.s32 @!p0 $0x1BF5;
	p2 =	por !p2, p0  }
0x20: {  	[sflag:s8] =	ssyncset.s32 @!p0 $0xFFFFF086;
	s6 =	sadd.s32 @!p0 s3, s7;
	s7 =	simm.s32 @!p0 $0x108  }
0x21: {  	s3 =	sadd.s32 s3, s9;
	s6 =	sadd.s32 @!p0 $0x88, s6;
	s7 =	simm.s32 @p2 $0x1082  }
0x22: {  	[simem:s7], [sflag:s8] =	dma.local @!p0 [hbm:s6], $0xF7A  }
0x23: {  	s9 =	sor.u32 $0xD0000000, s2;
	s6 =	simm.s32 $0x108;
	_ =	swait.ge @!p0 [sflag:s8], $0x0  }
0x24: {  	s3 =	sadd.s32 $0x88, s3;
	s6 =	simm.s32 @!p1 $0x1082;
	[sflag:s4] =	ssyncset.s32 $0xFFFFF086  }
0x25: {  	[simem:s6], [sflag:s4] =	dma.local [hbm:s3], $0xF7A  }
0x26: {  	[smem:$0x3F8C] =	sst s1;
	(tag) =	ssettag s2;
	_ =	strace s9  }
0x27: {  	s1 =	sld [smem:$0x3F9C]  }
0x28: {  	s2 =	sld [smem:$0x3F9D]  }
0x29: {  	s4 =	sld [smem:$0x3F9F]  }
0x2a: {  	p0 =	seq.s32 s5, $0x0;
	s5 =	sld [smem:$0x3FA0]  }
0x2b: {  	s6 =	sld [smem:$0x3FA1]  }
0x2c: {  	s7 =	sld [smem:$0x3FA2]  }
0x2d: {  	s3 =	simm.s32 $0x108;
	s8 =	sld [smem:$0x3FA3]  }
0x2e: {  	s3 =	simm.s32 @!p0 $0x1082;
	s9 =	sld [smem:$0x3FA4]  }
0x2f: {  	lr =	sadd.s32 s0, s3;
	s0 =	sld [smem:$0x3F9B]  }
0x30: {  	s3 =	sld [smem:$0x3F9E]  }
0x31: {  	[smem:$0x3FA7] =	sst s10  }
0x32: {  	s10 =	sld [smem:$0x3FA5];
	_ =	sdelay $0x3  }
0x33: {  	p0 =	seq.s32 s10, $0x1;
	s10 =	sld [smem:$0x3FA7];
	_ =	sdelay $0x3  }
0x34: {  	[smem:$0x3FA7] =	sst s10  }
0x35: {  	s10 =	sld [smem:$0x3FA6];
	_ =	sdelay $0x3  }
0x36: {  	p1 =	seq.s32 s10, $0x1;
	s10 =	sld [smem:$0x3FA7];
	_ =	sdelay $0x3  }
0x37: {  	[smem:$0x3FA7] =	sst s10  }
0x38: {  	s10 =	sld [smem:$0x3FA8]  }
0x39: {  	_ = 	snop;
	(pc) =	sbr.ind lr, $3  }
0x3a: {  	_ = 	snop  }
0x3b: {  	_ = 	snop  }
0x3c: {  	p2 =	seq.s32 s10, $0x1;
	s10 =	sld [smem:$0x3FA7]  }
0x3d: {  	_ =	shalt  }
0x3e: {  	_ =	shalt  }
0x3f: {  	_ =	shalt  }
0x40: {  	_ =	shalt  }
0x41: {  	_ =	shalt  }
0x42: {  	_ =	shalt  }
0x43: {  	_ =	shalt  }
0x44: {  	_ =	shalt  }
0x45: {  	_ =	shalt  }
0x46: {  	_ =	shalt  }
0x47: {  	_ =	shalt  }
0x48: {  	_ =	shalt  }
0x49: {  	_ =	shalt  }
0x4a: {  	_ =	shalt  }
0x4b: {  	_ =	shalt  }
0x4c: {  	_ =	shalt  }
0x4d: {  	_ =	shalt  }
0x4e: {  	_ =	shalt  }
0x4f: {  	_ =	shalt  }
0x50: {  	_ =	shalt  }
0x51: {  	_ =	shalt  }
0x52: {  	_ =	shalt  }
0x53: {  	_ =	shalt  }
0x54: {  	_ =	shalt  }
0x55: {  	_ =	shalt  }
0x56: {  	_ =	shalt  }
0x57: {  	_ =	shalt  }
0x58: {  	_ =	shalt  }
0x59: {  	_ =	shalt  }
0x5a: {  	_ =	shalt  }
0x5b: {  	_ =	shalt  }
0x5c: {  	_ =	shalt  }
0x5d: {  	_ =	shalt  }
0x5e: {  	_ =	shalt  }
0x5f: {  	_ =	shalt  }
0x60: {  	_ =	shalt  }
0x61: {  	_ =	shalt  }
0x62: {  	_ =	shalt  }
0x63: {  	_ =	shalt  }
0x64: {  	_ =	shalt  }
0x65: {  	_ =	shalt  }
0x66: {  	_ =	shalt  }
0x67: {  	_ =	shalt  }
0x68: {  	_ =	shalt  }
0x69: {  	_ =	shalt  }
0x6a: {  	_ =	shalt  }
0x6b: {  	_ =	shalt  }
0x6c: {  	_ =	shalt  }
0x6d: {  	_ =	shalt  }
0x6e: {  	_ =	shalt  }
0x6f: {  	_ =	shalt  }
0x70: {  	_ =	shalt  }
0x71: {  	_ =	shalt  }
0x72: {  	_ =	shalt  }
0x73: {  	_ =	shalt  }
0x74: {  	_ =	shalt  }
0x75: {  	_ =	shalt  }
0x76: {  	_ =	shalt  }
0x77: {  	_ =	shalt  }
0x78: {  	_ =	shalt  }
0x79: {  	_ =	shalt  }
0x7a: {  	_ =	shalt  }
0x7b: {  	_ =	shalt  }
0x7c: {  	_ =	shalt  }
0x7d: {  	_ =	shalt  }
0x7e: {  	_ =	shalt  }
0x7f: {  	_ =	shalt  }
0x80: {  	_ =	shalt  }
0x81: {  	_ =	shalt  }
0x82: {  	_ =	shalt  }
0x83: {  	_ =	shalt  }
0x84: {  	_ =	shalt  }
0x85: {  	_ =	shalt  }
0x86: {  	_ =	shalt  }
0x87: {  	_ =	shalt  }
.Lfunc_end0:
.L_simem_size_0:
called_computation.3_lowered:
.L_overlay_start_0:
0x88: {  	s2 =	sld [smem:$0x3FD9]  }
0x89: {  	s3 =	sld [smem:$0x3FFE];
	_ =	sdelay $0x1  }
0x8a: {  	s1 =	srdreg.scid  }
0x8b: {  	s0 =	sand.u32 $0x1, s1  }
0x8c: {  	s16 =	sshll.u32 s0, $0xA;
	s2 =	sadd.s32 s3, s2  }
0x8d: {  	s2 =	sadd.s32 s2, s16  }
0x8e: {  	[smem:$0x3FB3] =	sst s2  }
0x8f: {  	_ = 	snop  }
0x90: {  	(tm) =	ssettm $0x1  }
0x91: {  	s17 =	sld [smem:$0x3FFB];
	_ =	sdelay $0x3  }
0x92: {  	_ =	strace s17  }
0x93: {  	s2 =	sld [smem:$0x3FFC];
	_ =	sdelay $0x3  }
0x94: {  	_ =	strace s2  }
0x95: {  	s2 =	sld [smem:$0x3FFD];
	_ =	sdelay $0x3  }
0x96: {  	_ =	strace s2  }
0x97: {  	_ =	strace $0x8FFFFFFF  }
0x98: {  	s18 =	sld [smem:$0x3FDB];
	_ =	sdelay $0x1  }
0x99: {  	s19 =	simm.s32 $_scs_section_size  }
0x9a: {  	s4 =	simm.s32 $_size__tile_overlayer_lowered;
	s5 =	simm.s32 $_tile_overlayer_lowered  }
0x9b: {  	s22 =	simm.s32 $0x1BFF;
	s21 =	sshll.u32 s5, $0x1;
	s2 =	sadd.s32 s19, s18  }
0x9c: {  	s6 =	simm.s32 $0x0;
	s20 =	sshll.u32 s4, $0x1;
	s4 =	sadd.s32 s21, s2  }
0x9d: {  	[timem:s6], [sflag:s22] =	dma.local [hbm:s4], s20  }
0x9e: {  	_ =	swait.ge [sflag:s22], s20  }
0x9f: {  	s3 =	ssub.s32 $0x0, s20;
	[sflag:s22] =	ssyncset.done $0x0  }
0xa0: {  	[sflag:s22] =	ssyncadd.s32 s3;
	_ =	sdelay $0x1  }
0xa1: {  	s23 =	simm.s32 $0x1B8B  }
0xa2: {  	_ =	swait.ge [sflag:s23], $0x1  }
0xa3: {  	[sflag:s23] =	ssyncset.done $0x0  }
0xa4: {  	s25 =	simm.s32 $0x1B8E;
	s24 =	sld [smem:$0x3FFE];
	[sflag:s23] =	ssyncadd.s32 $0xFFFFFFFF  }
0xa5: {  	s26 =	simm.s32 $execute0_lowered;
	[smem:$0x3FD2] =	sst s25  }
0xa6: {  	s4 =	sshll.u32 s26, $0x1;
	_ =	strace $0x8000004F;
	[dreg:$0x1] =	wrdreg $0xFFFFFFFF  }
0xa7: {  	s28 =	simm.s32 $_size_execute0_lowered;
	s2 =	sadd.s32 s2, s4;
	[dreg:$0x0] =	wrdreg $0x0  }
0xa8: {  	s4 =	sshll.u32 s28, $0x1;
	[dreg:$0x2] =	wrdreg s2  }
0xa9: {  	[dreg:$0x3] =	wrdreg s4  }
0xaa: {  	[dreg:$0x4] =	wrdreg $0xC0  }
0xab: {  	_ =	task [dreg:s6], $0x5FFFF  }
0xac: {  	[dreg:$0x1] =	wrdreg $0xFFFFFFFF  }
0xad: {  	[dreg:$0x0] =	wrdreg $0x60  }
0xae: {  	[dreg:$0x2] =	wrdreg s24  }
0xaf: {  	[dreg:$0x3] =	wrdreg $0x83000  }
0xb0: {  	[dreg:$0x4] =	wrdreg $0x9  }
0xb1: {  	_ =	task.clear_ibuf [dreg:s6], $0x5FFFF;
	_ =	strace $0x9000004F  }
0xb2: {  	s29 =	simm.s32 $0x9;
	_ =	strace $0x80000051  }
0xb3: {  	_ =	swait.ge [sflag:s29], $0x1  }
0xb4: {  	[sflag:s29] =	ssyncadd.s32 $0xFFFFFFFF  }
0xb5: {  	_ =	strace $0x90000051  }
0xb6: {  	_ =	sfence  }
0xb7: {  	s30 =	sld [smem:$0x0];
	_ =	sdelay $0x2  }
0xb8: {  	s31 =	sshll.u32 s1, $0xD;
	s1 =	sshrl.u32 s1, $0x2  }
0xb9: {  	s3 =	sand.u32 $0x4000, s31;
	s1 =	sadd.s32 s1, s30  }
0xba: {  	s0 =	sor.u32 s3, s0;
	s1 =	sshll.u32 s1, $0x11  }
0xbb: {  	s0 =	sor.u32 s1, s0  }
0xbc: {  	s0 =	sadd.s32 $0x8F2B, s0  }
0xbd: {  	[sflag:s0] =	ssyncadd.remote.s32 $0x1  }
0xbe: {  	_ =	sfence.sel $0xFFFF  }
0xbf: {  	[dreg:$0x0] =	wrdreg $0xFFFFFFFF;
	(pc) =	sbr.abs _section_cstart, $3  }
0xc0: {  	[dreg:$0x1] =	wrdreg $0xFFFFFFFF  }
0xc1: {  	_ =	task.clear_ibuf [dreg:s6], $0x2FFFF;
	_ =	strace $0x9FFFFFFF  }
0xc2: {  	(tm) =	ssettm $0x7FFFFFFF  }
0xc3: {  	_ =	shalt  }
tec
execute0_lowered:
.L_overlay_start_1:
0x0: {  	(tag) =	ssettag $0x1  }
0x1: {  	s0 =	rddreg [dreg:$0x0]  }
0x2: {  	s2 =	rddreg [dreg:$0x1];
	s3 =	simm.s32 $0x0;
	s14 =	stileid.u32  }
0x3: {  	s7 =	srdreg.scid;
	s28 =	simm.s32 $0x100;
	s29 =	simm.s32 $0x180  }
0x4: {  	s30 =	simm.s32 $0x4300;
	s31 =	simm.s32 $0x1;
	[smem:$0x7FF] =	sst s3  }
0x5: {  	s1 =	smul.u32 $0x2700, s14;
	s4 =	sadd.s32 $0x3EC00, s0;
	s5 =	sadd.s32 $0xDC00, s0  }
0x6: {  	s6 =	sadd.s32 $0x3E00, s0;
	s7 =	sand.u32 $0x1, s7;
	s11 =	smul.u32 $0x4E000, s14  }
0x7: {  	s12 =	sadd.s32 $0x65E00, s0;
	s15 =	sshll.u32 s14, $0x6;
	s16 =	sadd.s32 $0x138000, s2  }
0x8: {  	s22 =	smul.u32 $0x2710, s14;
	p0 =	sne.s32 s14, $0xF;
	_ =	strace $0x80000050  }
0x9: {  	s9 =	ssub.s32 $0x2, s7;
	s10 =	sshll.u32 s7, $0x4;
	s19 =	smul.u32 $0x27100, s7  }
0xa: {  	[dreg:$0x5] =	wrdreg s16;
	s7 =	smul.u32 $0x138800, s7;
	s8 =	sadd.s32 s1, s0  }
0xb: {  	s13 =	sshrl.u32 s9, $0x1;
	s10 =	sor.u32 s14, s10;
	s11 =	sshrl.u32 s11, $0x2  }
0xc: {  	s0 =	sadd.s32 $0x3EA00, s0;
	s13 =	ssub.s32 s9, s13;
	s10 =	smul.u32 $0x2710, s10  }
0xd: {  	s9 =	sadd.s32 s11, s2;
	s8 =	sadd.s32 $0x17A00, s8;
	[dreg:$0x6] =	wrdreg s0  }
0xe: {  	s1 =	sadd.s32 s1, s19;
	s7 =	sshrl.u32 s7, $0x3;
	[dreg:$0x3] =	wrdreg s9  }
0xf: {  	s0 =	sadd.s32 s22, s19;
	s11 =	simm.s32 $0x10;
	[dreg:$0x4] =	wrdreg s8  }
0x10: {  	s9 =	sor.u32 $0x1C05, s15;
	s1 =	sadd.s32 s12, s1;
	s24 =	sadd.s32 s12, s7  }
0x11: {  	s25 =	sadd.s32 $0x180, s0;
	s7 =	simm.s32 $0x4;
	s12 =	simm.s32 $0x0  }
0x12: {  	s17 =	sshrl.u32 s10, $0x3;
	[dreg:$0xd] =	wrdreg s1;
	s1 =	sadd.s32 $0x27000, s24  }
0x13: {  	s26 =	sshrl.u32 s25, $0x3;
	s18 =	sadd.s32 s5, s17;
	[dreg:$0xe] =	wrdreg s1  }
0x14: {  	s10 =	sadd.s32 s6, s17;
	s20 =	sadd.s32 $0x10, s17;
	[dreg:$0x7] =	wrdreg s18  }
0x15: {  	s24 =	simm.s32 $0x5;
	[dreg:$0x8] =	wrdreg s10;
	s21 =	sadd.s32 s5, s20  }
0x16: {  	s8 =	sadd.s32 $0x4E0, s17;
	s10 =	sadd.s32 s6, s20;
	[dreg:$0x9] =	wrdreg s21  }
0x17: {  	s25 =	simm.s32 $0x80;
	s23 =	sadd.s32 s5, s8;
	[dreg:$0xa] =	wrdreg s10  }
0x18: {  	s22 =	sadd.s32 s26, s5;
	s8 =	sadd.s32 s6, s8;
	[dreg:$0xb] =	wrdreg s23  }
0x19: {  	s1 =	simm.s32 $0x3;
	s20 =	smax.u32 s13, $0x1;
	[dreg:$0xc] =	wrdreg s8  }
0x1a: {  	s21 =	sadd.s32 s26, s6;
	s23 =	sadd.s32 $0x100, s0;
	s26 =	simm.s32 $0x300  }
0x1b: {  	s0 =	simm.s32 $0x2;
	s8 =	simm.s32 $0x200;
	s10 =	simm.s32 $0x280  }
.LBB2_1:
0x1c: {  	s13 =	rddreg [dreg:$0x3]  }
0x1d: {  	s14 =	rddreg [dreg:$0x4];
	s13 =	sshrl.u32 s13, $0x3  }
0x1e: {  	[spmem:s13], [sflag:s9] =	dma.local [hbm:s14], $0x2700  }
0x1f: {  	_ =	swait.ge [sflag:s24], $0x2700  }
0x20: {  	[sflag:s24] =	ssyncset.done $0x0;
	s14 =	rddreg [dreg:$0x5]  }
0x21: {  	s15 =	rddreg [dreg:$0x6];
	[sflag:s24] =	ssyncadd.s32 $0xFFFFD900;
	s14 =	sshrl.u32 @!p0 s14, $0x3  }
0x22: {  	[spmem:s14], [sflag:s9] =	dma.local @!p0 [hbm:s15], $0x100  }
0x23: {  	s15 =	simm.s32 @!p0 $0x5  }
0x24: {  	_ =	swait.ge @!p0 [sflag:s15], $0x100  }
0x25: {  	[sflag:s15] =	ssyncset.done @!p0 $0x0  }
0x26: {  	[sflag:s15] =	ssyncadd.s32 @!p0 $0xFFFFFF00  }
0x27: {  	[bflag:$0x0] =	sbarrier.arrive $0xFFFF  }
0x28: {  	s17 =	rddreg [dreg:$0x7]  }
0x29: {  	[tilespmem:s3], [sflag:$0x5] =	stream.linear.gather [hbm4b:s17+s3], $0x80, $0x38;
	[tilespmem:$0x1BB80] =	vst v63  }
0x2a: {  	_ =	swait.ge [sflag:s24], $0x80  }
0x2b: {  	[sflag:s24] =	ssyncset.done $0x0  }
0x2c: {  	s18 =	rddreg [dreg:$0x8];
	[sflag:s24] =	ssyncadd.s32 $0xFFFFFF80  }
0x2d: {  	[tilespmem:s25], [sflag:$0x5] =	stream.linear.gather [hbm4b:s18+s3], $0x80, $0x38;
	[tilespmem:$0x1BB80] =	vst v63  }
0x2e: {  	_ =	swait.ge [sflag:s24], $0x80  }
0x2f: {  	[sflag:s24] =	ssyncset.done $0x0  }
0x30: {  	[sflag:s24] =	ssyncadd.s32 $0xFFFFFF80  }
0x31: {  	[tilespmem:s26], [sflag:$0x1] =	stream.indirect.gather [hbm4b:s4+s25], $0x80, s3, s25, $0xb8;
	[tilespmem:$0x1BB80] =	vst v63  }
0x32: {  	s19 =	rddreg [dreg:$0x9]  }
0x33: {  	[tilespmem:s28], [sflag:$0x5] =	stream.linear.gather [hbm4b:s19+s3], $0x80, $0x38;
	[tilespmem:$0x1BB80] =	vst v63  }
0x34: {  	_ =	swait.ge [sflag:s24], $0x80  }
0x35: {  	[sflag:s24] =	ssyncset.done $0x0  }
0x36: {  	s16 =	rddreg [dreg:$0xa];
	[sflag:s24] =	ssyncadd.s32 $0xFFFFFF80  }
0x37: {  	[tilespmem:s29], [sflag:$0x5] =	stream.linear.gather [hbm4b:s16+s3], $0x80, $0x38;
	[tilespmem:$0x1BB80] =	vst v63  }
0x38: {  	_ =	swait.ge [sflag:s24], $0x80  }
0x39: {  	[sflag:s24] =	ssyncset.done $0x0  }
0x3a: {  	[sflag:s24] =	ssyncadd.s32 $0xFFFFFF80  }
0x3b: {  	[tilespmem:s30], [sflag:$0x2] =	stream.indirect.gather [hbm4b:s4+s25], $0x80, s28, s25, $0xb8;
	[tilespmem:$0x1BB80] =	vst v63  }
0x3c: {  	_ =	swait.ge [sflag:s31], $0x4000  }
0x3d: {  	[sflag:s31] =	ssyncset.done $0x0  }
0x3e: {  	[sflag:s31] =	ssyncadd.s32 $0xFFFFC000  }
0x3f: {  	[spmem:s2] =	stream.indirect.scatter.add.f32 [tilespmem:s26], [sflag:$0x3], $0x80, s25, s25, $0xb8;
	[tilespmem:$0x1BB80] =	vst v63  }
0x40: {  	_ =	swait.ge [sflag:s0], $0x4000  }
0x41: {  	[sflag:s0] =	ssyncset.done $0x0  }
0x42: {  	[sflag:s0] =	ssyncadd.s32 $0xFFFFC000  }
0x43: {  	[spmem:s2] =	stream.indirect.scatter.add.f32 [tilespmem:s30], [sflag:$0x4], $0x80, s29, s25, $0xb8;
	[tilespmem:$0x1BB80] =	vst v63  }
0x44: {  	_ =	swait.ge [sflag:s1], $0x4000  }
0x45: {  	s17 =	sshrl.u32 s23, $0x3;
	[sflag:s1] =	ssyncset.done $0x0  }
0x46: {  	s16 =	sadd.s32 s5, s17;
	[sflag:s1] =	ssyncadd.s32 $0xFFFFC000  }
0x47: {  	[tilespmem:s3], [sflag:$0x5] =	stream.linear.gather [hbm4b:s16+s3], $0x80, $0x38;
	[tilespmem:$0x1BB80] =	vst v63  }
0x48: {  	_ =	swait.ge [sflag:s24], $0x80  }
0x49: {  	[sflag:s24] =	ssyncset.done $0x0  }
0x4a: {  	s15 =	sadd.s32 s6, s17;
	[sflag:s24] =	ssyncadd.s32 $0xFFFFFF80  }
0x4b: {  	[tilespmem:s25], [sflag:$0x5] =	stream.linear.gather [hbm4b:s15+s3], $0x80, $0x38;
	[tilespmem:$0x1BB80] =	vst v63  }
0x4c: {  	_ =	swait.ge [sflag:s24], $0x80  }
0x4d: {  	[sflag:s24] =	ssyncset.done $0x0  }
0x4e: {  	[sflag:s24] =	ssyncadd.s32 $0xFFFFFF80  }
0x4f: {  	[tilespmem:s26], [sflag:$0x1] =	stream.indirect.gather [hbm4b:s4+s25], $0x80, s3, s25, $0xb8;
	[tilespmem:$0x1BB80] =	vst v63  }
0x50: {  	_ =	swait.ge [sflag:s7], $0x4000  }
0x51: {  	[sflag:s7] =	ssyncset.done $0x0  }
0x52: {  	s18 =	sadd.s32 $0x0, s22;
	[sflag:s7] =	ssyncadd.s32 $0xFFFFC000  }
0x53: {  	[tilespmem:s28], [sflag:$0x5] =	stream.linear.gather [hbm4b:s18+s3], $0x80, $0x38;
	[tilespmem:$0x1BB80] =	vst v63  }
0x54: {  	_ =	swait.ge [sflag:s24], $0x80  }
0x55: {  	[sflag:s24] =	ssyncset.done $0x0  }
0x56: {  	s19 =	sadd.s32 $0x0, s21;
	[sflag:s24] =	ssyncadd.s32 $0xFFFFFF80  }
0x57: {  	[tilespmem:s29], [sflag:$0x5] =	stream.linear.gather [hbm4b:s19+s3], $0x80, $0x38;
	[tilespmem:$0x1BB80] =	vst v63  }
0x58: {  	_ =	swait.ge [sflag:s24], $0x80  }
0x59: {  	[sflag:s24] =	ssyncset.done $0x0  }
0x5a: {  	s16 =	sadd.s32 $0x100, s23;
	s15 =	simm.s32 $0x20;
	[sflag:s24] =	ssyncadd.s32 $0xFFFFFF80  }
.LBB2_2:
0x5b: {  	[tilespmem:s30], [sflag:$0x2] =	stream.indirect.gather [hbm4b:s4+s25], $0x80, s28, s25, $0xb8;
	[tilespmem:$0x1BB80] =	vst v63  }
0x5c: {  	s17 =	smov.u32 s15  }
0x5d: {  	p1 =	sne.s32 s15, $0x4A0;
	s15 =	sadd.s32 $0x20, s15;
	_ =	swait.ge [sflag:s31], $0x4000  }
0x5e: {  	[sflag:s31] =	ssyncset.done $0x0  }
0x5f: {  	[sflag:s31] =	ssyncadd.s32 $0xFFFFC000  }
0x60: {  	[spmem:s2] =	stream.indirect.scatter.add.f32 [tilespmem:s26], [sflag:$0x3], $0x80, s25, s25, $0xb8;
	[tilespmem:$0x1BB80] =	vst v63  }
0x61: {  	_ =	swait.ge [sflag:s0], $0x4000  }
0x62: {  	[sflag:s0] =	ssyncset.done $0x0  }
0x63: {  	[sflag:s0] =	ssyncadd.s32 $0xFFFFC000  }
0x64: {  	[spmem:s2] =	stream.indirect.scatter.add.f32 [tilespmem:s30], [sflag:$0x4], $0x80, s29, s25, $0xb8;
	[tilespmem:$0x1BB80] =	vst v63  }
0x65: {  	_ =	swait.ge [sflag:s1], $0x4000  }
0x66: {  	s18 =	sshrl.u32 s16, $0x3;
	[sflag:s1] =	ssyncset.done $0x0  }
0x67: {  	s19 =	sadd.s32 s5, s18;
	[sflag:s1] =	ssyncadd.s32 $0xFFFFC000  }
0x68: {  	[tilespmem:s3], [sflag:$0x5] =	stream.linear.gather [hbm4b:s19+s3], $0x80, $0x38;
	[tilespmem:$0x1BB80] =	vst v63  }
0x69: {  	_ =	swait.ge [sflag:s24], $0x80  }
0x6a: {  	[sflag:s24] =	ssyncset.done $0x0  }
0x6b: {  	s18 =	sadd.s32 s6, s18;
	[sflag:s24] =	ssyncadd.s32 $0xFFFFFF80  }
0x6c: {  	[tilespmem:s25], [sflag:$0x5] =	stream.linear.gather [hbm4b:s18+s3], $0x80, $0x38;
	[tilespmem:$0x1BB80] =	vst v63  }
0x6d: {  	_ =	swait.ge [sflag:s24], $0x80  }
0x6e: {  	[sflag:s24] =	ssyncset.done $0x0  }
0x6f: {  	[sflag:s24] =	ssyncadd.s32 $0xFFFFFF80  }
0x70: {  	[tilespmem:s26], [sflag:$0x1] =	stream.indirect.gather [hbm4b:s4+s25], $0x80, s3, s25, $0xb8;
	[tilespmem:$0x1BB80] =	vst v63  }
0x71: {  	_ =	swait.ge [sflag:s7], $0x4000  }
0x72: {  	[sflag:s7] =	ssyncset.done $0x0  }
0x73: {  	s18 =	sadd.s32 s17, s22;
	[sflag:s7] =	ssyncadd.s32 $0xFFFFC000  }
0x74: {  	[tilespmem:s28], [sflag:$0x5] =	stream.linear.gather [hbm4b:s18+s3], $0x80, $0x38;
	[tilespmem:$0x1BB80] =	vst v63  }
0x75: {  	_ =	swait.ge [sflag:s24], $0x80  }
0x76: {  	[sflag:s24] =	ssyncset.done $0x0  }
.Ltmp0:
0x77: {  	s17 =	sadd.s32 s17, s21;
	[sflag:s24] =	ssyncadd.s32 $0xFFFFFF80;
	(pc) =	sbr.rel @p1 .LBB2_2-.Ltmp0, $4  }
0x78: {  	[tilespmem:s29], [sflag:$0x5] =	stream.linear.gather [hbm4b:s17+s3], $0x80, $0x38;
	[tilespmem:$0x1BB80] =	vst v63  }
0x79: {  	_ =	swait.ge [sflag:s24], $0x80  }
0x7a: {  	[sflag:s24] =	ssyncset.done $0x0  }
0x7b: {  	s16 =	sadd.s32 $0x100, s16;
	[sflag:s24] =	ssyncadd.s32 $0xFFFFFF80  }
0x7c: {  	[tilespmem:s30], [sflag:$0x2] =	stream.indirect.gather [hbm4b:s4+s25], $0x80, s28, s25, $0xb8;
	[tilespmem:$0x1BB80] =	vst v63  }
0x7d: {  	_ =	swait.ge [sflag:s31], $0x4000  }
0x7e: {  	[sflag:s31] =	ssyncset.done $0x0  }
0x7f: {  	[sflag:s31] =	ssyncadd.s32 $0xFFFFC000  }
0x80: {  	[spmem:s2] =	stream.indirect.scatter.add.f32 [tilespmem:s26], [sflag:$0x3], $0x80, s25, s25, $0xb8;
	[tilespmem:$0x1BB80] =	vst v63  }
0x81: {  	_ =	swait.ge [sflag:s0], $0x4000  }
0x82: {  	[sflag:s0] =	ssyncset.done $0x0  }
0x83: {  	[sflag:s0] =	ssyncadd.s32 $0xFFFFC000  }
0x84: {  	[spmem:s2] =	stream.indirect.scatter.add.f32 [tilespmem:s30], [sflag:$0x4], $0x80, s29, s25, $0xb8;
	[tilespmem:$0x1BB80] =	vst v63  }
0x85: {  	_ =	swait.ge [sflag:s1], $0x4000  }
0x86: {  	[sflag:s1] =	ssyncset.done $0x0  }
0x87: {  	[sflag:s1] =	ssyncadd.s32 $0xFFFFC000  }
0x88: {  	_ =	swait.ge [sflag:s7], $0x4000  }
0x89: {  	[sflag:s7] =	ssyncset.done $0x0  }
0x8a: {  	s15 =	rddreg [dreg:$0xb];
	[sflag:s7] =	ssyncadd.s32 $0xFFFFC000  }
0x8b: {  	[tilespmem:s8], [sflag:$0x5] =	stream.linear.gather [hbm4b:s15+s3], $0x10, $0x38;
	[tilespmem:$0x1BB80] =	vst v63  }
0x8c: {  	_ =	swait.ge [sflag:s24], $0x10  }
0x8d: {  	[sflag:s24] =	ssyncset.done $0x0  }
0x8e: {  	s18 =	rddreg [dreg:$0xc];
	[sflag:s24] =	ssyncadd.s32 $0xFFFFFFF0  }
0x8f: {  	[tilespmem:s10], [sflag:$0x5] =	stream.linear.gather [hbm4b:s18+s3], $0x10, $0x38;
	[tilespmem:$0x1BB80] =	vst v63  }
0x90: {  	_ =	swait.ge [sflag:s24], $0x10  }
0x91: {  	[sflag:s24] =	ssyncset.done $0x0  }
0x92: {  	[sflag:s24] =	ssyncadd.s32 $0xFFFFFFF0  }
0x93: {  	[tilespmem:s26], [sflag:$0x1] =	stream.indirect.gather [hbm4b:s4+s11], $0x80, s8, s11, $0xb8;
	[tilespmem:$0x1BB80] =	vst v63  }
0x94: {  	_ =	swait.ge [sflag:s31], $0x800  }
0x95: {  	[sflag:s31] =	ssyncset.done $0x0  }
0x96: {  	[sflag:s31] =	ssyncadd.s32 $0xFFFFF800  }
0x97: {  	[spmem:s2] =	stream.indirect.scatter.add.f32 [tilespmem:s26], [sflag:$0x5], $0x80, s10, s11, $0xb8;
	[tilespmem:$0x1BB80] =	vst v63  }
0x98: {  	_ =	swait.ge [sflag:s24], $0x800  }
0x99: {  	[sflag:s24] =	ssyncset.done $0x0  }
0x9a: {  	[sflag:s24] =	ssyncadd.s32 $0xFFFFF800  }
0x9b: {  	[bflag:$0x0] =	sbarrier.arrive $0xFFFF  }
0x9c: {  	s19 =	rddreg [dreg:$0xd]  }
0x9d: {  	[hbm:s19], [sflag:s9] =	dma.local [spmem:s13], $0x2700  }
0x9e: {  	_ =	swait.ge [sflag:s24], $0x2700  }
0x9f: {  	s12 =	sadd.s32 $0x1, s12;
	[sflag:s24] =	ssyncset.done $0x0  }
0xa0: {  	p1 =	sne.s32 s12, s20;
	s13 =	rddreg [dreg:$0xe];
	[sflag:s24] =	ssyncadd.s32 $0xFFFFD900  }
0xa1: {  	[hbm:s13], [sflag:s9] =	dma.local @!p0 [spmem:s14], $0x100  }
.Ltmp1:
0xa2: {  	_ = 	snop;
	(pc) =	sbr.rel @p1 .LBB2_1-.Ltmp1, $4  }
0xa3: {  	s13 =	simm.s32 @!p0 $0x5  }
0xa4: {  	_ =	swait.ge @!p0 [sflag:s13], $0x100  }
0xa5: {  	[sflag:s13] =	ssyncset.done @!p0 $0x0  }
0xa6: {  	[sflag:s13] =	ssyncadd.s32 @!p0 $0xFFFFFF00  }
0xa7: {  	_ =	sfence.sel $0x180000  }
0xa8: {  	[bflag:$0x0] =	sbarrier.arrive $0xFFFF  }
0xa9: {  	_ =	strace $0x90000050  }
0xaa: {  	s0 =	stileid.u32;
	[bflag:$0x2] =	sbarrier.arrive $0xFFFF  }
0xab: {  	p0 =	sne.s32 s0, $0x0;
	s0 =	rddreg [dreg:$0x2]  }
0xac: {  	s0 =	sadd.s32 @!p0 $0x100000, s0  }
0xad: {  	[sflag:s0] =	ssyncadd.tile.s32 @!p0 $0x1;
	_ =	shalt  }
.Lfunc_end2:
_tile_overlayer_lowered:
.L_overlay_start_2:
0xae: {  	(tag) =	ssettag $0x2  }
0xaf: {  	s0 =	rddreg [dreg:$0x0];
	s2 =	stileid.u32  }
0xb0: {  	s1 =	rddreg [dreg:$0x1];
	p0 =	sne.s32 s2, $0x0  }
0xb1: {  	s3 =	rddreg [dreg:$0x2];
	[bflag:$0x3] =	sbarrier.arrive $0xFFFF;
	s2 =	simm.s32 @!p0 $0x1C05  }
0xb2: {  	[timem:s3], [sflag:s2] =	dma.local @!p0 [hbm:s0], s1  }
0xb3: {  	s0 =	simm.s32 @!p0 $0x5  }
0xb4: {  	_ =	swait.ge @!p0 [sflag:s0], s1  }
0xb5: {  	s1 =	ssub.s32 @!p0 $0x0, s1;
	[sflag:s0] =	ssyncset.done @!p0 $0x0  }
0xb6: {  	[sflag:s0] =	ssyncadd.s32 @!p0 s1  }
0xb7: {  	[bflag:$0x3] =	sbarrier.arrive $0xFFFF  }
0xb8: {  	_ =	shalt  }

// kernel: kernel.9.cloned.1.call-start
scs
__scs_entry_jumppad:
0x0: {  	(pc) =	sbr.rel $0x88, $3  }
0x1: {  	(tag) =	ssettag $0x0;
	lr =	simm.s32 $0x1  }
0x2: {  	[smem:$0x3F8C] =	sst lr;
	_ =	strace $0xD0000000  }
0x3: {  	_ = 	snop  }
0x4: {  	_ = 	snop  }
0x5: {  	_ = 	snop  }
0x6: {  	_ = 	snop  }
0x7: {  	_ = 	snop  }
__scs_overlays_trampoline_lowered:
0x8: {  	[smem:$0x3F9B] =	sst s0  }
0x9: {  	[smem:$0x3F9C] =	sst s1  }
0xa: {  	[smem:$0x3F9D] =	sst s2  }
0xb: {  	[smem:$0x3F9E] =	sst s3  }
0xc: {  	[smem:$0x3F9F] =	sst s4  }
0xd: {  	[smem:$0x3FA0] =	sst s5  }
0xe: {  	[smem:$0x3FA1] =	sst s6  }
0xf: {  	[smem:$0x3FA2] =	sst s7  }
0x10: {  	[smem:$0x3FA3] =	sst s8  }
0x11: {  	[smem:$0x3FA4] =	sst s9;
	s0 =	simm.s32 @!p0 $0x0  }
0x12: {  	s1 =	sld [smem:$0x3F8A];
	s0 =	simm.s32 @p0 $0x1  }
0x13: {  	[smem:$0x3FA5] =	sst s0;
	s0 =	simm.s32 @!p1 $0x0  }
0x14: {  	s2 =	sld [smem:$0x3F89];
	s0 =	simm.s32 @p1 $0x1  }
0x15: {  	[smem:$0x3FA6] =	sst s0;
	s0 =	simm.s32 @!p2 $0x0  }
0x16: {  	s3 =	sld [smem:$0x3FDB];
	s0 =	simm.s32 @p2 $0x1  }
0x17: {  	s4 =	simm.s32 $0x1BF5;
	[smem:$0x3FA8] =	sst s0  }
0x18: {  	s0 =	sld [smem:$0x3F8B];
	_ =	swait.ge [sflag:s4], $0x0  }
0x19: {  	s7 =	sld [smem:$0x3F8C]  }
0x1a: {  	s8 =	sadd.s32 $0xFFFFE003, lr  }
0x1b: {  	s9 =	sadd.s32 $0xFFFFFEF7, lr;
	s5 =	simm.s32 $0xFFFFFFFF;
	p2 =	slt.u32 s8, $0xFFFFF086  }
0x1c: {  	p1 =	slt.u32 s9, $0xF7A;
	s5 =	simm.s32 @!p2 $0x0  }
0x1d: {  	s5 =	simm.s32 @p1 $0x1;
	p0 =	seq.s32 s7, s2  }
0x1e: {  	s7 =	smul.u32 @!p0 $0xF7A, s2;
	p2 =	seq.s32 @!p0 s5, $0x0  }
0x1f: {  	s9 =	smul.u32 $0xF7A, s1;
	s8 =	simm.s32 @!p0 $0x1BF5;
	p2 =	por !p2, p0  }
0x20: {  	[sflag:s8] =	ssyncset.s32 @!p0 $0xFFFFF086;
	s6 =	sadd.s32 @!p0 s3, s7;
	s7 =	simm.s32 @!p0 $0x108  }
0x21: {  	s3 =	sadd.s32 s3, s9;
	s6 =	sadd.s32 @!p0 $0x88, s6;
	s7 =	simm.s32 @p2 $0x1082  }
0x22: {  	[simem:s7], [sflag:s8] =	dma.local @!p0 [hbm:s6], $0xF7A  }
0x23: {  	s9 =	sor.u32 $0xD0000000, s2;
	s6 =	simm.s32 $0x108;
	_ =	swait.ge @!p0 [sflag:s8], $0x0  }
0x24: {  	s3 =	sadd.s32 $0x88, s3;
	s6 =	simm.s32 @!p1 $0x1082;
	[sflag:s4] =	ssyncset.s32 $0xFFFFF086  }
0x25: {  	[simem:s6], [sflag:s4] =	dma.local [hbm:s3], $0xF7A  }
0x26: {  	[smem:$0x3F8C] =	sst s1;
	(tag) =	ssettag s2;
	_ =	strace s9  }
0x27: {  	s1 =	sld [smem:$0x3F9C]  }
0x28: {  	s2 =	sld [smem:$0x3F9D]  }
0x29: {  	s4 =	sld [smem:$0x3F9F]  }
0x2a: {  	p0 =	seq.s32 s5, $0x0;
	s5 =	sld [smem:$0x3FA0]  }
0x2b: {  	s6 =	sld [smem:$0x3FA1]  }
0x2c: {  	s7 =	sld [smem:$0x3FA2]  }
0x2d: {  	s3 =	simm.s32 $0x108;
	s8 =	sld [smem:$0x3FA3]  }
0x2e: {  	s3 =	simm.s32 @!p0 $0x1082;
	s9 =	sld [smem:$0x3FA4]  }
0x2f: {  	lr =	sadd.s32 s0, s3;
	s0 =	sld [smem:$0x3F9B]  }
0x30: {  	s3 =	sld [smem:$0x3F9E]  }
0x31: {  	[smem:$0x3FA7] =	sst s10  }
0x32: {  	s10 =	sld [smem:$0x3FA5];
	_ =	sdelay $0x3  }
0x33: {  	p0 =	seq.s32 s10, $0x1;
	s10 =	sld [smem:$0x3FA7];
	_ =	sdelay $0x3  }
0x34: {  	[smem:$0x3FA7] =	sst s10  }
0x35: {  	s10 =	sld [smem:$0x3FA6];
	_ =	sdelay $0x3  }
0x36: {  	p1 =	seq.s32 s10, $0x1;
	s10 =	sld [smem:$0x3FA7];
	_ =	sdelay $0x3  }
0x37: {  	[smem:$0x3FA7] =	sst s10  }
0x38: {  	s10 =	sld [smem:$0x3FA8]  }
0x39: {  	_ = 	snop;
	(pc) =	sbr.ind lr, $3  }
0x3a: {  	_ = 	snop  }
0x3b: {  	_ = 	snop  }
0x3c: {  	p2 =	seq.s32 s10, $0x1;
	s10 =	sld [smem:$0x3FA7]  }
0x3d: {  	_ =	shalt  }
0x3e: {  	_ =	shalt  }
0x3f: {  	_ =	shalt  }
0x40: {  	_ =	shalt  }
0x41: {  	_ =	shalt  }
0x42: {  	_ =	shalt  }
0x43: {  	_ =	shalt  }
0x44: {  	_ =	shalt  }
0x45: {  	_ =	shalt  }
0x46: {  	_ =	shalt  }
0x47: {  	_ =	shalt  }
0x48: {  	_ =	shalt  }
0x49: {  	_ =	shalt  }
0x4a: {  	_ =	shalt  }
0x4b: {  	_ =	shalt  }
0x4c: {  	_ =	shalt  }
0x4d: {  	_ =	shalt  }
0x4e: {  	_ =	shalt  }
0x4f: {  	_ =	shalt  }
0x50: {  	_ =	shalt  }
0x51: {  	_ =	shalt  }
0x52: {  	_ =	shalt  }
0x53: {  	_ =	shalt  }
0x54: {  	_ =	shalt  }
0x55: {  	_ =	shalt  }
0x56: {  	_ =	shalt  }
0x57: {  	_ =	shalt  }
0x58: {  	_ =	shalt  }
0x59: {  	_ =	shalt  }
0x5a: {  	_ =	shalt  }
0x5b: {  	_ =	shalt  }
0x5c: {  	_ =	shalt  }
0x5d: {  	_ =	shalt  }
0x5e: {  	_ =	shalt  }
0x5f: {  	_ =	shalt  }
0x60: {  	_ =	shalt  }
0x61: {  	_ =	shalt  }
0x62: {  	_ =	shalt  }
0x63: {  	_ =	shalt  }
0x64: {  	_ =	shalt  }
0x65: {  	_ =	shalt  }
0x66: {  	_ =	shalt  }
0x67: {  	_ =	shalt  }
0x68: {  	_ =	shalt  }
0x69: {  	_ =	shalt  }
0x6a: {  	_ =	shalt  }
0x6b: {  	_ =	shalt  }
0x6c: {  	_ =	shalt  }
0x6d: {  	_ =	shalt  }
0x6e: {  	_ =	shalt  }
0x6f: {  	_ =	shalt  }
0x70: {  	_ =	shalt  }
0x71: {  	_ =	shalt  }
0x72: {  	_ =	shalt  }
0x73: {  	_ =	shalt  }
0x74: {  	_ =	shalt  }
0x75: {  	_ =	shalt  }
0x76: {  	_ =	shalt  }
0x77: {  	_ =	shalt  }
0x78: {  	_ =	shalt  }
0x79: {  	_ =	shalt  }
0x7a: {  	_ =	shalt  }
0x7b: {  	_ =	shalt  }
0x7c: {  	_ =	shalt  }
0x7d: {  	_ =	shalt  }
0x7e: {  	_ =	shalt  }
0x7f: {  	_ =	shalt  }
0x80: {  	_ =	shalt  }
0x81: {  	_ =	shalt  }
0x82: {  	_ =	shalt  }
0x83: {  	_ =	shalt  }
0x84: {  	_ =	shalt  }
0x85: {  	_ =	shalt  }
0x86: {  	_ =	shalt  }
0x87: {  	_ =	shalt  }
.Lfunc_end0:
.L_simem_size_0:
called_computation_lowered:
.L_overlay_start_0:
0x88: {  	s2 =	sld [smem:$0x3FD9]  }
0x89: {  	s3 =	sld [smem:$0x3FFE];
	_ =	sdelay $0x1  }
0x8a: {  	s1 =	srdreg.scid  }
0x8b: {  	s0 =	sand.u32 $0x1, s1  }
0x8c: {  	s17 =	sshll.u32 s0, $0xA;
	s2 =	sadd.s32 s3, s2  }
0x8d: {  	s2 =	sadd.s32 s2, s17  }
0x8e: {  	[smem:$0x3FB3] =	sst s2  }
0x8f: {  	_ = 	snop  }
0x90: {  	(tm) =	ssettm $0x1  }
0x91: {  	s18 =	sld [smem:$0x3FFB];
	_ =	sdelay $0x3  }
0x92: {  	_ =	strace s18  }
0x93: {  	s2 =	sld [smem:$0x3FFC];
	_ =	sdelay $0x3  }
0x94: {  	_ =	strace s2  }
0x95: {  	s2 =	sld [smem:$0x3FFD];
	_ =	sdelay $0x3  }
0x96: {  	_ =	strace s2  }
0x97: {  	_ =	strace $0x8FFFFFFF  }
0x98: {  	s19 =	sld [smem:$0x3FDB];
	_ =	sdelay $0x1  }
0x99: {  	s20 =	simm.s32 $_scs_section_size  }
0x9a: {  	s4 =	simm.s32 $_size__tile_overlayer_lowered;
	s5 =	simm.s32 $_tile_overlayer_lowered  }
0x9b: {  	s6 =	simm.s32 $0x1BFF;
	s21 =	sshll.u32 s5, $0x1;
	s3 =	sadd.s32 s20, s19  }
0x9c: {  	s22 =	simm.s32 $0x0;
	s4 =	sshll.u32 s4, $0x1;
	s5 =	sadd.s32 s21, s3  }
0x9d: {  	[timem:s22], [sflag:s6] =	dma.local [hbm:s5], s4  }
0x9e: {  	_ =	swait.ge [sflag:s6], s4  }
0x9f: {  	s4 =	ssub.s32 $0x0, s4;
	[sflag:s6] =	ssyncset.done $0x0  }
0xa0: {  	[sflag:s6] =	ssyncadd.s32 s4;
	_ =	sdelay $0x1  }
0xa1: {  	s23 =	simm.s32 $0x1B8B  }
0xa2: {  	_ =	swait.ge [sflag:s23], $0x1  }
0xa3: {  	[sflag:s23] =	ssyncset.done $0x0  }
0xa4: {  	[sflag:s23] =	ssyncadd.s32 $0xFFFFFFFF  }
0xa5: {  	s4 =	sld [smem:$0x0]  }
0xa6: {  	s5 =	sand.u32 $0xFFFFFFFE, s1  }
0xa7: {  	p0 =	sne.s32 s1, s5  }
0xa8: {  	s5 =	sshll.u32 @p0 s5, $0xE  }
0xa9: {  	s5 =	sadd.s32 @p0 $0x11B8D, s5;
	s6 =	sshll.u32 @p0 s4, $0x11  }
0xaa: {  	s5 =	sor.u32 @p0 s6, s5  }
0xab: {  	[sflag:s5] =	ssyncadd.remote.s32 @p0 $0x1;
	_ =	sdelay $0x1  }
0xac: {  	s5 =	simm.s32 @p0 $0x1B8D  }
0xad: {  	_ =	swait.eq @p0 [sflag:s5], $0x1  }
0xae: {  	[sflag:s5] =	ssyncadd.s32 @p0 $0xFFFFFFFF  }
0xaf: {  	s6 =	sshll.u32 @!p0 s1, $0xE  }
0xb0: {  	s6 =	sor.u32 @!p0 $0x4000, s6;
	s5 =	simm.s32 @!p0 $0x1B8D  }
0xb1: {  	s4 =	sshll.u32 @!p0 s4, $0x11;
	s6 =	sadd.s32 @!p0 $0x11B8D, s6;
	_ =	swait.eq @!p0 [sflag:s5], $0x1  }
0xb2: {  	s4 =	sor.u32 @!p0 s4, s6;
	[sflag:s5] =	ssyncadd.s32 @!p0 $0xFFFFFFFF  }
0xb3: {  	s25 =	simm.s32 $0x1B8E;
	s24 =	sld [smem:$0x3FFE];
	[sflag:s4] =	ssyncadd.remote.s32 @!p0 $0x1  }
0xb4: {  	s26 =	simm.s32 $execute0_lowered;
	[smem:$0x3FD2] =	sst s25  }
0xb5: {  	s5 =	sshll.u32 s26, $0x1;
	_ =	strace $0x80000049;
	[dreg:$0x1] =	wrdreg $0xFFFFFFFF  }
0xb6: {  	s28 =	simm.s32 $_size_execute0_lowered;
	s3 =	sadd.s32 s3, s5;
	[dreg:$0x0] =	wrdreg $0x0  }
0xb7: {  	s5 =	sshll.u32 s28, $0x1;
	[dreg:$0x2] =	wrdreg s3  }
0xb8: {  	[dreg:$0x3] =	wrdreg s5  }
0xb9: {  	[dreg:$0x4] =	wrdreg $0xC0  }
0xba: {  	_ =	task [dreg:s22], $0x5FFFF  }
0xbb: {  	[dreg:$0x1] =	wrdreg $0xFFFFFFFF  }
0xbc: {  	[dreg:$0x0] =	wrdreg $0x60  }
0xbd: {  	[dreg:$0x2] =	wrdreg s24  }
0xbe: {  	[dreg:$0x3] =	wrdreg $0x41800  }
0xbf: {  	[dreg:$0x4] =	wrdreg $0x9  }
0xc0: {  	_ =	task.clear_ibuf [dreg:s22], $0x5FFFF;
	_ =	strace $0x90000049  }
0xc1: {  	s29 =	simm.s32 $0x9;
	_ =	strace $0x8000004B  }
0xc2: {  	_ =	swait.ge [sflag:s29], $0x1  }
0xc3: {  	[sflag:s29] =	ssyncadd.s32 $0xFFFFFFFF  }
0xc4: {  	_ =	strace $0x9000004B  }
0xc5: {  	_ =	sfence  }
0xc6: {  	s30 =	sld [smem:$0x0];
	_ =	sdelay $0x2  }
0xc7: {  	s31 =	sshll.u32 s1, $0xD;
	s1 =	sshrl.u32 s1, $0x2  }
0xc8: {  	s4 =	sand.u32 $0x4000, s31;
	s1 =	sadd.s32 s1, s30  }
0xc9: {  	s0 =	sor.u32 s4, s0;
	s1 =	sshll.u32 s1, $0x11  }
0xca: {  	s0 =	sor.u32 s1, s0  }
0xcb: {  	s0 =	sadd.s32 $0x8F2B, s0  }
0xcc: {  	[sflag:s0] =	ssyncadd.remote.s32 $0x1  }
0xcd: {  	_ =	sfence.sel $0xFFFF  }
0xce: {  	[dreg:$0x0] =	wrdreg $0xFFFFFFFF;
	(pc) =	sbr.abs _section_cstart, $3  }
0xcf: {  	[dreg:$0x1] =	wrdreg $0xFFFFFFFF  }
0xd0: {  	_ =	task.clear_ibuf [dreg:s22], $0x2FFFF;
	_ =	strace $0x9FFFFFFF  }
0xd1: {  	(tm) =	ssettm $0x7FFFFFFF  }
tec
execute0_lowered:
.L_overlay_start_1:
0x0: {  	(tag) =	ssettag $0x1  }
0x1: {  	s7 =	rddreg [dreg:$0x0]  }
0x2: {  	s2 =	rddreg [dreg:$0x1];
	s3 =	simm.s32 $0x0  }
0x3: {  	s1 =	stileid.u32;
	s6 =	srdreg.scid;
	s17 =	simm.s32 $0x3  }
0x4: {  	s21 =	simm.s32 $0x80;
	s22 =	simm.s32 $0x1;
	s23 =	simm.s32 $0x4  }
0x5: {  	s24 =	simm.s32 $0x2;
	s28 =	simm.s32 $0x0;
	[smem:$0x7FF] =	sst s3  }
0x6: {  	s11 =	smul.u32 $0x2700, s1;
	s4 =	sadd.s32 $0x3E00, s7;
	s5 =	sadd.s32 $0x8CE00, s7  }
0x7: {  	s9 =	sand.u32 $0x1, s6;
	s12 =	smul.u32 $0x4E000, s1;
	s13 =	sadd.s32 $0x8D600, s7  }
0x8: {  	s20 =	sadd.s32 $0x138000, s2;
	s15 =	smul.u32 $0x2710, s1;
	p0 =	sne.s32 s1, $0xF  }
0x9: {  	s18 =	sshll.u32 s1, $0x6;
	_ =	strace $0x8000004A;
	s26 =	smul.u32 $0x27100, s9  }
0xa: {  	s6 =	ssub.s32 $0x2, s9;
	s10 =	sshll.u32 s9, $0x4;
	s16 =	smul.u32 $0x138800, s9  }
0xb: {  	s18 =	sor.u32 $0x1C03, s18;
	s20 =	sshrl.u32 @!p0 s20, $0x3;
	s8 =	sadd.s32 s11, s7  }
0xc: {  	s14 =	sshrl.u32 s6, $0x1;
	s10 =	sor.u32 s1, s10;
	s25 =	sshrl.u32 s12, $0x2  }
0xd: {  	s7 =	sadd.s32 $0x3EA00, s7;
	s14 =	ssub.s32 s6, s14;
	s10 =	smul.u32 $0x2710, s10  }
0xe: {  	s19 =	sadd.s32 s25, s2;
	s6 =	sadd.s32 $0x17A00, s8;
	s15 =	sadd.s32 s15, s26  }
0xf: {  	s11 =	sadd.s32 s11, s26;
	s30 =	sshrl.u32 s16, $0x3;
	s25 =	simm.s32 $0x100  }
0x10: {  	s26 =	simm.s32 $0x10;
	s31 =	sadd.s32 $0x180, s15;
	s11 =	sadd.s32 s13, s11  }
0x11: {  	s12 =	sadd.s32 s13, s30;
	s13 =	smax.u32 s14, $0x1;
	s15 =	sadd.s32 $0x100, s15  }
0x12: {  	s19 =	sshrl.u32 s19, $0x3;
	s29 =	sshrl.u32 s10, $0x3;
	s16 =	sshrl.u32 s31, $0x3  }
0x13: {  	s12 =	sadd.s32 $0x27000, s12;
	s8 =	sadd.s32 s4, s29;
	s14 =	sadd.s32 s16, s4  }
0x14: {  	s16 =	simm.s32 $0x180;
	s9 =	sadd.s32 $0x10, s8;
	s10 =	sadd.s32 $0x4E0, s8  }
.LBB2_1:
0x15: {  	[tilespmem:s16], [sflag:$0x3] =	stream.linear.gather [hbm4b:s5+s3], $0x4000, $0x38;
	[tilespmem:$0x17A00] =	vst v63  }
0x16: {  	_ =	swait.ge [sflag:s17], $0x4000  }
0x17: {  	[sflag:s17] =	ssyncset.done $0x0  }
0x18: {  	[sflag:s17] =	ssyncadd.s32 $0xFFFFC000  }
0x19: {  	[spmem:s19], [sflag:s18] =	dma.local [hbm:s6], $0x2700  }
0x1a: {  	_ =	swait.ge [sflag:s17], $0x2700  }
0x1b: {  	[sflag:s17] =	ssyncset.done $0x0  }
0x1c: {  	s29 =	simm.s32 @!p0 $0x3;
	[sflag:s17] =	ssyncadd.s32 $0xFFFFD900  }
0x1d: {  	[spmem:s20], [sflag:s18] =	dma.local @!p0 [hbm:s7], $0x100  }
0x1e: {  	_ =	swait.ge @!p0 [sflag:s29], $0x100  }
0x1f: {  	[sflag:s29] =	ssyncset.done @!p0 $0x0  }
0x20: {  	[sflag:s29] =	ssyncadd.s32 @!p0 $0xFFFFFF00  }
0x21: {  	[bflag:$0x0] =	sbarrier.arrive $0xFFFF  }
0x22: {  	[tilespmem:s3], [sflag:$0x3] =	stream.linear.gather [hbm4b:s8+s3], $0x80, $0x38;
	[tilespmem:$0x17A00] =	vst v63  }
0x23: {  	_ =	swait.ge [sflag:s17], $0x80  }
0x24: {  	[sflag:s17] =	ssyncset.done $0x0  }
0x25: {  	[sflag:s17] =	ssyncadd.s32 $0xFFFFFF80  }
0x26: {  	[tilespmem:s21], [sflag:$0x3] =	stream.linear.gather [hbm4b:s9+s3], $0x80, $0x38;
	[tilespmem:$0x17A00] =	vst v63  }
0x27: {  	_ =	swait.ge [sflag:s17], $0x80  }
0x28: {  	[sflag:s17] =	ssyncset.done $0x0  }
0x29: {  	[sflag:s17] =	ssyncadd.s32 $0xFFFFFF80  }
0x2a: {  	[spmem:s2] =	stream.indirect.scatter.add.f32 [tilespmem:s16], [sflag:$0x1], $0x80, s3, s21, $0xb8;
	[tilespmem:$0x17A00] =	vst v63  }
0x2b: {  	_ = 	snop  }
0x2c: {  	[spmem:s2] =	stream.indirect.scatter.add.f32 [tilespmem:s16], [sflag:$0x2], $0x80, s21, s21, $0xb8;
	[tilespmem:$0x17A00] =	vst v63  }
0x2d: {  	_ =	swait.ge [sflag:s22], $0x4000  }
0x2e: {  	s29 =	sshrl.u32 s15, $0x3;
	[sflag:s22] =	ssyncset.done $0x0  }
0x2f: {  	s29 =	sadd.s32 s4, s29;
	[sflag:s22] =	ssyncadd.s32 $0xFFFFC000  }
0x30: {  	[tilespmem:s3], [sflag:$0x4] =	stream.linear.gather [hbm4b:s29+s3], $0x80, $0x38;
	[tilespmem:$0x17A00] =	vst v63  }
0x31: {  	_ =	swait.ge [sflag:s23], $0x80  }
0x32: {  	[sflag:s23] =	ssyncset.done $0x0  }
0x33: {  	[sflag:s23] =	ssyncadd.s32 $0xFFFFFF80  }
0x34: {  	_ =	swait.ge [sflag:s24], $0x4000  }
0x35: {  	[sflag:s24] =	ssyncset.done $0x0  }
0x36: {  	s29 =	sadd.s32 $0x0, s14;
	[sflag:s24] =	ssyncadd.s32 $0xFFFFC000  }
0x37: {  	[tilespmem:s21], [sflag:$0x3] =	stream.linear.gather [hbm4b:s29+s3], $0x80, $0x38;
	[tilespmem:$0x17A00] =	vst v63  }
0x38: {  	_ =	swait.ge [sflag:s17], $0x80  }
0x39: {  	s30 =	smov.u32 s15;
	s29 =	simm.s32 $0x20;
	[sflag:s17] =	ssyncset.done $0x0  }
.LBB2_2:
0x3a: {  	p1 =	sne.s32 s29, $0x4A0;
	[sflag:s17] =	ssyncadd.s32 $0xFFFFFF80;
	s30 =	sadd.s32 $0x100, s30  }
0x3b: {  	[spmem:s2] =	stream.indirect.scatter.add.f32 [tilespmem:s16], [sflag:$0x1], $0x80, s3, s21, $0xb8;
	[tilespmem:$0x17A00] =	vst v63  }
0x3c: {  	s31 =	smov.u32 s29;
	s29 =	sadd.s32 $0x20, s29  }
0x3d: {  	[spmem:s2] =	stream.indirect.scatter.add.f32 [tilespmem:s16], [sflag:$0x2], $0x80, s21, s21, $0xb8;
	[tilespmem:$0x17A00] =	vst v63  }
0x3e: {  	_ =	swait.ge [sflag:s22], $0x4000  }
0x3f: {  	s0 =	sshrl.u32 s30, $0x3;
	[sflag:s22] =	ssyncset.done $0x0  }
0x40: {  	s0 =	sadd.s32 s4, s0;
	[sflag:s22] =	ssyncadd.s32 $0xFFFFC000  }
0x41: {  	[tilespmem:s3], [sflag:$0x4] =	stream.linear.gather [hbm4b:s0+s3], $0x80, $0x38;
	[tilespmem:$0x17A00] =	vst v63  }
0x42: {  	_ =	swait.ge [sflag:s23], $0x80  }
0x43: {  	[sflag:s23] =	ssyncset.done $0x0  }
0x44: {  	[sflag:s23] =	ssyncadd.s32 $0xFFFFFF80  }
0x45: {  	_ =	swait.ge [sflag:s24], $0x4000  }
.Ltmp0:
0x46: {  	[sflag:s24] =	ssyncset.done $0x0;
	(pc) =	sbr.rel @p1 .LBB2_2-.Ltmp0, $4  }
0x47: {  	s0 =	sadd.s32 s31, s14;
	[sflag:s24] =	ssyncadd.s32 $0xFFFFC000  }
0x48: {  	[tilespmem:s21], [sflag:$0x3] =	stream.linear.gather [hbm4b:s0+s3], $0x80, $0x38;
	[tilespmem:$0x17A00] =	vst v63  }
0x49: {  	_ =	swait.ge [sflag:s17], $0x80  }
0x4a: {  	[sflag:s17] =	ssyncset.done $0x0  }
0x4b: {  	[sflag:s17] =	ssyncadd.s32 $0xFFFFFF80  }
0x4c: {  	[spmem:s2] =	stream.indirect.scatter.add.f32 [tilespmem:s16], [sflag:$0x1], $0x80, s3, s21, $0xb8;
	[tilespmem:$0x17A00] =	vst v63  }
0x4d: {  	_ = 	snop  }
0x4e: {  	[spmem:s2] =	stream.indirect.scatter.add.f32 [tilespmem:s16], [sflag:$0x2], $0x80, s21, s21, $0xb8;
	[tilespmem:$0x17A00] =	vst v63  }
0x4f: {  	_ =	swait.ge [sflag:s22], $0x4000  }
0x50: {  	[sflag:s22] =	ssyncset.done $0x0  }
0x51: {  	[sflag:s22] =	ssyncadd.s32 $0xFFFFC000  }
0x52: {  	_ =	swait.ge [sflag:s24], $0x4000  }
0x53: {  	[sflag:s24] =	ssyncset.done $0x0  }
0x54: {  	[sflag:s24] =	ssyncadd.s32 $0xFFFFC000  }
0x55: {  	[tilespmem:s25], [sflag:$0x3] =	stream.linear.gather [hbm4b:s10+s3], $0x10, $0x38;
	[tilespmem:$0x17A00] =	vst v63  }
0x56: {  	_ =	swait.ge [sflag:s17], $0x10  }
0x57: {  	[sflag:s17] =	ssyncset.done $0x0  }
0x58: {  	[sflag:s17] =	ssyncadd.s32 $0xFFFFFFF0  }
0x59: {  	[spmem:s2] =	stream.indirect.scatter.add.f32 [tilespmem:s16], [sflag:$0x3], $0x80, s25, s26, $0xb8;
	[tilespmem:$0x17A00] =	vst v63  }
0x5a: {  	_ =	swait.ge [sflag:s17], $0x800  }
0x5b: {  	[sflag:s17] =	ssyncset.done $0x0  }
0x5c: {  	[sflag:s17] =	ssyncadd.s32 $0xFFFFF800  }
0x5d: {  	[bflag:$0x0] =	sbarrier.arrive $0xFFFF  }
0x5e: {  	[hbm:s11], [sflag:s18] =	dma.local [spmem:s19], $0x2700  }
0x5f: {  	s28 =	sadd.s32 $0x1, s28;
	_ =	swait.ge [sflag:s17], $0x2700  }
0x60: {  	p1 =	sne.s32 s28, s13;
	[sflag:s17] =	ssyncset.done $0x0  }
.Ltmp1:
0x61: {  	s0 =	simm.s32 @!p0 $0x3;
	[sflag:s17] =	ssyncadd.s32 $0xFFFFD900;
	(pc) =	sbr.rel @p1 .LBB2_1-.Ltmp1, $4  }
0x62: {  	[hbm:s12], [sflag:s18] =	dma.local @!p0 [spmem:s20], $0x100  }
0x63: {  	_ =	swait.ge @!p0 [sflag:s0], $0x100  }
0x64: {  	[sflag:s0] =	ssyncset.done @!p0 $0x0  }
0x65: {  	[sflag:s0] =	ssyncadd.s32 @!p0 $0xFFFFFF00  }
0x66: {  	_ =	sfence.sel $0x180000  }
0x67: {  	[bflag:$0x0] =	sbarrier.arrive $0xFFFF  }
0x68: {  	_ =	strace $0x9000004A  }
0x69: {  	[bflag:$0x2] =	sbarrier.arrive $0xFFFF  }
0x6a: {  	p0 =	sne.s32 s1, $0x0;
	s0 =	rddreg [dreg:$0x2]  }
0x6b: {  	s0 =	sadd.s32 @!p0 $0x100000, s0  }
0x6c: {  	[sflag:s0] =	ssyncadd.tile.s32 @!p0 $0x1;
	_ =	shalt  }
.Lfunc_end2:
_tile_overlayer_lowered:
.L_overlay_start_2:
0x6d: {  	(tag) =	ssettag $0x2  }
0x6e: {  	s0 =	rddreg [dreg:$0x0];
	s2 =	stileid.u32  }
0x6f: {  	s1 =	rddreg [dreg:$0x1];
	p0 =	sne.s32 s2, $0x0  }
0x70: {  	s3 =	rddreg [dreg:$0x2];
	[bflag:$0x3] =	sbarrier.arrive $0xFFFF;
	s2 =	simm.s32 @!p0 $0x1C03  }
0x71: {  	[timem:s3], [sflag:s2] =	dma.local @!p0 [hbm:s0], s1  }
0x72: {  	s0 =	simm.s32 @!p0 $0x3  }
0x73: {  	_ =	swait.ge @!p0 [sflag:s0], s1  }
0x74: {  	s1 =	ssub.s32 @!p0 $0x0, s1;
	[sflag:s0] =	ssyncset.done @!p0 $0x0  }
0x75: {  	[sflag:s0] =	ssyncadd.s32 @!p0 s1  }
0x76: {  	[bflag:$0x3] =	sbarrier.arrive $0xFFFF  }
0x77: {  	_ =	shalt  }

</sc_bundles>
